<compile_context>
chip_gen: v7x
topology: tpu7x:2x2x1
jax: 0.10.2.dev20260603
libtpu: 0.0.44.dev20260713+nightly
codegen_flags: <defaults>
</compile_context>

<pallas_src>
import functools

import jax
import jax.numpy as jnp
from jax import lax
from jax.experimental import pallas as pl
from jax.experimental.pallas import tpu as pltpu
from jax.experimental.pallas import tpu_sc as plsc

_N = 10000
_E = 320000
_D = 128
_H = 8
_F = 32
_G = 32
_PH = 512
_SLOPE = 0.2

_HF = _H * _F
_HALF = _HF // 2
_ROW = 144
_ERW = 16
_NC, _NS = 2, 16
_K = 80
_EPT = _E // _NS
_NWIN = _EPT // _K
_ACCN = 10240


_BN = 1000


def _proj_body(x_ref, w_ref, al_ref, ar_ref, tlo_ref, thi_ref, er_ref):
    h = jnp.dot(x_ref[...], w_ref[...], preferred_element_type=jnp.float32)
    el = jnp.dot(h, al_ref[...], preferred_element_type=jnp.float32,
                 precision=lax.Precision.HIGHEST)
    er = jnp.dot(h, ar_ref[...], preferred_element_type=jnp.float32,
                 precision=lax.Precision.HIGHEST)
    pad12 = jnp.zeros((_BN, 12), jnp.float32)
    tlo_ref[...] = jnp.concatenate([h[:, :_HALF], el[:, :4], pad12], axis=1)
    thi_ref[...] = jnp.concatenate([h[:, _HALF:], el[:, 4:], pad12], axis=1)
    er_ref[...] = jnp.concatenate([er, jnp.zeros((_BN, 8), jnp.float32)],
                                  axis=1)


_proj = pl.pallas_call(
    _proj_body,
    grid=(_N // _BN,),
    in_specs=[
        pl.BlockSpec((_BN, _D), lambda i: (i, 0)),
        pl.BlockSpec((_D, _HF), lambda i: (0, 0)),
        pl.BlockSpec((_HF, _H), lambda i: (0, 0)),
        pl.BlockSpec((_HF, _H), lambda i: (0, 0)),
    ],
    out_specs=[
        pl.BlockSpec((_BN, _ROW), lambda i: (i, 0)),
        pl.BlockSpec((_BN, _ROW), lambda i: (i, 0)),
        pl.BlockSpec((_BN, _ERW), lambda i: (i, 0)),
    ],
    out_shape=[
        jax.ShapeDtypeStruct((_N, _ROW), jnp.float32),
        jax.ShapeDtypeStruct((_N, _ROW), jnp.float32),
        jax.ShapeDtypeStruct((_N, _ERW), jnp.float32),
    ],
)


def _exp16(e):
    t = e * 1.4426950408889634
    half = jnp.where(t >= 0.0, 0.5, -0.5)
    k = (t + half).astype(jnp.int32)
    kc = jnp.clip(k, -126, 127)
    z = (t - kc.astype(jnp.float32)) * 0.6931471805599453
    p = jnp.float32(1.0 / 720.0)
    p = p * z + jnp.float32(1.0 / 120.0)
    p = p * z + jnp.float32(1.0 / 24.0)
    p = p * z + jnp.float32(1.0 / 6.0)
    p = p * z + jnp.float32(0.5)
    p = p * z + jnp.float32(1.0)
    p = p * z + jnp.float32(1.0)
    scale = lax.bitcast_convert_type((kc + 127) << 23, jnp.float32)
    return p * scale


def _edge_body(tlo, thi, ertab, src_hbm, dst_hbm, out_hbm,
               src_v, dst_v, rows_v, er_v, msg_v, eex_v, acc,
               sem_r, sem_e):
    c = lax.axis_index("c")
    s = lax.axis_index("s")
    iota16 = lax.iota(jnp.int32, 16)
    zero16 = jnp.zeros((16,), jnp.float32)

    def _zrow(i, carry):
        for q in range(_ROW // 16):
            msg_v[i, pl.ds(q * 16, 16)] = zero16
        return carry

    lax.fori_loop(0, _K, _zrow, 0)

    def _zacc(k, carry):
        pltpu.sync_copy(msg_v, acc.at[pl.ds(s * 640 + k * _K, _K)])
        return carry

    lax.fori_loop(0, 640 // _K, _zacc, 0)
    plsc.subcore_barrier()

    hoff = c * 4

    def _window(w, carry):
        base = s * _EPT + w * _K
        pltpu.sync_copy(src_hbm.at[pl.ds(base, _K)], src_v)
        pltpu.sync_copy(dst_hbm.at[pl.ds(base, _K)], dst_v)
        cp_er = pltpu.async_copy(ertab.at[dst_v], er_v, sem_e)

        @pl.when(c == 0)
        def _():
            pltpu.async_copy(tlo.at[src_v], rows_v, sem_r).wait()

        @pl.when(c == 1)
        def _():
            pltpu.async_copy(thi.at[src_v], rows_v, sem_r).wait()

        cp_er.wait()

        def _sub(j, carry2):
            rbase = j * 16
            ridx = rbase + iota16
            exs = []
            for hh in range(4):
                col = jnp.full((16,), _HALF + hh, jnp.int32)
                elh = plsc.load_gather(rows_v, [ridx, col])
                ecol = jnp.full((16,), hh, jnp.int32) + hoff
                erh = plsc.load_gather(er_v, [ridx, ecol])
                e = elh + erh
                e = jnp.where(e > 0.0, e, _SLOPE * e)
                ex = _exp16(e)
                eex_v[hh] = ex
                exs.append(ex)
            for l in range(16):
                r = rbase + l
                lv = jnp.full((16,), l, jnp.int32)
                sp = [jnp.full((16,),
                               jnp.sum(jnp.where(iota16 == l, exs[hh], 0.0)),
                               jnp.float32)
                      for hh in range(4)]
                for q in range(8):
                    hv = rows_v[r, pl.ds(q * 16, 16)]
                    msg_v[r, pl.ds(q * 16, 16)] = hv * sp[q // 2]
                v9 = plsc.load_gather(eex_v, [iota16 & 3, lv])
                v9 = jnp.where(iota16 < 4, v9, 0.0)
                msg_v[r, pl.ds(_HALF, 16)] = v9
            return carry2

        lax.fori_loop(0, _K // 16, _sub, 0)
        pltpu.sync_copy(msg_v, acc.at[dst_v], add=True)
        return carry

    lax.fori_loop(0, _NWIN, _window, 0)
    plsc.subcore_barrier()

    @pl.when(s == 0)
    def _():
        pltpu.sync_copy(acc.at[pl.ds(0, _N)], out_hbm.at[c])


@functools.cache
def _make_edge():
  return functools.partial(
    pl.kernel,
    out_type=jax.ShapeDtypeStruct((_NC, _N, _ROW), jnp.float32),
    mesh=plsc.VectorSubcoreMesh(
        core_axis_name="c", subcore_axis_name="s",
        num_cores=_NC, num_subcores=_NS),
    compiler_params=pltpu.CompilerParams(
        use_tc_tiling_on_sc=False, needs_layout_passes=False),
    scratch_types=[
        pltpu.VMEM((_K,), jnp.int32),
        pltpu.VMEM((_K,), jnp.int32),
        pltpu.VMEM((_K, _ROW), jnp.float32),
        pltpu.VMEM((_K, _ERW), jnp.float32),
        pltpu.VMEM((_K, _ROW), jnp.float32),
        pltpu.VMEM((4, 16), jnp.float32),
        pltpu.VMEM_SHARED((_ACCN, _ROW), jnp.float32),
        pltpu.SemaphoreType.DMA,
        pltpu.SemaphoreType.DMA,
    ],
  )(_edge_body)


def _readout_body(acc_ref, gid_ref, w1_ref, b1_ref, w2_ref, b2_ref, out_ref):
    feats = []
    for c in range(2):
        a = acc_ref[c]
        for hh in range(4):
            den = a[:, _HALF + hh:_HALF + hh + 1] + 1e-9
            feats.append(a[:, hh * _F:(hh + 1) * _F] / den)
    feat = jnp.concatenate(feats, axis=1)
    gid = gid_ref[...]
    gi = lax.broadcasted_iota(jnp.int32, (_G, _N), 0)
    og = (jnp.broadcast_to(gid, (_G, _N)) == gi).astype(jnp.float32)
    sums = jnp.dot(og, feat, preferred_element_type=jnp.float32,
                   precision=lax.Precision.HIGHEST)
    cnts = jnp.sum(og, axis=1, keepdims=True)
    pooled = sums / jnp.maximum(cnts, 1.0)
    hid = jnp.maximum(
        jnp.dot(pooled, w1_ref[...], preferred_element_type=jnp.float32,
                precision=lax.Precision.HIGHEST)
        + b1_ref[...], 0.0)
    pred = jnp.sum(hid * w2_ref[...], axis=1, keepdims=True)
    out_ref[...] = pred + b2_ref[...]


_readout = pl.pallas_call(
    _readout_body,
    out_shape=jax.ShapeDtypeStruct((_G, 1), jnp.float32),
)


_DBG_JNP_READOUT = False
_DBG_JNP_EDGE = False


def kernel(x, edge_index, graph_ids, W, attn_l, attn_r, W1, b1, W2, b2):
    src = edge_index[0].astype(jnp.int32)
    dst = edge_index[1].astype(jnp.int32)
    blk = (jnp.arange(_HF)[:, None] // _F == jnp.arange(_H)[None, :])
    almat = jnp.where(blk, attn_l.reshape(_HF)[:, None], 0.0)
    armat = jnp.where(blk, attn_r.reshape(_HF)[:, None], 0.0)
    tlo, thi, ertab = _proj(x, W, almat, armat)
    if _DBG_JNP_EDGE:
        h2 = jnp.concatenate([tlo[:, :_HALF], thi[:, :_HALF]], 1)
        el2 = jnp.concatenate([tlo[:, _HALF:_HALF + 4],
                               thi[:, _HALF:_HALF + 4]], 1)
        er2 = ertab[:, :_H]
        e2 = el2[src] + er2[dst]
        e2 = jnp.where(e2 > 0, e2, _SLOPE * e2)
        ee = jnp.exp(e2)
        dn = jax.ops.segment_sum(ee, dst, num_segments=_N)
        nm = jax.ops.segment_sum(
            (ee[:, :, None] * h2[src].reshape(_E, _H, _F)).reshape(_E, _HF),
            dst, num_segments=_N)
        pad = jnp.zeros((_N, 12), jnp.float32)
        acc = jnp.stack([
            jnp.concatenate([nm[:, :_HALF], dn[:, :4], pad], 1),
            jnp.concatenate([nm[:, _HALF:], dn[:, 4:], pad], 1)])
    else:
        acc = _make_edge()(tlo, thi, ertab, src, dst)
    if _DBG_JNP_READOUT:
        num = jnp.concatenate([acc[0, :, :_HALF], acc[1, :, :_HALF]], 1)
        den = jnp.concatenate([acc[0, :, _HALF:_HALF + 4],
                               acc[1, :, _HALF:_HALF + 4]], 1)
        feat = num / (jnp.repeat(den, _F, axis=1) + 1e-9)
        sums = jax.ops.segment_sum(feat, graph_ids, num_segments=_G)
        cnts = jax.ops.segment_sum(jnp.ones((_N, 1), jnp.float32),
                                   graph_ids, num_segments=_G)
        pooled = sums / jnp.maximum(cnts, 1.0)
        hid = jax.nn.relu(pooled @ W1 + b1)
        return hid @ W2 + b2
    gid = graph_ids.astype(jnp.int32).reshape(1, _N)
    return _readout(acc, gid, W1, b1.reshape(1, _PH), W2.reshape(1, _PH),
                    b2.reshape(1, 1))

# --- scband reference (transcript-rebuilt; emitter-appended) ---
"""Pipeline reference for scband-gatmodel-39960375722435 (READ-ONLY COPY).

The authoritative reference and input builder live on the scoring server;
editing this copy changes nothing except your own understanding.
"""

import jax, jax.numpy as jnp
import numpy as np

N = 10000
E = 320000
D = 128
H = 8
F = 32
G = 32
PH = 512
NEG_SLOPE = 0.2


def setup_inputs(seed: int = 0) -> dict:
    key = jax.random.key(seed)
    ks = jax.random.split(key, 10)
    x = jax.random.normal(ks[0], (N, D), dtype=jnp.float32)
    edge_index = jax.random.randint(ks[1], (2, E), 0, N)
    graph_ids = jnp.sort(jax.random.randint(ks[2], (N,), 0, G))
    W = jax.random.normal(ks[3], (D, H * F), dtype=jnp.float32) * 0.05
    attn_l = jax.random.normal(ks[4], (H, F), dtype=jnp.float32) * 0.05
    attn_r = jax.random.normal(ks[5], (H, F), dtype=jnp.float32) * 0.05
    W1 = jax.random.normal(ks[6], (H * F, PH), dtype=jnp.float32) * 0.05
    b1 = jnp.zeros((PH,), dtype=jnp.float32)
    W2 = jax.random.normal(ks[7], (PH, 1), dtype=jnp.float32) * 0.05
    b2 = jnp.zeros((1,), dtype=jnp.float32)
    return {"x": x, "edge_index": edge_index, "graph_ids": graph_ids, "W": W, "attn_l": attn_l, "attn_r": attn_r, "W1": W1, "b1": b1, "W2": W2, "b2": b2}


def reference(x, edge_index, graph_ids, W, attn_l, attn_r, W1, b1, W2, b2):
    src = edge_index[0]
    dst = edge_index[1]
    # GATConv (DGL semantics): project, per-head additive attention, edge softmax over dst
    h = (x @ W).reshape(N, H, F)
    el = jnp.sum(h * attn_l[None, :, :], axis=-1)  # [N, H]
    er = jnp.sum(h * attn_r[None, :, :], axis=-1)  # [N, H]
    e = el[src] + er[dst]  # [E, H]
    e = jnp.where(e > 0, e, NEG_SLOPE * e)  # leaky_relu
    emax = jax.ops.segment_max(e, dst, num_segments=N)
    emax = jnp.where(jnp.isfinite(emax), emax, 0.0)
    eexp = jnp.exp(e - emax[dst])
    denom = jax.ops.segment_sum(eexp, dst, num_segments=N)
    alpha = eexp / (denom[dst] + 1e-9)  # [E, H]
    msg = h[src] * alpha[:, :, None]  # [E, H, F]
    out = jax.ops.segment_sum(msg, dst, num_segments=N)  # [N, H, F]
    # attn_agg_mode='concat' -> flatten heads
    feat = out.reshape(N, H * F)
    # AvgPooling readout over batched graphs
    sums = jax.ops.segment_sum(feat, graph_ids, num_segments=G)
    cnts = jax.ops.segment_sum(jnp.ones((N, 1), jnp.float32), graph_ids, num_segments=G)
    pooled = sums / jnp.maximum(cnts, 1.0)
    # predictor MLP
    hid = jax.nn.relu(pooled @ W1 + b1)
    pred = hid @ W2 + b2  # linear activation (regression)
    return pred

if __name__ == "__main__":
    import jax
    _d = setup_inputs()
    print(jax.jit(kernel)(*tuple(_d.values())))

</pallas_src>

<mosaic_0001>
#map = affine_map<(d0, d1) -> (0, 0)>
#map1 = affine_map<(d0, d1) -> (0)>
#map2 = affine_map<(d0, d1) -> (0, 0, 0)>
module attributes {stable_mosaic.version = 14 : i64} {
  func.func @_edge_body(%arg0: i32, %arg1: i32, %arg2: memref<10000x144xf32, #tpu.memory_space<hbm>>, %arg3: memref<10000x144xf32, #tpu.memory_space<hbm>>, %arg4: memref<10000x16xf32, #tpu.memory_space<hbm>>, %arg5: memref<320000xi32, #tpu.memory_space<hbm>>, %arg6: memref<320000xi32, #tpu.memory_space<hbm>>, %arg7: memref<2x10000x144xf32, #tpu.memory_space<hbm>>, %arg8: memref<80xi32, #tpu.memory_space<vmem>>, %arg9: memref<80xi32, #tpu.memory_space<vmem>>, %arg10: memref<80x144xf32, #tpu.memory_space<vmem>>, %arg11: memref<80x16xf32, #tpu.memory_space<vmem>>, %arg12: memref<80x144xf32, #tpu.memory_space<vmem>>, %arg13: memref<4x16xf32, #tpu.memory_space<vmem>>, %arg14: memref<10240x144xf32, #tpu.memory_space<vmem_shared>>, %arg15: memref<!tpu.dma_semaphore, #tpu.memory_space<semaphore_mem>>, %arg16: memref<!tpu.dma_semaphore, #tpu.memory_space<semaphore_mem>>) attributes {dimension_semantics = [#tpu.dimension_semantics<core_parallel>, #tpu.dimension_semantics<subcore_parallel>], iteration_bounds = array<i64: 2, 16>, scalar_prefetch = 0 : i64, scratch_operands = 9 : i64, tpu.core_type = #tpu.core_type<sc_vector_subcore>, window_params = [{transform_indices = #map}, {transform_indices = #map}, {transform_indices = #map}, {transform_indices = #map1}, {transform_indices = #map1}, {transform_indices = #map2}]} {
    %iota3A = tpu.iota {dimensions = array<i32: 0>} : vector<16xi32>
    %broadcast_in_dim3A = arith.constant 0.000000e+00 : f32
    %broadcast_in_dim3A_0 = vector.broadcast %broadcast_in_dim3A : f32 to vector<16xf32>
    %scan3A = arith.constant 0 : i32
    %scan3A_1 = arith.constant 0 : i32
    %scan3A_2 = arith.constant 80 : i32
    %scan3A_3 = arith.addi %scan3A_1, %scan3A_2 : i32
    %scan3A_4 = arith.constant 1 : i32
    scf.for %scan3A_22 = %scan3A_1 to %scan3A_3 step %scan3A_4  : i32 {
      %swap3A = arith.index_cast %scan3A_22 : i32 to index
      %swap3A_23 = arith.constant 0 : index
      %swap3A_24 = tpu.vector_load %arg12[%swap3A, %swap3A_23] {strides = array<i32>} : memref<80x144xf32, #tpu.memory_space<vmem>>, vector<16xf32>,
      tpu.vector_store %arg12[%swap3A, %swap3A_23], %broadcast_in_dim3A_0 {strides = array<i32>} : memref<80x144xf32, #tpu.memory_space<vmem>>, vector<16xf32>,
      %swap3A_25 = arith.index_cast %scan3A_22 : i32 to index
      %swap3A_26 = arith.constant 16 : index
      %swap3A_27 = tpu.vector_load %arg12[%swap3A_25, %swap3A_26] {strides = array<i32>} : memref<80x144xf32, #tpu.memory_space<vmem>>, vector<16xf32>,
      tpu.vector_store %arg12[%swap3A_25, %swap3A_26], %broadcast_in_dim3A_0 {strides = array<i32>} : memref<80x144xf32, #tpu.memory_space<vmem>>, vector<16xf32>,
      %swap3A_28 = arith.index_cast %scan3A_22 : i32 to index
      %swap3A_29 = arith.constant 32 : index
      %swap3A_30 = tpu.vector_load %arg12[%swap3A_28, %swap3A_29] {strides = array<i32>} : memref<80x144xf32, #tpu.memory_space<vmem>>, vector<16xf32>,
      tpu.vector_store %arg12[%swap3A_28, %swap3A_29], %broadcast_in_dim3A_0 {strides = array<i32>} : memref<80x144xf32, #tpu.memory_space<vmem>>, vector<16xf32>,
      %swap3A_31 = arith.index_cast %scan3A_22 : i32 to index
      %swap3A_32 = arith.constant 48 : index
      %swap3A_33 = tpu.vector_load %arg12[%swap3A_31, %swap3A_32] {strides = array<i32>} : memref<80x144xf32, #tpu.memory_space<vmem>>, vector<16xf32>,
      tpu.vector_store %arg12[%swap3A_31, %swap3A_32], %broadcast_in_dim3A_0 {strides = array<i32>} : memref<80x144xf32, #tpu.memory_space<vmem>>, vector<16xf32>,
      %swap3A_34 = arith.index_cast %scan3A_22 : i32 to index
      %swap3A_35 = arith.constant 64 : index
      %swap3A_36 = tpu.vector_load %arg12[%swap3A_34, %swap3A_35] {strides = array<i32>} : memref<80x144xf32, #tpu.memory_space<vmem>>, vector<16xf32>,
      tpu.vector_store %arg12[%swap3A_34, %swap3A_35], %broadcast_in_dim3A_0 {strides = array<i32>} : memref<80x144xf32, #tpu.memory_space<vmem>>, vector<16xf32>,
      %swap3A_37 = arith.index_cast %scan3A_22 : i32 to index
      %swap3A_38 = arith.constant 80 : index
      %swap3A_39 = tpu.vector_load %arg12[%swap3A_37, %swap3A_38] {strides = array<i32>} : memref<80x144xf32, #tpu.memory_space<vmem>>, vector<16xf32>,
      tpu.vector_store %arg12[%swap3A_37, %swap3A_38], %broadcast_in_dim3A_0 {strides = array<i32>} : memref<80x144xf32, #tpu.memory_space<vmem>>, vector<16xf32>,
      %swap3A_40 = arith.index_cast %scan3A_22 : i32 to index
      %swap3A_41 = arith.constant 96 : index
      %swap3A_42 = tpu.vector_load %arg12[%swap3A_40, %swap3A_41] {strides = array<i32>} : memref<80x144xf32, #tpu.memory_space<vmem>>, vector<16xf32>,
      tpu.vector_store %arg12[%swap3A_40, %swap3A_41], %broadcast_in_dim3A_0 {strides = array<i32>} : memref<80x144xf32, #tpu.memory_space<vmem>>, vector<16xf32>,
      %swap3A_43 = arith.index_cast %scan3A_22 : i32 to index
      %swap3A_44 = arith.constant 112 : index
      %swap3A_45 = tpu.vector_load %arg12[%swap3A_43, %swap3A_44] {strides = array<i32>} : memref<80x144xf32, #tpu.memory_space<vmem>>, vector<16xf32>,
      tpu.vector_store %arg12[%swap3A_43, %swap3A_44], %broadcast_in_dim3A_0 {strides = array<i32>} : memref<80x144xf32, #tpu.memory_space<vmem>>, vector<16xf32>,
      %swap3A_46 = arith.index_cast %scan3A_22 : i32 to index
      %swap3A_47 = arith.constant 128 : index
      %swap3A_48 = tpu.vector_load %arg12[%swap3A_46, %swap3A_47] {strides = array<i32>} : memref<80x144xf32, #tpu.memory_space<vmem>>, vector<16xf32>,
      tpu.vector_store %arg12[%swap3A_46, %swap3A_47], %broadcast_in_dim3A_0 {strides = array<i32>} : memref<80x144xf32, #tpu.memory_space<vmem>>, vector<16xf32>,
    }
    %scan3A_5 = arith.constant 80 : i32
    %scan3A_6 = arith.constant 0 : i32
    %scan3A_7 = arith.constant 0 : i32
    %scan3A_8 = arith.constant 8 : i32
    %scan3A_9 = arith.addi %scan3A_7, %scan3A_8 : i32
    %scan3A_10 = arith.constant 1 : i32
    scf.for %scan3A_22 = %scan3A_7 to %scan3A_9 step %scan3A_10  : i32 {
      %mul3A_23 = arith.constant 640 : i32
      %mul3A_24 = arith.muli %arg1, %mul3A_23 : i32
      %mul3A_25 = arith.constant 80 : i32
      %mul3A_26 = arith.muli %scan3A_22, %mul3A_25 : i32
      %add3A = arith.addi %mul3A_24, %mul3A_26 : i32
      "tpu.region"() ({
        %run_scoped3A = tpu.sem_alloc : memref<!tpu.dma_semaphore, #tpu.memory_space<semaphore_mem>>
        %dma_start3A = arith.constant 0 : i32
        %dma_start3A_27 = tpu.memref_slice %arg14[%add3A, %dma_start3A] : memref<10240x144xf32, #tpu.memory_space<vmem_shared>> -> memref<80x144xf32, #tpu.memory_space<vmem_shared>>
        %dma_start3A_28 = arith.constant 0 : i32
        %dma_start3A_29 = tpu.memref_slice %arg14[%add3A, %dma_start3A_28] : memref<10240x144xf32, #tpu.memory_space<vmem_shared>> -> memref<80x144xf32, #tpu.memory_space<vmem_shared>>
        tpu.enqueue_dma source(%arg12 : memref<80x144xf32, #tpu.memory_space<vmem>>) target(%dma_start3A_29 : memref<80x144xf32, #tpu.memory_space<vmem_shared>>) target_semaphore(%run_scoped3A : memref<!tpu.dma_semaphore, #tpu.memory_space<semaphore_mem>>)
        %dma_wait3A = arith.constant 0 : i32
        %dma_wait3A_30 = tpu.memref_slice %arg14[%add3A, %dma_wait3A] : memref<10240x144xf32, #tpu.memory_space<vmem_shared>> -> memref<80x144xf32, #tpu.memory_space<vmem_shared>>
        %dma_wait3A_31 = arith.constant 0 : i32
        %dma_wait3A_32 = tpu.memref_slice %arg14[%add3A, %dma_wait3A_31] : memref<10240x144xf32, #tpu.memory_space<vmem_shared>> -> memref<80x144xf32, #tpu.memory_space<vmem_shared>>
        tpu.wait_dma2 semaphore(%run_scoped3A : memref<!tpu.dma_semaphore, #tpu.memory_space<semaphore_mem>>) src(%arg12 : memref<80x144xf32, #tpu.memory_space<vmem>>) dst(%dma_wait3A_32 : memref<80x144xf32, #tpu.memory_space<vmem_shared>>)
        tpu.yield
      }) : () -> ()
    }
    %scan3A_11 = arith.constant 8 : i32
    %barrier3A = arith.constant 0 : index
    tpu.barrier barrier_id(%barrier3A)
    %mul3A = arith.constant 4 : i32
    %mul3A_12 = arith.muli %arg0, %mul3A : i32
    %scan3A_13 = arith.constant 0 : i32
    %scan3A_14 = arith.constant 0 : i32
    %scan3A_15 = arith.constant 250 : i32
    %scan3A_16 = arith.addi %scan3A_14, %scan3A_15 : i32
    %scan3A_17 = arith.constant 1 : i32
    scf.for %scan3A_22 = %scan3A_14 to %scan3A_16 step %scan3A_17  : i32 {
      %mul3A_23 = arith.constant 20000 : i32
      %mul3A_24 = arith.muli %arg1, %mul3A_23 : i32
      %mul3A_25 = arith.constant 80 : i32
      %mul3A_26 = arith.muli %scan3A_22, %mul3A_25 : i32
      %add3A = arith.addi %mul3A_24, %mul3A_26 : i32
      "tpu.region"() ({
        %run_scoped3A = tpu.sem_alloc : memref<!tpu.dma_semaphore, #tpu.memory_space<semaphore_mem>>
        %dma_start3A_47 = tpu.memref_slice %arg5[%add3A] : memref<320000xi32, #tpu.memory_space<hbm>> -> memref<80xi32, #tpu.memory_space<hbm>>
        %dma_start3A_48 = tpu.memref_slice %arg5[%add3A] : memref<320000xi32, #tpu.memory_space<hbm>> -> memref<80xi32, #tpu.memory_space<hbm>>
        tpu.enqueue_dma source(%dma_start3A_48 : memref<80xi32, #tpu.memory_space<hbm>>) target(%arg8 : memref<80xi32, #tpu.memory_space<vmem>>) target_semaphore(%run_scoped3A : memref<!tpu.dma_semaphore, #tpu.memory_space<semaphore_mem>>)
        %dma_wait3A_49 = tpu.memref_slice %arg5[%add3A] : memref<320000xi32, #tpu.memory_space<hbm>> -> memref<80xi32, #tpu.memory_space<hbm>>
        %dma_wait3A_50 = tpu.memref_slice %arg5[%add3A] : memref<320000xi32, #tpu.memory_space<hbm>> -> memref<80xi32, #tpu.memory_space<hbm>>
        tpu.wait_dma2 semaphore(%run_scoped3A : memref<!tpu.dma_semaphore, #tpu.memory_space<semaphore_mem>>) src(%dma_wait3A_50 : memref<80xi32, #tpu.memory_space<hbm>>) dst(%arg8 : memref<80xi32, #tpu.memory_space<vmem>>)
        tpu.yield
      }) : () -> ()
      "tpu.region"() ({
        %run_scoped3A = tpu.sem_alloc : memref<!tpu.dma_semaphore, #tpu.memory_space<semaphore_mem>>
        %dma_start3A_47 = tpu.memref_slice %arg6[%add3A] : memref<320000xi32, #tpu.memory_space<hbm>> -> memref<80xi32, #tpu.memory_space<hbm>>
        %dma_start3A_48 = tpu.memref_slice %arg6[%add3A] : memref<320000xi32, #tpu.memory_space<hbm>> -> memref<80xi32, #tpu.memory_space<hbm>>
        tpu.enqueue_dma source(%dma_start3A_48 : memref<80xi32, #tpu.memory_space<hbm>>) target(%arg9 : memref<80xi32, #tpu.memory_space<vmem>>) target_semaphore(%run_scoped3A : memref<!tpu.dma_semaphore, #tpu.memory_space<semaphore_mem>>)
        %dma_wait3A_49 = tpu.memref_slice %arg6[%add3A] : memref<320000xi32, #tpu.memory_space<hbm>> -> memref<80xi32, #tpu.memory_space<hbm>>
        %dma_wait3A_50 = tpu.memref_slice %arg6[%add3A] : memref<320000xi32, #tpu.memory_space<hbm>> -> memref<80xi32, #tpu.memory_space<hbm>>
        tpu.wait_dma2 semaphore(%run_scoped3A : memref<!tpu.dma_semaphore, #tpu.memory_space<semaphore_mem>>) src(%dma_wait3A_50 : memref<80xi32, #tpu.memory_space<hbm>>) dst(%arg9 : memref<80xi32, #tpu.memory_space<vmem>>)
        tpu.yield
      }) : () -> ()
      %dma_start3A = arith.constant 0 : i32
      %dma_start3A_27 = arith.constant 0 : i32
      %dma_start3A_28 = tpu.memref_slice %arg4[%dma_start3A, %dma_start3A_27] : memref<10000x16xf32, #tpu.memory_space<hbm>> -> memref<10000x16xf32, #tpu.memory_space<hbm>>
      tpu.enqueue_indirect_dma source(%dma_start3A_28 : memref<10000x16xf32, #tpu.memory_space<hbm>>) target(%arg11 : memref<80x16xf32, #tpu.memory_space<vmem>>) offsets(%arg9 : memref<80xi32, #tpu.memory_space<vmem>>) semaphore(%arg16 : memref<!tpu.dma_semaphore, #tpu.memory_space<semaphore_mem>>)
      %eq3A_29 = arith.constant 0 : i32
      %eq3A_30 = arith.cmpi eq, %arg0, %eq3A_29 : i32
      %convert_element_type3A_31 = arith.extui %eq3A_30 : i1 to i32
      %cond3A_32 = arith.constant 0 : i32
      %cond3A_33 = arith.cmpi ne, %convert_element_type3A_31, %cond3A_32 : i32
      scf.if %cond3A_33 {
        %dma_start3A_47 = arith.constant 0 : i32
        %dma_start3A_48 = arith.constant 0 : i32
        %dma_start3A_49 = tpu.memref_slice %arg2[%dma_start3A_47, %dma_start3A_48] : memref<10000x144xf32, #tpu.memory_space<hbm>> -> memref<10000x144xf32, #tpu.memory_space<hbm>>
        tpu.enqueue_indirect_dma source(%dma_start3A_49 : memref<10000x144xf32, #tpu.memory_space<hbm>>) target(%arg10 : memref<80x144xf32, #tpu.memory_space<vmem>>) offsets(%arg8 : memref<80xi32, #tpu.memory_space<vmem>>) semaphore(%arg15 : memref<!tpu.dma_semaphore, #tpu.memory_space<semaphore_mem>>)
        %dma_wait3A_50 = arith.constant 0 : i32
        %dma_wait3A_51 = arith.constant 0 : i32
        %dma_wait3A_52 = tpu.memref_slice %arg2[%dma_wait3A_50, %dma_wait3A_51] : memref<10000x144xf32, #tpu.memory_space<hbm>> -> memref<10000x144xf32, #tpu.memory_space<hbm>>
        tpu.wait_indirect_dma semaphore(%arg15 : memref<!tpu.dma_semaphore, #tpu.memory_space<semaphore_mem>>) src(%dma_wait3A_52 : memref<10000x144xf32, #tpu.memory_space<hbm>>) dst(%arg10 : memref<80x144xf32, #tpu.memory_space<vmem>>)
      } else {
      }
      %eq3A_34 = arith.constant 1 : i32
      %eq3A_35 = arith.cmpi eq, %arg0, %eq3A_34 : i32
      %convert_element_type3A_36 = arith.extui %eq3A_35 : i1 to i32
      %cond3A_37 = arith.constant 0 : i32
      %cond3A_38 = arith.cmpi ne, %convert_element_type3A_36, %cond3A_37 : i32
      scf.if %cond3A_38 {
        %dma_start3A_47 = arith.constant 0 : i32
        %dma_start3A_48 = arith.constant 0 : i32
        %dma_start3A_49 = tpu.memref_slice %arg3[%dma_start3A_47, %dma_start3A_48] : memref<10000x144xf32, #tpu.memory_space<hbm>> -> memref<10000x144xf32, #tpu.memory_space<hbm>>
        tpu.enqueue_indirect_dma source(%dma_start3A_49 : memref<10000x144xf32, #tpu.memory_space<hbm>>) target(%arg10 : memref<80x144xf32, #tpu.memory_space<vmem>>) offsets(%arg8 : memref<80xi32, #tpu.memory_space<vmem>>) semaphore(%arg15 : memref<!tpu.dma_semaphore, #tpu.memory_space<semaphore_mem>>)
        %dma_wait3A_50 = arith.constant 0 : i32
        %dma_wait3A_51 = arith.constant 0 : i32
        %dma_wait3A_52 = tpu.memref_slice %arg3[%dma_wait3A_50, %dma_wait3A_51] : memref<10000x144xf32, #tpu.memory_space<hbm>> -> memref<10000x144xf32, #tpu.memory_space<hbm>>
        tpu.wait_indirect_dma semaphore(%arg15 : memref<!tpu.dma_semaphore, #tpu.memory_space<semaphore_mem>>) src(%dma_wait3A_52 : memref<10000x144xf32, #tpu.memory_space<hbm>>) dst(%arg10 : memref<80x144xf32, #tpu.memory_space<vmem>>)
      } else {
      }
      %dma_wait3A = arith.constant 0 : i32
      %dma_wait3A_39 = arith.constant 0 : i32
      %dma_wait3A_40 = tpu.memref_slice %arg4[%dma_wait3A, %dma_wait3A_39] : memref<10000x16xf32, #tpu.memory_space<hbm>> -> memref<10000x16xf32, #tpu.memory_space<hbm>>
      tpu.wait_indirect_dma semaphore(%arg16 : memref<!tpu.dma_semaphore, #tpu.memory_space<semaphore_mem>>) src(%dma_wait3A_40 : memref<10000x16xf32, #tpu.memory_space<hbm>>) dst(%arg11 : memref<80x16xf32, #tpu.memory_space<vmem>>)
      %scan3A_41 = arith.constant 0 : i32
      %scan3A_42 = arith.constant 0 : i32
      %scan3A_43 = arith.constant 5 : i32
      %scan3A_44 = arith.addi %scan3A_42, %scan3A_43 : i32
      %scan3A_45 = arith.constant 1 : i32
      scf.for %scan3A_47 = %scan3A_42 to %scan3A_44 step %scan3A_45  : i32 {
        %mul3A_48 = arith.constant 16 : i32
        %mul3A_49 = arith.muli %scan3A_47, %mul3A_48 : i32
        %add3A_50 = vector.broadcast %mul3A_49 : i32 to vector<16xi32>
        %add3A_51 = arith.addi %add3A_50, %iota3A : vector<16xi32>
        %broadcast_in_dim3A_52 = arith.constant 128 : i32
        %broadcast_in_dim3A_53 = vector.broadcast %broadcast_in_dim3A_52 : i32 to vector<16xi32>
        %gather3A = tpu.vector_load_idx %arg10[%add3A_51, %broadcast_in_dim3A_53] : memref<80x144xf32, #tpu.memory_space<vmem>>[vector<16xi32>, vector<16xi32>], vector<16xf32>,
        %broadcast_in_dim3A_54 = arith.constant 0 : i32
        %broadcast_in_dim3A_55 = vector.broadcast %broadcast_in_dim3A_54 : i32 to vector<16xi32>
        %add3A_56 = vector.broadcast %mul3A_12 : i32 to vector<16xi32>
        %add3A_57 = arith.addi %broadcast_in_dim3A_55, %add3A_56 : vector<16xi32>
        %gather3A_58 = tpu.vector_load_idx %arg11[%add3A_51, %add3A_57] : memref<80x16xf32, #tpu.memory_space<vmem>>[vector<16xi32>, vector<16xi32>], vector<16xf32>,
        %add3A_59 = arith.addf %gather3A, %gather3A_58 : vector<16xf32>
        %gt3A = arith.constant 0.000000e+00 : f32
        %gt3A_60 = vector.broadcast %gt3A : f32 to vector<16xf32>
        %gt3A_61 = arith.cmpf ogt, %add3A_59, %gt3A_60 : vector<16xf32>
        %mul3A_62 = arith.constant 2.000000e-01 : f32
        %mul3A_63 = vector.broadcast %mul3A_62 : f32 to vector<16xf32>
        %mul3A_64 = arith.mulf %mul3A_63, %add3A_59 : vector<16xf32>
        %select_n3A = arith.select %gt3A_61, %add3A_59, %mul3A_64 : vector<16xi1>, vector<16xf32>
        %mul3A_65 = arith.constant 1.44269502 : f32
        %mul3A_66 = vector.broadcast %mul3A_65 : f32 to vector<16xf32>
        %mul3A_67 = arith.mulf %select_n3A, %mul3A_66 : vector<16xf32>
        %ge3A = arith.constant 0.000000e+00 : f32
        %ge3A_68 = vector.broadcast %ge3A : f32 to vector<16xf32>
        %ge3A_69 = arith.cmpf oge, %mul3A_67, %ge3A_68 : vector<16xf32>
        %jit3A = arith.constant 5.000000e-01 : f32
        %jit3A_70 = arith.constant -5.000000e-01 : f32
        %broadcast_in_dim3A_71 = vector.broadcast %jit3A : f32 to vector<16xf32>
        %broadcast_in_dim3A_72 = vector.broadcast %jit3A_70 : f32 to vector<16xf32>
        %select_n3A_73 = arith.select %ge3A_69, %broadcast_in_dim3A_71, %broadcast_in_dim3A_72 : vector<16xi1>, vector<16xf32>
        %add3A_74 = arith.addf %mul3A_67, %select_n3A_73 : vector<16xf32>
        %convert_element_type3A_75 = arith.fptosi %add3A_74 : vector<16xf32> to vector<16xi32>
        %jit3A_76 = arith.constant -126 : i32
        %jit3A_77 = arith.constant 127 : i32
        %max3A = vector.broadcast %jit3A_76 : i32 to vector<16xi32>
        %max3A_78 = arith.maxsi %max3A, %convert_element_type3A_75 : vector<16xi32>
        %min3A = vector.broadcast %jit3A_77 : i32 to vector<16xi32>
        %min3A_79 = arith.minsi %min3A, %max3A_78 : vector<16xi32>
        %convert_element_type3A_80 = arith.sitofp %min3A_79 : vector<16xi32> to vector<16xf32>
        %sub3A = arith.subf %mul3A_67, %convert_element_type3A_80 : vector<16xf32>
        %mul3A_81 = arith.constant 0.693147182 : f32
        %mul3A_82 = vector.broadcast %mul3A_81 : f32 to vector<16xf32>
        %mul3A_83 = arith.mulf %sub3A, %mul3A_82 : vector<16xf32>
        %mul3A_84 = arith.constant 0.00138888892 : f32
        %mul3A_85 = vector.broadcast %mul3A_84 : f32 to vector<16xf32>
        %mul3A_86 = arith.mulf %mul3A_85, %mul3A_83 : vector<16xf32>
        %add3A_87 = arith.constant 0.00833333377 : f32
        %add3A_88 = vector.broadcast %add3A_87 : f32 to vector<16xf32>
        %add3A_89 = arith.addf %mul3A_86, %add3A_88 : vector<16xf32>
        %mul3A_90 = arith.mulf %add3A_89, %mul3A_83 : vector<16xf32>
        %add3A_91 = arith.constant 0.0416666679 : f32
        %add3A_92 = vector.broadcast %add3A_91 : f32 to vector<16xf32>
        %add3A_93 = arith.addf %mul3A_90, %add3A_92 : vector<16xf32>
        %mul3A_94 = arith.mulf %add3A_93, %mul3A_83 : vector<16xf32>
        %add3A_95 = arith.constant 0.166666672 : f32
        %add3A_96 = vector.broadcast %add3A_95 : f32 to vector<16xf32>
        %add3A_97 = arith.addf %mul3A_94, %add3A_96 : vector<16xf32>
        %mul3A_98 = arith.mulf %add3A_97, %mul3A_83 : vector<16xf32>
        %add3A_99 = arith.constant 5.000000e-01 : f32
        %add3A_100 = vector.broadcast %add3A_99 : f32 to vector<16xf32>
        %add3A_101 = arith.addf %mul3A_98, %add3A_100 : vector<16xf32>
        %mul3A_102 = arith.mulf %add3A_101, %mul3A_83 : vector<16xf32>
        %add3A_103 = arith.constant 1.000000e+00 : f32
        %add3A_104 = vector.broadcast %add3A_103 : f32 to vector<16xf32>
        %add3A_105 = arith.addf %mul3A_102, %add3A_104 : vector<16xf32>
        %mul3A_106 = arith.mulf %add3A_105, %mul3A_83 : vector<16xf32>
        %add3A_107 = arith.constant 1.000000e+00 : f32
        %add3A_108 = vector.broadcast %add3A_107 : f32 to vector<16xf32>
        %add3A_109 = arith.addf %mul3A_106, %add3A_108 : vector<16xf32>
        %add3A_110 = arith.constant 127 : i32
        %add3A_111 = vector.broadcast %add3A_110 : i32 to vector<16xi32>
        %add3A_112 = arith.addi %min3A_79, %add3A_111 : vector<16xi32>
        %shift_left3A = arith.constant 23 : i32
        %shift_left3A_113 = vector.broadcast %shift_left3A : i32 to vector<16xi32>
        %shift_left3A_114 = arith.shli %add3A_112, %shift_left3A_113 : vector<16xi32>
        %bitcast_convert_type3A = tpu.bitcast %shift_left3A_114 : vector<16xi32> -> vector<16xf32>
        %mul3A_115 = arith.mulf %add3A_109, %bitcast_convert_type3A : vector<16xf32>
        %swap3A = arith.constant 0 : i32
        %swap3A_116 = arith.index_cast %swap3A : i32 to index
        %swap3A_117 = arith.constant 0 : index
        %swap3A_118 = tpu.vector_load %arg13[%swap3A_116, %swap3A_117] {strides = array<i32>} : memref<4x16xf32, #tpu.memory_space<vmem>>, vector<16xf32>,
        tpu.vector_store %arg13[%swap3A_116, %swap3A_117], %mul3A_115 {strides = array<i32>} : memref<4x16xf32, #tpu.memory_space<vmem>>, vector<16xf32>,
        %broadcast_in_dim3A_119 = arith.constant 129 : i32
        %broadcast_in_dim3A_120 = vector.broadcast %broadcast_in_dim3A_119 : i32 to vector<16xi32>
        %gather3A_121 = tpu.vector_load_idx %arg10[%add3A_51, %broadcast_in_dim3A_120] : memref<80x144xf32, #tpu.memory_space<vmem>>[vector<16xi32>, vector<16xi32>], vector<16xf32>,
        %broadcast_in_dim3A_122 = arith.constant 1 : i32
        %broadcast_in_dim3A_123 = vector.broadcast %broadcast_in_dim3A_122 : i32 to vector<16xi32>
        %add3A_124 = vector.broadcast %mul3A_12 : i32 to vector<16xi32>
        %add3A_125 = arith.addi %broadcast_in_dim3A_123, %add3A_124 : vector<16xi32>
        %gather3A_126 = tpu.vector_load_idx %arg11[%add3A_51, %add3A_125] : memref<80x16xf32, #tpu.memory_space<vmem>>[vector<16xi32>, vector<16xi32>], vector<16xf32>,
        %add3A_127 = arith.addf %gather3A_121, %gather3A_126 : vector<16xf32>
        %gt3A_128 = arith.constant 0.000000e+00 : f32
        %gt3A_129 = vector.broadcast %gt3A_128 : f32 to vector<16xf32>
        %gt3A_130 = arith.cmpf ogt, %add3A_127, %gt3A_129 : vector<16xf32>
        %mul3A_131 = arith.constant 2.000000e-01 : f32
        %mul3A_132 = vector.broadcast %mul3A_131 : f32 to vector<16xf32>
        %mul3A_133 = arith.mulf %mul3A_132, %add3A_127 : vector<16xf32>
        %select_n3A_134 = arith.select %gt3A_130, %add3A_127, %mul3A_133 : vector<16xi1>, vector<16xf32>
        %mul3A_135 = arith.constant 1.44269502 : f32
        %mul3A_136 = vector.broadcast %mul3A_135 : f32 to vector<16xf32>
        %mul3A_137 = arith.mulf %select_n3A_134, %mul3A_136 : vector<16xf32>
        %ge3A_138 = arith.constant 0.000000e+00 : f32
        %ge3A_139 = vector.broadcast %ge3A_138 : f32 to vector<16xf32>
        %ge3A_140 = arith.cmpf oge, %mul3A_137, %ge3A_139 : vector<16xf32>
        %jit3A_141 = arith.constant 5.000000e-01 : f32
        %jit3A_142 = arith.constant -5.000000e-01 : f32
        %broadcast_in_dim3A_143 = vector.broadcast %jit3A_141 : f32 to vector<16xf32>
        %broadcast_in_dim3A_144 = vector.broadcast %jit3A_142 : f32 to vector<16xf32>
        %select_n3A_145 = arith.select %ge3A_140, %broadcast_in_dim3A_143, %broadcast_in_dim3A_144 : vector<16xi1>, vector<16xf32>
        %add3A_146 = arith.addf %mul3A_137, %select_n3A_145 : vector<16xf32>
        %convert_element_type3A_147 = arith.fptosi %add3A_146 : vector<16xf32> to vector<16xi32>
        %jit3A_148 = arith.constant -126 : i32
        %jit3A_149 = arith.constant 127 : i32
        %max3A_150 = vector.broadcast %jit3A_148 : i32 to vector<16xi32>
        %max3A_151 = arith.maxsi %max3A_150, %convert_element_type3A_147 : vector<16xi32>
        %min3A_152 = vector.broadcast %jit3A_149 : i32 to vector<16xi32>
        %min3A_153 = arith.minsi %min3A_152, %max3A_151 : vector<16xi32>
        %convert_element_type3A_154 = arith.sitofp %min3A_153 : vector<16xi32> to vector<16xf32>
        %sub3A_155 = arith.subf %mul3A_137, %convert_element_type3A_154 : vector<16xf32>
        %mul3A_156 = arith.constant 0.693147182 : f32
        %mul3A_157 = vector.broadcast %mul3A_156 : f32 to vector<16xf32>
        %mul3A_158 = arith.mulf %sub3A_155, %mul3A_157 : vector<16xf32>
        %mul3A_159 = arith.constant 0.00138888892 : f32
        %mul3A_160 = vector.broadcast %mul3A_159 : f32 to vector<16xf32>
        %mul3A_161 = arith.mulf %mul3A_160, %mul3A_158 : vector<16xf32>
        %add3A_162 = arith.constant 0.00833333377 : f32
        %add3A_163 = vector.broadcast %add3A_162 : f32 to vector<16xf32>
        %add3A_164 = arith.addf %mul3A_161, %add3A_163 : vector<16xf32>
        %mul3A_165 = arith.mulf %add3A_164, %mul3A_158 : vector<16xf32>
        %add3A_166 = arith.constant 0.0416666679 : f32
        %add3A_167 = vector.broadcast %add3A_166 : f32 to vector<16xf32>
        %add3A_168 = arith.addf %mul3A_165, %add3A_167 : vector<16xf32>
        %mul3A_169 = arith.mulf %add3A_168, %mul3A_158 : vector<16xf32>
        %add3A_170 = arith.constant 0.166666672 : f32
        %add3A_171 = vector.broadcast %add3A_170 : f32 to vector<16xf32>
        %add3A_172 = arith.addf %mul3A_169, %add3A_171 : vector<16xf32>
        %mul3A_173 = arith.mulf %add3A_172, %mul3A_158 : vector<16xf32>
        %add3A_174 = arith.constant 5.000000e-01 : f32
        %add3A_175 = vector.broadcast %add3A_174 : f32 to vector<16xf32>
        %add3A_176 = arith.addf %mul3A_173, %add3A_175 : vector<16xf32>
        %mul3A_177 = arith.mulf %add3A_176, %mul3A_158 : vector<16xf32>
        %add3A_178 = arith.constant 1.000000e+00 : f32
        %add3A_179 = vector.broadcast %add3A_178 : f32 to vector<16xf32>
        %add3A_180 = arith.addf %mul3A_177, %add3A_179 : vector<16xf32>
        %mul3A_181 = arith.mulf %add3A_180, %mul3A_158 : vector<16xf32>
        %add3A_182 = arith.constant 1.000000e+00 : f32
        %add3A_183 = vector.broadcast %add3A_182 : f32 to vector<16xf32>
        %add3A_184 = arith.addf %mul3A_181, %add3A_183 : vector<16xf32>
        %add3A_185 = arith.constant 127 : i32
        %add3A_186 = vector.broadcast %add3A_185 : i32 to vector<16xi32>
        %add3A_187 = arith.addi %min3A_153, %add3A_186 : vector<16xi32>
        %shift_left3A_188 = arith.constant 23 : i32
        %shift_left3A_189 = vector.broadcast %shift_left3A_188 : i32 to vector<16xi32>
        %shift_left3A_190 = arith.shli %add3A_187, %shift_left3A_189 : vector<16xi32>
        %bitcast_convert_type3A_191 = tpu.bitcast %shift_left3A_190 : vector<16xi32> -> vector<16xf32>
        %mul3A_192 = arith.mulf %add3A_184, %bitcast_convert_type3A_191 : vector<16xf32>
        %swap3A_193 = arith.constant 1 : i32
        %swap3A_194 = arith.index_cast %swap3A_193 : i32 to index
        %swap3A_195 = arith.constant 0 : index
        %swap3A_196 = tpu.vector_load %arg13[%swap3A_194, %swap3A_195] {strides = array<i32>} : memref<4x16xf32, #tpu.memory_space<vmem>>, vector<16xf32>,
        tpu.vector_store %arg13[%swap3A_194, %swap3A_195], %mul3A_192 {strides = array<i32>} : memref<4x16xf32, #tpu.memory_space<vmem>>, vector<16xf32>,
        %broadcast_in_dim3A_197 = arith.constant 130 : i32
        %broadcast_in_dim3A_198 = vector.broadcast %broadcast_in_dim3A_197 : i32 to vector<16xi32>
        %gather3A_199 = tpu.vector_load_idx %arg10[%add3A_51, %broadcast_in_dim3A_198] : memref<80x144xf32, #tpu.memory_space<vmem>>[vector<16xi32>, vector<16xi32>], vector<16xf32>,
        %broadcast_in_dim3A_200 = arith.constant 2 : i32
        %broadcast_in_dim3A_201 = vector.broadcast %broadcast_in_dim3A_200 : i32 to vector<16xi32>
        %add3A_202 = vector.broadcast %mul3A_12 : i32 to vector<16xi32>
        %add3A_203 = arith.addi %broadcast_in_dim3A_201, %add3A_202 : vector<16xi32>
        %gather3A_204 = tpu.vector_load_idx %arg11[%add3A_51, %add3A_203] : memref<80x16xf32, #tpu.memory_space<vmem>>[vector<16xi32>, vector<16xi32>], vector<16xf32>,
        %add3A_205 = arith.addf %gather3A_199, %gather3A_204 : vector<16xf32>
        %gt3A_206 = arith.constant 0.000000e+00 : f32
        %gt3A_207 = vector.broadcast %gt3A_206 : f32 to vector<16xf32>
        %gt3A_208 = arith.cmpf ogt, %add3A_205, %gt3A_207 : vector<16xf32>
        %mul3A_209 = arith.constant 2.000000e-01 : f32
        %mul3A_210 = vector.broadcast %mul3A_209 : f32 to vector<16xf32>
        %mul3A_211 = arith.mulf %mul3A_210, %add3A_205 : vector<16xf32>
        %select_n3A_212 = arith.select %gt3A_208, %add3A_205, %mul3A_211 : vector<16xi1>, vector<16xf32>
        %mul3A_213 = arith.constant 1.44269502 : f32
        %mul3A_214 = vector.broadcast %mul3A_213 : f32 to vector<16xf32>
        %mul3A_215 = arith.mulf %select_n3A_212, %mul3A_214 : vector<16xf32>
        %ge3A_216 = arith.constant 0.000000e+00 : f32
        %ge3A_217 = vector.broadcast %ge3A_216 : f32 to vector<16xf32>
        %ge3A_218 = arith.cmpf oge, %mul3A_215, %ge3A_217 : vector<16xf32>
        %jit3A_219 = arith.constant 5.000000e-01 : f32
        %jit3A_220 = arith.constant -5.000000e-01 : f32
        %broadcast_in_dim3A_221 = vector.broadcast %jit3A_219 : f32 to vector<16xf32>
        %broadcast_in_dim3A_222 = vector.broadcast %jit3A_220 : f32 to vector<16xf32>
        %select_n3A_223 = arith.select %ge3A_218, %broadcast_in_dim3A_221, %broadcast_in_dim3A_222 : vector<16xi1>, vector<16xf32>
        %add3A_224 = arith.addf %mul3A_215, %select_n3A_223 : vector<16xf32>
        %convert_element_type3A_225 = arith.fptosi %add3A_224 : vector<16xf32> to vector<16xi32>
        %jit3A_226 = arith.constant -126 : i32
        %jit3A_227 = arith.constant 127 : i32
        %max3A_228 = vector.broadcast %jit3A_226 : i32 to vector<16xi32>
        %max3A_229 = arith.maxsi %max3A_228, %convert_element_type3A_225 : vector<16xi32>
        %min3A_230 = vector.broadcast %jit3A_227 : i32 to vector<16xi32>
        %min3A_231 = arith.minsi %min3A_230, %max3A_229 : vector<16xi32>
        %convert_element_type3A_232 = arith.sitofp %min3A_231 : vector<16xi32> to vector<16xf32>
        %sub3A_233 = arith.subf %mul3A_215, %convert_element_type3A_232 : vector<16xf32>
        %mul3A_234 = arith.constant 0.693147182 : f32
        %mul3A_235 = vector.broadcast %mul3A_234 : f32 to vector<16xf32>
        %mul3A_236 = arith.mulf %sub3A_233, %mul3A_235 : vector<16xf32>
        %mul3A_237 = arith.constant 0.00138888892 : f32
        %mul3A_238 = vector.broadcast %mul3A_237 : f32 to vector<16xf32>
        %mul3A_239 = arith.mulf %mul3A_238, %mul3A_236 : vector<16xf32>
        %add3A_240 = arith.constant 0.00833333377 : f32
        %add3A_241 = vector.broadcast %add3A_240 : f32 to vector<16xf32>
        %add3A_242 = arith.addf %mul3A_239, %add3A_241 : vector<16xf32>
        %mul3A_243 = arith.mulf %add3A_242, %mul3A_236 : vector<16xf32>
        %add3A_244 = arith.constant 0.0416666679 : f32
        %add3A_245 = vector.broadcast %add3A_244 : f32 to vector<16xf32>
        %add3A_246 = arith.addf %mul3A_243, %add3A_245 : vector<16xf32>
        %mul3A_247 = arith.mulf %add3A_246, %mul3A_236 : vector<16xf32>
        %add3A_248 = arith.constant 0.166666672 : f32
        %add3A_249 = vector.broadcast %add3A_248 : f32 to vector<16xf32>
        %add3A_250 = arith.addf %mul3A_247, %add3A_249 : vector<16xf32>
        %mul3A_251 = arith.mulf %add3A_250, %mul3A_236 : vector<16xf32>
        %add3A_252 = arith.constant 5.000000e-01 : f32
        %add3A_253 = vector.broadcast %add3A_252 : f32 to vector<16xf32>
        %add3A_254 = arith.addf %mul3A_251, %add3A_253 : vector<16xf32>
        %mul3A_255 = arith.mulf %add3A_254, %mul3A_236 : vector<16xf32>
        %add3A_256 = arith.constant 1.000000e+00 : f32
        %add3A_257 = vector.broadcast %add3A_256 : f32 to vector<16xf32>
        %add3A_258 = arith.addf %mul3A_255, %add3A_257 : vector<16xf32>
        %mul3A_259 = arith.mulf %add3A_258, %mul3A_236 : vector<16xf32>
        %add3A_260 = arith.constant 1.000000e+00 : f32
        %add3A_261 = vector.broadcast %add3A_260 : f32 to vector<16xf32>
        %add3A_262 = arith.addf %mul3A_259, %add3A_261 : vector<16xf32>
        %add3A_263 = arith.constant 127 : i32
        %add3A_264 = vector.broadcast %add3A_263 : i32 to vector<16xi32>
        %add3A_265 = arith.addi %min3A_231, %add3A_264 : vector<16xi32>
        %shift_left3A_266 = arith.constant 23 : i32
        %shift_left3A_267 = vector.broadcast %shift_left3A_266 : i32 to vector<16xi32>
        %shift_left3A_268 = arith.shli %add3A_265, %shift_left3A_267 : vector<16xi32>
        %bitcast_convert_type3A_269 = tpu.bitcast %shift_left3A_268 : vector<16xi32> -> vector<16xf32>
        %mul3A_270 = arith.mulf %add3A_262, %bitcast_convert_type3A_269 : vector<16xf32>
        %swap3A_271 = arith.constant 2 : i32
        %swap3A_272 = arith.index_cast %swap3A_271 : i32 to index
        %swap3A_273 = arith.constant 0 : index
        %swap3A_274 = tpu.vector_load %arg13[%swap3A_272, %swap3A_273] {strides = array<i32>} : memref<4x16xf32, #tpu.memory_space<vmem>>, vector<16xf32>,
        tpu.vector_store %arg13[%swap3A_272, %swap3A_273], %mul3A_270 {strides = array<i32>} : memref<4x16xf32, #tpu.memory_space<vmem>>, vector<16xf32>,
        %broadcast_in_dim3A_275 = arith.constant 131 : i32
        %broadcast_in_dim3A_276 = vector.broadcast %broadcast_in_dim3A_275 : i32 to vector<16xi32>
        %gather3A_277 = tpu.vector_load_idx %arg10[%add3A_51, %broadcast_in_dim3A_276] : memref<80x144xf32, #tpu.memory_space<vmem>>[vector<16xi32>, vector<16xi32>], vector<16xf32>,
        %broadcast_in_dim3A_278 = arith.constant 3 : i32
        %broadcast_in_dim3A_279 = vector.broadcast %broadcast_in_dim3A_278 : i32 to vector<16xi32>
        %add3A_280 = vector.broadcast %mul3A_12 : i32 to vector<16xi32>
        %add3A_281 = arith.addi %broadcast_in_dim3A_279, %add3A_280 : vector<16xi32>
        %gather3A_282 = tpu.vector_load_idx %arg11[%add3A_51, %add3A_281] : memref<80x16xf32, #tpu.memory_space<vmem>>[vector<16xi32>, vector<16xi32>], vector<16xf32>,
        %add3A_283 = arith.addf %gather3A_277, %gather3A_282 : vector<16xf32>
        %gt3A_284 = arith.constant 0.000000e+00 : f32
        %gt3A_285 = vector.broadcast %gt3A_284 : f32 to vector<16xf32>
        %gt3A_286 = arith.cmpf ogt, %add3A_283, %gt3A_285 : vector<16xf32>
        %mul3A_287 = arith.constant 2.000000e-01 : f32
        %mul3A_288 = vector.broadcast %mul3A_287 : f32 to vector<16xf32>
        %mul3A_289 = arith.mulf %mul3A_288, %add3A_283 : vector<16xf32>
        %select_n3A_290 = arith.select %gt3A_286, %add3A_283, %mul3A_289 : vector<16xi1>, vector<16xf32>
        %mul3A_291 = arith.constant 1.44269502 : f32
        %mul3A_292 = vector.broadcast %mul3A_291 : f32 to vector<16xf32>
        %mul3A_293 = arith.mulf %select_n3A_290, %mul3A_292 : vector<16xf32>
        %ge3A_294 = arith.constant 0.000000e+00 : f32
        %ge3A_295 = vector.broadcast %ge3A_294 : f32 to vector<16xf32>
        %ge3A_296 = arith.cmpf oge, %mul3A_293, %ge3A_295 : vector<16xf32>
        %jit3A_297 = arith.constant 5.000000e-01 : f32
        %jit3A_298 = arith.constant -5.000000e-01 : f32
        %broadcast_in_dim3A_299 = vector.broadcast %jit3A_297 : f32 to vector<16xf32>
        %broadcast_in_dim3A_300 = vector.broadcast %jit3A_298 : f32 to vector<16xf32>
        %select_n3A_301 = arith.select %ge3A_296, %broadcast_in_dim3A_299, %broadcast_in_dim3A_300 : vector<16xi1>, vector<16xf32>
        %add3A_302 = arith.addf %mul3A_293, %select_n3A_301 : vector<16xf32>
        %convert_element_type3A_303 = arith.fptosi %add3A_302 : vector<16xf32> to vector<16xi32>
        %jit3A_304 = arith.constant -126 : i32
        %jit3A_305 = arith.constant 127 : i32
        %max3A_306 = vector.broadcast %jit3A_304 : i32 to vector<16xi32>
        %max3A_307 = arith.maxsi %max3A_306, %convert_element_type3A_303 : vector<16xi32>
        %min3A_308 = vector.broadcast %jit3A_305 : i32 to vector<16xi32>
        %min3A_309 = arith.minsi %min3A_308, %max3A_307 : vector<16xi32>
        %convert_element_type3A_310 = arith.sitofp %min3A_309 : vector<16xi32> to vector<16xf32>
        %sub3A_311 = arith.subf %mul3A_293, %convert_element_type3A_310 : vector<16xf32>
        %mul3A_312 = arith.constant 0.693147182 : f32
        %mul3A_313 = vector.broadcast %mul3A_312 : f32 to vector<16xf32>
        %mul3A_314 = arith.mulf %sub3A_311, %mul3A_313 : vector<16xf32>
        %mul3A_315 = arith.constant 0.00138888892 : f32
        %mul3A_316 = vector.broadcast %mul3A_315 : f32 to vector<16xf32>
        %mul3A_317 = arith.mulf %mul3A_316, %mul3A_314 : vector<16xf32>
        %add3A_318 = arith.constant 0.00833333377 : f32
        %add3A_319 = vector.broadcast %add3A_318 : f32 to vector<16xf32>
        %add3A_320 = arith.addf %mul3A_317, %add3A_319 : vector<16xf32>
        %mul3A_321 = arith.mulf %add3A_320, %mul3A_314 : vector<16xf32>
        %add3A_322 = arith.constant 0.0416666679 : f32
        %add3A_323 = vector.broadcast %add3A_322 : f32 to vector<16xf32>
        %add3A_324 = arith.addf %mul3A_321, %add3A_323 : vector<16xf32>
        %mul3A_325 = arith.mulf %add3A_324, %mul3A_314 : vector<16xf32>
        %add3A_326 = arith.constant 0.166666672 : f32
        %add3A_327 = vector.broadcast %add3A_326 : f32 to vector<16xf32>
        %add3A_328 = arith.addf %mul3A_325, %add3A_327 : vector<16xf32>
        %mul3A_329 = arith.mulf %add3A_328, %mul3A_314 : vector<16xf32>
        %add3A_330 = arith.constant 5.000000e-01 : f32
        %add3A_331 = vector.broadcast %add3A_330 : f32 to vector<16xf32>
        %add3A_332 = arith.addf %mul3A_329, %add3A_331 : vector<16xf32>
        %mul3A_333 = arith.mulf %add3A_332, %mul3A_314 : vector<16xf32>
        %add3A_334 = arith.constant 1.000000e+00 : f32
        %add3A_335 = vector.broadcast %add3A_334 : f32 to vector<16xf32>
        %add3A_336 = arith.addf %mul3A_333, %add3A_335 : vector<16xf32>
        %mul3A_337 = arith.mulf %add3A_336, %mul3A_314 : vector<16xf32>
        %add3A_338 = arith.constant 1.000000e+00 : f32
        %add3A_339 = vector.broadcast %add3A_338 : f32 to vector<16xf32>
        %add3A_340 = arith.addf %mul3A_337, %add3A_339 : vector<16xf32>
        %add3A_341 = arith.constant 127 : i32
        %add3A_342 = vector.broadcast %add3A_341 : i32 to vector<16xi32>
        %add3A_343 = arith.addi %min3A_309, %add3A_342 : vector<16xi32>
        %shift_left3A_344 = arith.constant 23 : i32
        %shift_left3A_345 = vector.broadcast %shift_left3A_344 : i32 to vector<16xi32>
        %shift_left3A_346 = arith.shli %add3A_343, %shift_left3A_345 : vector<16xi32>
        %bitcast_convert_type3A_347 = tpu.bitcast %shift_left3A_346 : vector<16xi32> -> vector<16xf32>
        %mul3A_348 = arith.mulf %add3A_340, %bitcast_convert_type3A_347 : vector<16xf32>
        %swap3A_349 = arith.constant 3 : i32
        %swap3A_350 = arith.index_cast %swap3A_349 : i32 to index
        %swap3A_351 = arith.constant 0 : index
        %swap3A_352 = tpu.vector_load %arg13[%swap3A_350, %swap3A_351] {strides = array<i32>} : memref<4x16xf32, #tpu.memory_space<vmem>>, vector<16xf32>,
        tpu.vector_store %arg13[%swap3A_350, %swap3A_351], %mul3A_348 {strides = array<i32>} : memref<4x16xf32, #tpu.memory_space<vmem>>, vector<16xf32>,
        %add3A_353 = arith.constant 0 : i32
        %add3A_354 = arith.addi %mul3A_49, %add3A_353 : i32
        %broadcast_in_dim3A_355 = arith.constant 0 : i32
        %broadcast_in_dim3A_356 = vector.broadcast %broadcast_in_dim3A_355 : i32 to vector<16xi32>
        %eq3A_357 = arith.constant 0 : i32
        %eq3A_358 = vector.broadcast %eq3A_357 : i32 to vector<16xi32>
        %eq3A_359 = arith.cmpi eq, %iota3A, %eq3A_358 : vector<16xi32>
        %jit3A_360 = arith.constant 0.000000e+00 : f32
        %broadcast_in_dim3A_361 = vector.broadcast %jit3A_360 : f32 to vector<16xf32>
        %select_n3A_362 = arith.select %eq3A_359, %mul3A_115, %broadcast_in_dim3A_361 : vector<16xi1>, vector<16xf32>
        %reduce_sum3A = arith.constant true
        %reduce_sum3A_363 = vector.broadcast %reduce_sum3A : i1 to vector<16xi1>
        %reduce_sum3A_364 = tpu.scan <sum>, %select_n3A_362 masked %reduce_sum3A_363 : vector<16xf32>, vector<16xi1> -> vector<16xf32>
        %reduce_sum3A_365 = vector.extract %reduce_sum3A_364[15] : f32 from vector<16xf32>
        %broadcast_in_dim3A_366 = vector.broadcast %reduce_sum3A_365 : f32 to vector<16xf32>
        %eq3A_367 = arith.constant 0 : i32
        %eq3A_368 = vector.broadcast %eq3A_367 : i32 to vector<16xi32>
        %eq3A_369 = arith.cmpi eq, %iota3A, %eq3A_368 : vector<16xi32>
        %jit3A_370 = arith.constant 0.000000e+00 : f32
        %broadcast_in_dim3A_371 = vector.broadcast %jit3A_370 : f32 to vector<16xf32>
        %select_n3A_372 = arith.select %eq3A_369, %mul3A_192, %broadcast_in_dim3A_371 : vector<16xi1>, vector<16xf32>
        %reduce_sum3A_373 = arith.constant true
        %reduce_sum3A_374 = vector.broadcast %reduce_sum3A_373 : i1 to vector<16xi1>
        %reduce_sum3A_375 = tpu.scan <sum>, %select_n3A_372 masked %reduce_sum3A_374 : vector<16xf32>, vector<16xi1> -> vector<16xf32>
        %reduce_sum3A_376 = vector.extract %reduce_sum3A_375[15] : f32 from vector<16xf32>
        %broadcast_in_dim3A_377 = vector.broadcast %reduce_sum3A_376 : f32 to vector<16xf32>
        %eq3A_378 = arith.constant 0 : i32
        %eq3A_379 = vector.broadcast %eq3A_378 : i32 to vector<16xi32>
        %eq3A_380 = arith.cmpi eq, %iota3A, %eq3A_379 : vector<16xi32>
        %jit3A_381 = arith.constant 0.000000e+00 : f32
        %broadcast_in_dim3A_382 = vector.broadcast %jit3A_381 : f32 to vector<16xf32>
        %select_n3A_383 = arith.select %eq3A_380, %mul3A_270, %broadcast_in_dim3A_382 : vector<16xi1>, vector<16xf32>
        %reduce_sum3A_384 = arith.constant true
        %reduce_sum3A_385 = vector.broadcast %reduce_sum3A_384 : i1 to vector<16xi1>
        %reduce_sum3A_386 = tpu.scan <sum>, %select_n3A_383 masked %reduce_sum3A_385 : vector<16xf32>, vector<16xi1> -> vector<16xf32>
        %reduce_sum3A_387 = vector.extract %reduce_sum3A_386[15] : f32 from vector<16xf32>
        %broadcast_in_dim3A_388 = vector.broadcast %reduce_sum3A_387 : f32 to vector<16xf32>
        %eq3A_389 = arith.constant 0 : i32
        %eq3A_390 = vector.broadcast %eq3A_389 : i32 to vector<16xi32>
        %eq3A_391 = arith.cmpi eq, %iota3A, %eq3A_390 : vector<16xi32>
        %jit3A_392 = arith.constant 0.000000e+00 : f32
        %broadcast_in_dim3A_393 = vector.broadcast %jit3A_392 : f32 to vector<16xf32>
        %select_n3A_394 = arith.select %eq3A_391, %mul3A_348, %broadcast_in_dim3A_393 : vector<16xi1>, vector<16xf32>
        %reduce_sum3A_395 = arith.constant true
        %reduce_sum3A_396 = vector.broadcast %reduce_sum3A_395 : i1 to vector<16xi1>
        %reduce_sum3A_397 = tpu.scan <sum>, %select_n3A_394 masked %reduce_sum3A_396 : vector<16xf32>, vector<16xi1> -> vector<16xf32>
        %reduce_sum3A_398 = vector.extract %reduce_sum3A_397[15] : f32 from vector<16xf32>
        %broadcast_in_dim3A_399 = vector.broadcast %reduce_sum3A_398 : f32 to vector<16xf32>
        %get3A = arith.index_cast %add3A_354 : i32 to index
        %get3A_400 = arith.constant 0 : index
        %get3A_401 = tpu.vector_load %arg10[%get3A, %get3A_400] {strides = array<i32>} : memref<80x144xf32, #tpu.memory_space<vmem>>, vector<16xf32>,
        %mul3A_402 = arith.mulf %get3A_401, %broadcast_in_dim3A_366 : vector<16xf32>
        %swap3A_403 = arith.index_cast %add3A_354 : i32 to index
        %swap3A_404 = arith.constant 0 : index
        %swap3A_405 = tpu.vector_load %arg12[%swap3A_403, %swap3A_404] {strides = array<i32>} : memref<80x144xf32, #tpu.memory_space<vmem>>, vector<16xf32>,
        tpu.vector_store %arg12[%swap3A_403, %swap3A_404], %mul3A_402 {strides = array<i32>} : memref<80x144xf32, #tpu.memory_space<vmem>>, vector<16xf32>,
        %get3A_406 = arith.index_cast %add3A_354 : i32 to index
        %get3A_407 = arith.constant 16 : index
        %get3A_408 = tpu.vector_load %arg10[%get3A_406, %get3A_407] {strides = array<i32>} : memref<80x144xf32, #tpu.memory_space<vmem>>, vector<16xf32>,
        %mul3A_409 = arith.mulf %get3A_408, %broadcast_in_dim3A_366 : vector<16xf32>
        %swap3A_410 = arith.index_cast %add3A_354 : i32 to index
        %swap3A_411 = arith.constant 16 : index
        %swap3A_412 = tpu.vector_load %arg12[%swap3A_410, %swap3A_411] {strides = array<i32>} : memref<80x144xf32, #tpu.memory_space<vmem>>, vector<16xf32>,
        tpu.vector_store %arg12[%swap3A_410, %swap3A_411], %mul3A_409 {strides = array<i32>} : memref<80x144xf32, #tpu.memory_space<vmem>>, vector<16xf32>,
        %get3A_413 = arith.index_cast %add3A_354 : i32 to index
        %get3A_414 = arith.constant 32 : index
        %get3A_415 = tpu.vector_load %arg10[%get3A_413, %get3A_414] {strides = array<i32>} : memref<80x144xf32, #tpu.memory_space<vmem>>, vector<16xf32>,
        %mul3A_416 = arith.mulf %get3A_415, %broadcast_in_dim3A_377 : vector<16xf32>
        %swap3A_417 = arith.index_cast %add3A_354 : i32 to index
        %swap3A_418 = arith.constant 32 : index
        %swap3A_419 = tpu.vector_load %arg12[%swap3A_417, %swap3A_418] {strides = array<i32>} : memref<80x144xf32, #tpu.memory_space<vmem>>, vector<16xf32>,
        tpu.vector_store %arg12[%swap3A_417, %swap3A_418], %mul3A_416 {strides = array<i32>} : memref<80x144xf32, #tpu.memory_space<vmem>>, vector<16xf32>,
        %get3A_420 = arith.index_cast %add3A_354 : i32 to index
        %get3A_421 = arith.constant 48 : index
        %get3A_422 = tpu.vector_load %arg10[%get3A_420, %get3A_421] {strides = array<i32>} : memref<80x144xf32, #tpu.memory_space<vmem>>, vector<16xf32>,
        %mul3A_423 = arith.mulf %get3A_422, %broadcast_in_dim3A_377 : vector<16xf32>
        %swap3A_424 = arith.index_cast %add3A_354 : i32 to index
        %swap3A_425 = arith.constant 48 : index
        %swap3A_426 = tpu.vector_load %arg12[%swap3A_424, %swap3A_425] {strides = array<i32>} : memref<80x144xf32, #tpu.memory_space<vmem>>, vector<16xf32>,
        tpu.vector_store %arg12[%swap3A_424, %swap3A_425], %mul3A_423 {strides = array<i32>} : memref<80x144xf32, #tpu.memory_space<vmem>>, vector<16xf32>,
        %get3A_427 = arith.index_cast %add3A_354 : i32 to index
        %get3A_428 = arith.constant 64 : index
        %get3A_429 = tpu.vector_load %arg10[%get3A_427, %get3A_428] {strides = array<i32>} : memref<80x144xf32, #tpu.memory_space<vmem>>, vector<16xf32>,
        %mul3A_430 = arith.mulf %get3A_429, %broadcast_in_dim3A_388 : vector<16xf32>
        %swap3A_431 = arith.index_cast %add3A_354 : i32 to index
        %swap3A_432 = arith.constant 64 : index
        %swap3A_433 = tpu.vector_load %arg12[%swap3A_431, %swap3A_432] {strides = array<i32>} : memref<80x144xf32, #tpu.memory_space<vmem>>, vector<16xf32>,
        tpu.vector_store %arg12[%swap3A_431, %swap3A_432], %mul3A_430 {strides = array<i32>} : memref<80x144xf32, #tpu.memory_space<vmem>>, vector<16xf32>,
        %get3A_434 = arith.index_cast %add3A_354 : i32 to index
        %get3A_435 = arith.constant 80 : index
        %get3A_436 = tpu.vector_load %arg10[%get3A_434, %get3A_435] {strides = array<i32>} : memref<80x144xf32, #tpu.memory_space<vmem>>, vector<16xf32>,
        %mul3A_437 = arith.mulf %get3A_436, %broadcast_in_dim3A_388 : vector<16xf32>
        %swap3A_438 = arith.index_cast %add3A_354 : i32 to index
        %swap3A_439 = arith.constant 80 : index
        %swap3A_440 = tpu.vector_load %arg12[%swap3A_438, %swap3A_439] {strides = array<i32>} : memref<80x144xf32, #tpu.memory_space<vmem>>, vector<16xf32>,
        tpu.vector_store %arg12[%swap3A_438, %swap3A_439], %mul3A_437 {strides = array<i32>} : memref<80x144xf32, #tpu.memory_space<vmem>>, vector<16xf32>,
        %get3A_441 = arith.index_cast %add3A_354 : i32 to index
        %get3A_442 = arith.constant 96 : index
        %get3A_443 = tpu.vector_load %arg10[%get3A_441, %get3A_442] {strides = array<i32>} : memref<80x144xf32, #tpu.memory_space<vmem>>, vector<16xf32>,
        %mul3A_444 = arith.mulf %get3A_443, %broadcast_in_dim3A_399 : vector<16xf32>
        %swap3A_445 = arith.index_cast %add3A_354 : i32 to index
        %swap3A_446 = arith.constant 96 : index
        %swap3A_447 = tpu.vector_load %arg12[%swap3A_445, %swap3A_446] {strides = array<i32>} : memref<80x144xf32, #tpu.memory_space<vmem>>, vector<16xf32>,
        tpu.vector_store %arg12[%swap3A_445, %swap3A_446], %mul3A_444 {strides = array<i32>} : memref<80x144xf32, #tpu.memory_space<vmem>>, vector<16xf32>,
        %get3A_448 = arith.index_cast %add3A_354 : i32 to index
        %get3A_449 = arith.constant 112 : index
        %get3A_450 = tpu.vector_load %arg10[%get3A_448, %get3A_449] {strides = array<i32>} : memref<80x144xf32, #tpu.memory_space<vmem>>, vector<16xf32>,
        %mul3A_451 = arith.mulf %get3A_450, %broadcast_in_dim3A_399 : vector<16xf32>
        %swap3A_452 = arith.index_cast %add3A_354 : i32 to index
        %swap3A_453 = arith.constant 112 : index
        %swap3A_454 = tpu.vector_load %arg12[%swap3A_452, %swap3A_453] {strides = array<i32>} : memref<80x144xf32, #tpu.memory_space<vmem>>, vector<16xf32>,
        tpu.vector_store %arg12[%swap3A_452, %swap3A_453], %mul3A_451 {strides = array<i32>} : memref<80x144xf32, #tpu.memory_space<vmem>>, vector<16xf32>,
        %and3A = arith.constant 3 : i32
        %and3A_455 = vector.broadcast %and3A : i32 to vector<16xi32>
        %and3A_456 = arith.andi %iota3A, %and3A_455 : vector<16xi32>
        %gather3A_457 = tpu.vector_load_idx %arg13[%and3A_456, %broadcast_in_dim3A_356] : memref<4x16xf32, #tpu.memory_space<vmem>>[vector<16xi32>, vector<16xi32>], vector<16xf32>,
        %lt3A = arith.constant 4 : i32
        %lt3A_458 = vector.broadcast %lt3A : i32 to vector<16xi32>
        %lt3A_459 = arith.cmpi slt, %iota3A, %lt3A_458 : vector<16xi32>
        %jit3A_460 = arith.constant 0.000000e+00 : f32
        %broadcast_in_dim3A_461 = vector.broadcast %jit3A_460 : f32 to vector<16xf32>
        %select_n3A_462 = arith.select %lt3A_459, %gather3A_457, %broadcast_in_dim3A_461 : vector<16xi1>, vector<16xf32>
        %swap3A_463 = arith.index_cast %add3A_354 : i32 to index
        %swap3A_464 = arith.constant 128 : index
        %swap3A_465 = tpu.vector_load %arg12[%swap3A_463, %swap3A_464] {strides = array<i32>} : memref<80x144xf32, #tpu.memory_space<vmem>>, vector<16xf32>,
        tpu.vector_store %arg12[%swap3A_463, %swap3A_464], %select_n3A_462 {strides = array<i32>} : memref<80x144xf32, #tpu.memory_space<vmem>>, vector<16xf32>,
        %add3A_466 = arith.constant 1 : i32
        %add3A_467 = arith.addi %mul3A_49, %add3A_466 : i32
        %broadcast_in_dim3A_468 = arith.constant 1 : i32
        %broadcast_in_dim3A_469 = vector.broadcast %broadcast_in_dim3A_468 : i32 to vector<16xi32>
        %eq3A_470 = arith.constant 1 : i32
        %eq3A_471 = vector.broadcast %eq3A_470 : i32 to vector<16xi32>
        %eq3A_472 = arith.cmpi eq, %iota3A, %eq3A_471 : vector<16xi32>
        %jit3A_473 = arith.constant 0.000000e+00 : f32
        %broadcast_in_dim3A_474 = vector.broadcast %jit3A_473 : f32 to vector<16xf32>
        %select_n3A_475 = arith.select %eq3A_472, %mul3A_115, %broadcast_in_dim3A_474 : vector<16xi1>, vector<16xf32>
        %reduce_sum3A_476 = arith.constant true
        %reduce_sum3A_477 = vector.broadcast %reduce_sum3A_476 : i1 to vector<16xi1>
        %reduce_sum3A_478 = tpu.scan <sum>, %select_n3A_475 masked %reduce_sum3A_477 : vector<16xf32>, vector<16xi1> -> vector<16xf32>
        %reduce_sum3A_479 = vector.extract %reduce_sum3A_478[15] : f32 from vector<16xf32>
        %broadcast_in_dim3A_480 = vector.broadcast %reduce_sum3A_479 : f32 to vector<16xf32>
        %eq3A_481 = arith.constant 1 : i32
        %eq3A_482 = vector.broadcast %eq3A_481 : i32 to vector<16xi32>
        %eq3A_483 = arith.cmpi eq, %iota3A, %eq3A_482 : vector<16xi32>
        %jit3A_484 = arith.constant 0.000000e+00 : f32
        %broadcast_in_dim3A_485 = vector.broadcast %jit3A_484 : f32 to vector<16xf32>
        %select_n3A_486 = arith.select %eq3A_483, %mul3A_192, %broadcast_in_dim3A_485 : vector<16xi1>, vector<16xf32>
        %reduce_sum3A_487 = arith.constant true
        %reduce_sum3A_488 = vector.broadcast %reduce_sum3A_487 : i1 to vector<16xi1>
        %reduce_sum3A_489 = tpu.scan <sum>, %select_n3A_486 masked %reduce_sum3A_488 : vector<16xf32>, vector<16xi1> -> vector<16xf32>
        %reduce_sum3A_490 = vector.extract %reduce_sum3A_489[15] : f32 from vector<16xf32>
        %broadcast_in_dim3A_491 = vector.broadcast %reduce_sum3A_490 : f32 to vector<16xf32>
        %eq3A_492 = arith.constant 1 : i32
        %eq3A_493 = vector.broadcast %eq3A_492 : i32 to vector<16xi32>
        %eq3A_494 = arith.cmpi eq, %iota3A, %eq3A_493 : vector<16xi32>
        %jit3A_495 = arith.constant 0.000000e+00 : f32
        %broadcast_in_dim3A_496 = vector.broadcast %jit3A_495 : f32 to vector<16xf32>
        %select_n3A_497 = arith.select %eq3A_494, %mul3A_270, %broadcast_in_dim3A_496 : vector<16xi1>, vector<16xf32>
        %reduce_sum3A_498 = arith.constant true
        %reduce_sum3A_499 = vector.broadcast %reduce_sum3A_498 : i1 to vector<16xi1>
        %reduce_sum3A_500 = tpu.scan <sum>, %select_n3A_497 masked %reduce_sum3A_499 : vector<16xf32>, vector<16xi1> -> vector<16xf32>
        %reduce_sum3A_501 = vector.extract %reduce_sum3A_500[15] : f32 from vector<16xf32>
        %broadcast_in_dim3A_502 = vector.broadcast %reduce_sum3A_501 : f32 to vector<16xf32>
        %eq3A_503 = arith.constant 1 : i32
        %eq3A_504 = vector.broadcast %eq3A_503 : i32 to vector<16xi32>
        %eq3A_505 = arith.cmpi eq, %iota3A, %eq3A_504 : vector<16xi32>
        %jit3A_506 = arith.constant 0.000000e+00 : f32
        %broadcast_in_dim3A_507 = vector.broadcast %jit3A_506 : f32 to vector<16xf32>
        %select_n3A_508 = arith.select %eq3A_505, %mul3A_348, %broadcast_in_dim3A_507 : vector<16xi1>, vector<16xf32>
        %reduce_sum3A_509 = arith.constant true
        %reduce_sum3A_510 = vector.broadcast %reduce_sum3A_509 : i1 to vector<16xi1>
        %reduce_sum3A_511 = tpu.scan <sum>, %select_n3A_508 masked %reduce_sum3A_510 : vector<16xf32>, vector<16xi1> -> vector<16xf32>
        %reduce_sum3A_512 = vector.extract %reduce_sum3A_511[15] : f32 from vector<16xf32>
        %broadcast_in_dim3A_513 = vector.broadcast %reduce_sum3A_512 : f32 to vector<16xf32>
        %get3A_514 = arith.index_cast %add3A_467 : i32 to index
        %get3A_515 = arith.constant 0 : index
        %get3A_516 = tpu.vector_load %arg10[%get3A_514, %get3A_515] {strides = array<i32>} : memref<80x144xf32, #tpu.memory_space<vmem>>, vector<16xf32>,
        %mul3A_517 = arith.mulf %get3A_516, %broadcast_in_dim3A_480 : vector<16xf32>
        %swap3A_518 = arith.index_cast %add3A_467 : i32 to index
        %swap3A_519 = arith.constant 0 : index
        %swap3A_520 = tpu.vector_load %arg12[%swap3A_518, %swap3A_519] {strides = array<i32>} : memref<80x144xf32, #tpu.memory_space<vmem>>, vector<16xf32>,
        tpu.vector_store %arg12[%swap3A_518, %swap3A_519], %mul3A_517 {strides = array<i32>} : memref<80x144xf32, #tpu.memory_space<vmem>>, vector<16xf32>,
        %get3A_521 = arith.index_cast %add3A_467 : i32 to index
        %get3A_522 = arith.constant 16 : index
        %get3A_523 = tpu.vector_load %arg10[%get3A_521, %get3A_522] {strides = array<i32>} : memref<80x144xf32, #tpu.memory_space<vmem>>, vector<16xf32>,
        %mul3A_524 = arith.mulf %get3A_523, %broadcast_in_dim3A_480 : vector<16xf32>
        %swap3A_525 = arith.index_cast %add3A_467 : i32 to index
        %swap3A_526 = arith.constant 16 : index
        %swap3A_527 = tpu.vector_load %arg12[%swap3A_525, %swap3A_526] {strides = array<i32>} : memref<80x144xf32, #tpu.memory_space<vmem>>, vector<16xf32>,
        tpu.vector_store %arg12[%swap3A_525, %swap3A_526], %mul3A_524 {strides = array<i32>} : memref<80x144xf32, #tpu.memory_space<vmem>>, vector<16xf32>,
        %get3A_528 = arith.index_cast %add3A_467 : i32 to index
        %get3A_529 = arith.constant 32 : index
        %get3A_530 = tpu.vector_load %arg10[%get3A_528, %get3A_529] {strides = array<i32>} : memref<80x144xf32, #tpu.memory_space<vmem>>, vector<16xf32>,
        %mul3A_531 = arith.mulf %get3A_530, %broadcast_in_dim3A_491 : vector<16xf32>
        %swap3A_532 = arith.index_cast %add3A_467 : i32 to index
        %swap3A_533 = arith.constant 32 : index
        %swap3A_534 = tpu.vector_load %arg12[%swap3A_532, %swap3A_533] {strides = array<i32>} : memref<80x144xf32, #tpu.memory_space<vmem>>, vector<16xf32>,
        tpu.vector_store %arg12[%swap3A_532, %swap3A_533], %mul3A_531 {strides = array<i32>} : memref<80x144xf32, #tpu.memory_space<vmem>>, vector<16xf32>,
        %get3A_535 = arith.index_cast %add3A_467 : i32 to index
        %get3A_536 = arith.constant 48 : index
        %get3A_537 = tpu.vector_load %arg10[%get3A_535, %get3A_536] {strides = array<i32>} : memref<80x144xf32, #tpu.memory_space<vmem>>, vector<16xf32>,
        %mul3A_538 = arith.mulf %get3A_537, %broadcast_in_dim3A_491 : vector<16xf32>
        %swap3A_539 = arith.index_cast %add3A_467 : i32 to index
        %swap3A_540 = arith.constant 48 : index
        %swap3A_541 = tpu.vector_load %arg12[%swap3A_539, %swap3A_540] {strides = array<i32>} : memref<80x144xf32, #tpu.memory_space<vmem>>, vector<16xf32>,
        tpu.vector_store %arg12[%swap3A_539, %swap3A_540], %mul3A_538 {strides = array<i32>} : memref<80x144xf32, #tpu.memory_space<vmem>>, vector<16xf32>,
        %get3A_542 = arith.index_cast %add3A_467 : i32 to index
        %get3A_543 = arith.constant 64 : index
        %get3A_544 = tpu.vector_load %arg10[%get3A_542, %get3A_543] {strides = array<i32>} : memref<80x144xf32, #tpu.memory_space<vmem>>, vector<16xf32>,
        %mul3A_545 = arith.mulf %get3A_544, %broadcast_in_dim3A_502 : vector<16xf32>
        %swap3A_546 = arith.index_cast %add3A_467 : i32 to index
        %swap3A_547 = arith.constant 64 : index
        %swap3A_548 = tpu.vector_load %arg12[%swap3A_546, %swap3A_547] {strides = array<i32>} : memref<80x144xf32, #tpu.memory_space<vmem>>, vector<16xf32>,
        tpu.vector_store %arg12[%swap3A_546, %swap3A_547], %mul3A_545 {strides = array<i32>} : memref<80x144xf32, #tpu.memory_space<vmem>>, vector<16xf32>,
        %get3A_549 = arith.index_cast %add3A_467 : i32 to index
        %get3A_550 = arith.constant 80 : index
        %get3A_551 = tpu.vector_load %arg10[%get3A_549, %get3A_550] {strides = array<i32>} : memref<80x144xf32, #tpu.memory_space<vmem>>, vector<16xf32>,
        %mul3A_552 = arith.mulf %get3A_551, %broadcast_in_dim3A_502 : vector<16xf32>
        %swap3A_553 = arith.index_cast %add3A_467 : i32 to index
        %swap3A_554 = arith.constant 80 : index
        %swap3A_555 = tpu.vector_load %arg12[%swap3A_553, %swap3A_554] {strides = array<i32>} : memref<80x144xf32, #tpu.memory_space<vmem>>, vector<16xf32>,
        tpu.vector_store %arg12[%swap3A_553, %swap3A_554], %mul3A_552 {strides = array<i32>} : memref<80x144xf32, #tpu.memory_space<vmem>>, vector<16xf32>,
        %get3A_556 = arith.index_cast %add3A_467 : i32 to index
        %get3A_557 = arith.constant 96 : index
        %get3A_558 = tpu.vector_load %arg10[%get3A_556, %get3A_557] {strides = array<i32>} : memref<80x144xf32, #tpu.memory_space<vmem>>, vector<16xf32>,
        %mul3A_559 = arith.mulf %get3A_558, %broadcast_in_dim3A_513 : vector<16xf32>
        %swap3A_560 = arith.index_cast %add3A_467 : i32 to index
        %swap3A_561 = arith.constant 96 : index
        %swap3A_562 = tpu.vector_load %arg12[%swap3A_560, %swap3A_561] {strides = array<i32>} : memref<80x144xf32, #tpu.memory_space<vmem>>, vector<16xf32>,
        tpu.vector_store %arg12[%swap3A_560, %swap3A_561], %mul3A_559 {strides = array<i32>} : memref<80x144xf32, #tpu.memory_space<vmem>>, vector<16xf32>,
        %get3A_563 = arith.index_cast %add3A_467 : i32 to index
        %get3A_564 = arith.constant 112 : index
        %get3A_565 = tpu.vector_load %arg10[%get3A_563, %get3A_564] {strides = array<i32>} : memref<80x144xf32, #tpu.memory_space<vmem>>, vector<16xf32>,
        %mul3A_566 = arith.mulf %get3A_565, %broadcast_in_dim3A_513 : vector<16xf32>
        %swap3A_567 = arith.index_cast %add3A_467 : i32 to index
        %swap3A_568 = arith.constant 112 : index
        %swap3A_569 = tpu.vector_load %arg12[%swap3A_567, %swap3A_568] {strides = array<i32>} : memref<80x144xf32, #tpu.memory_space<vmem>>, vector<16xf32>,
        tpu.vector_store %arg12[%swap3A_567, %swap3A_568], %mul3A_566 {strides = array<i32>} : memref<80x144xf32, #tpu.memory_space<vmem>>, vector<16xf32>,
        %and3A_570 = arith.constant 3 : i32
        %and3A_571 = vector.broadcast %and3A_570 : i32 to vector<16xi32>
        %and3A_572 = arith.andi %iota3A, %and3A_571 : vector<16xi32>
        %gather3A_573 = tpu.vector_load_idx %arg13[%and3A_572, %broadcast_in_dim3A_469] : memref<4x16xf32, #tpu.memory_space<vmem>>[vector<16xi32>, vector<16xi32>], vector<16xf32>,
        %lt3A_574 = arith.constant 4 : i32
        %lt3A_575 = vector.broadcast %lt3A_574 : i32 to vector<16xi32>
        %lt3A_576 = arith.cmpi slt, %iota3A, %lt3A_575 : vector<16xi32>
        %jit3A_577 = arith.constant 0.000000e+00 : f32
        %broadcast_in_dim3A_578 = vector.broadcast %jit3A_577 : f32 to vector<16xf32>
        %select_n3A_579 = arith.select %lt3A_576, %gather3A_573, %broadcast_in_dim3A_578 : vector<16xi1>, vector<16xf32>
        %swap3A_580 = arith.index_cast %add3A_467 : i32 to index
        %swap3A_581 = arith.constant 128 : index
        %swap3A_582 = tpu.vector_load %arg12[%swap3A_580, %swap3A_581] {strides = array<i32>} : memref<80x144xf32, #tpu.memory_space<vmem>>, vector<16xf32>,
        tpu.vector_store %arg12[%swap3A_580, %swap3A_581], %select_n3A_579 {strides = array<i32>} : memref<80x144xf32, #tpu.memory_space<vmem>>, vector<16xf32>,
        %add3A_583 = arith.constant 2 : i32
        %add3A_584 = arith.addi %mul3A_49, %add3A_583 : i32
        %broadcast_in_dim3A_585 = arith.constant 2 : i32
        %broadcast_in_dim3A_586 = vector.broadcast %broadcast_in_dim3A_585 : i32 to vector<16xi32>
        %eq3A_587 = arith.constant 2 : i32
        %eq3A_588 = vector.broadcast %eq3A_587 : i32 to vector<16xi32>
        %eq3A_589 = arith.cmpi eq, %iota3A, %eq3A_588 : vector<16xi32>
        %jit3A_590 = arith.constant 0.000000e+00 : f32
        %broadcast_in_dim3A_591 = vector.broadcast %jit3A_590 : f32 to vector<16xf32>
        %select_n3A_592 = arith.select %eq3A_589, %mul3A_115, %broadcast_in_dim3A_591 : vector<16xi1>, vector<16xf32>
        %reduce_sum3A_593 = arith.constant true
        %reduce_sum3A_594 = vector.broadcast %reduce_sum3A_593 : i1 to vector<16xi1>
        %reduce_sum3A_595 = tpu.scan <sum>, %select_n3A_592 masked %reduce_sum3A_594 : vector<16xf32>, vector<16xi1> -> vector<16xf32>
        %reduce_sum3A_596 = vector.extract %reduce_sum3A_595[15] : f32 from vector<16xf32>
        %broadcast_in_dim3A_597 = vector.broadcast %reduce_sum3A_596 : f32 to vector<16xf32>
        %eq3A_598 = arith.constant 2 : i32
        %eq3A_599 = vector.broadcast %eq3A_598 : i32 to vector<16xi32>
        %eq3A_600 = arith.cmpi eq, %iota3A, %eq3A_599 : vector<16xi32>
        %jit3A_601 = arith.constant 0.000000e+00 : f32
        %broadcast_in_dim3A_602 = vector.broadcast %jit3A_601 : f32 to vector<16xf32>
        %select_n3A_603 = arith.select %eq3A_600, %mul3A_192, %broadcast_in_dim3A_602 : vector<16xi1>, vector<16xf32>
        %reduce_sum3A_604 = arith.constant true
        %reduce_sum3A_605 = vector.broadcast %reduce_sum3A_604 : i1 to vector<16xi1>
        %reduce_sum3A_606 = tpu.scan <sum>, %select_n3A_603 masked %reduce_sum3A_605 : vector<16xf32>, vector<16xi1> -> vector<16xf32>
        %reduce_sum3A_607 = vector.extract %reduce_sum3A_606[15] : f32 from vector<16xf32>
        %broadcast_in_dim3A_608 = vector.broadcast %reduce_sum3A_607 : f32 to vector<16xf32>
        %eq3A_609 = arith.constant 2 : i32
        %eq3A_610 = vector.broadcast %eq3A_609 : i32 to vector<16xi32>
        %eq3A_611 = arith.cmpi eq, %iota3A, %eq3A_610 : vector<16xi32>
        %jit3A_612 = arith.constant 0.000000e+00 : f32
        %broadcast_in_dim3A_613 = vector.broadcast %jit3A_612 : f32 to vector<16xf32>
        %select_n3A_614 = arith.select %eq3A_611, %mul3A_270, %broadcast_in_dim3A_613 : vector<16xi1>, vector<16xf32>
        %reduce_sum3A_615 = arith.constant true
        %reduce_sum3A_616 = vector.broadcast %reduce_sum3A_615 : i1 to vector<16xi1>
        %reduce_sum3A_617 = tpu.scan <sum>, %select_n3A_614 masked %reduce_sum3A_616 : vector<16xf32>, vector<16xi1> -> vector<16xf32>
        %reduce_sum3A_618 = vector.extract %reduce_sum3A_617[15] : f32 from vector<16xf32>
        %broadcast_in_dim3A_619 = vector.broadcast %reduce_sum3A_618 : f32 to vector<16xf32>
        %eq3A_620 = arith.constant 2 : i32
        %eq3A_621 = vector.broadcast %eq3A_620 : i32 to vector<16xi32>
        %eq3A_622 = arith.cmpi eq, %iota3A, %eq3A_621 : vector<16xi32>
        %jit3A_623 = arith.constant 0.000000e+00 : f32
        %broadcast_in_dim3A_624 = vector.broadcast %jit3A_623 : f32 to vector<16xf32>
        %select_n3A_625 = arith.select %eq3A_622, %mul3A_348, %broadcast_in_dim3A_624 : vector<16xi1>, vector<16xf32>
        %reduce_sum3A_626 = arith.constant true
        %reduce_sum3A_627 = vector.broadcast %reduce_sum3A_626 : i1 to vector<16xi1>
        %reduce_sum3A_628 = tpu.scan <sum>, %select_n3A_625 masked %reduce_sum3A_627 : vector<16xf32>, vector<16xi1> -> vector<16xf32>
        %reduce_sum3A_629 = vector.extract %reduce_sum3A_628[15] : f32 from vector<16xf32>
        %broadcast_in_dim3A_630 = vector.broadcast %reduce_sum3A_629 : f32 to vector<16xf32>
        %get3A_631 = arith.index_cast %add3A_584 : i32 to index
        %get3A_632 = arith.constant 0 : index
        %get3A_633 = tpu.vector_load %arg10[%get3A_631, %get3A_632] {strides = array<i32>} : memref<80x144xf32, #tpu.memory_space<vmem>>, vector<16xf32>,
        %mul3A_634 = arith.mulf %get3A_633, %broadcast_in_dim3A_597 : vector<16xf32>
        %swap3A_635 = arith.index_cast %add3A_584 : i32 to index
        %swap3A_636 = arith.constant 0 : index
        %swap3A_637 = tpu.vector_load %arg12[%swap3A_635, %swap3A_636] {strides = array<i32>} : memref<80x144xf32, #tpu.memory_space<vmem>>, vector<16xf32>,
        tpu.vector_store %arg12[%swap3A_635, %swap3A_636], %mul3A_634 {strides = array<i32>} : memref<80x144xf32, #tpu.memory_space<vmem>>, vector<16xf32>,
        %get3A_638 = arith.index_cast %add3A_584 : i32 to index
        %get3A_639 = arith.constant 16 : index
        %get3A_640 = tpu.vector_load %arg10[%get3A_638, %get3A_639] {strides = array<i32>} : memref<80x144xf32, #tpu.memory_space<vmem>>, vector<16xf32>,
        %mul3A_641 = arith.mulf %get3A_640, %broadcast_in_dim3A_597 : vector<16xf32>
        %swap3A_642 = arith.index_cast %add3A_584 : i32 to index
        %swap3A_643 = arith.constant 16 : index
        %swap3A_644 = tpu.vector_load %arg12[%swap3A_642, %swap3A_643] {strides = array<i32>} : memref<80x144xf32, #tpu.memory_space<vmem>>, vector<16xf32>,
        tpu.vector_store %arg12[%swap3A_642, %swap3A_643], %mul3A_641 {strides = array<i32>} : memref<80x144xf32, #tpu.memory_space<vmem>>, vector<16xf32>,
        %get3A_645 = arith.index_cast %add3A_584 : i32 to index
        %get3A_646 = arith.constant 32 : index
        %get3A_647 = tpu.vector_load %arg10[%get3A_645, %get3A_646] {strides = array<i32>} : memref<80x144xf32, #tpu.memory_space<vmem>>, vector<16xf32>,
        %mul3A_648 = arith.mulf %get3A_647, %broadcast_in_dim3A_608 : vector<16xf32>
        %swap3A_649 = arith.index_cast %add3A_584 : i32 to index
        %swap3A_650 = arith.constant 32 : index
        %swap3A_651 = tpu.vector_load %arg12[%swap3A_649, %swap3A_650] {strides = array<i32>} : memref<80x144xf32, #tpu.memory_space<vmem>>, vector<16xf32>,
        tpu.vector_store %arg12[%swap3A_649, %swap3A_650], %mul3A_648 {strides = array<i32>} : memref<80x144xf32, #tpu.memory_space<vmem>>, vector<16xf32>,
        %get3A_652 = arith.index_cast %add3A_584 : i32 to index
        %get3A_653 = arith.constant 48 : index
        %get3A_654 = tpu.vector_load %arg10[%get3A_652, %get3A_653] {strides = array<i32>} : memref<80x144xf32, #tpu.memory_space<vmem>>, vector<16xf32>,
        %mul3A_655 = arith.mulf %get3A_654, %broadcast_in_dim3A_608 : vector<16xf32>
        %swap3A_656 = arith.index_cast %add3A_584 : i32 to index
        %swap3A_657 = arith.constant 48 : index
        %swap3A_658 = tpu.vector_load %arg12[%swap3A_656, %swap3A_657] {strides = array<i32>} : memref<80x144xf32, #tpu.memory_space<vmem>>, vector<16xf32>,
        tpu.vector_store %arg12[%swap3A_656, %swap3A_657], %mul3A_655 {strides = array<i32>} : memref<80x144xf32, #tpu.memory_space<vmem>>, vector<16xf32>,
        %get3A_659 = arith.index_cast %add3A_584 : i32 to index
        %get3A_660 = arith.constant 64 : index
        %get3A_661 = tpu.vector_load %arg10[%get3A_659, %get3A_660] {strides = array<i32>} : memref<80x144xf32, #tpu.memory_space<vmem>>, vector<16xf32>,
        %mul3A_662 = arith.mulf %get3A_661, %broadcast_in_dim3A_619 : vector<16xf32>
        %swap3A_663 = arith.index_cast %add3A_584 : i32 to index
        %swap3A_664 = arith.constant 64 : index
        %swap3A_665 = tpu.vector_load %arg12[%swap3A_663, %swap3A_664] {strides = array<i32>} : memref<80x144xf32, #tpu.memory_space<vmem>>, vector<16xf32>,
        tpu.vector_store %arg12[%swap3A_663, %swap3A_664], %mul3A_662 {strides = array<i32>} : memref<80x144xf32, #tpu.memory_space<vmem>>, vector<16xf32>,
        %get3A_666 = arith.index_cast %add3A_584 : i32 to index
        %get3A_667 = arith.constant 80 : index
        %get3A_668 = tpu.vector_load %arg10[%get3A_666, %get3A_667] {strides = array<i32>} : memref<80x144xf32, #tpu.memory_space<vmem>>, vector<16xf32>,
        %mul3A_669 = arith.mulf %get3A_668, %broadcast_in_dim3A_619 : vector<16xf32>
        %swap3A_670 = arith.index_cast %add3A_584 : i32 to index
        %swap3A_671 = arith.constant 80 : index
        %swap3A_672 = tpu.vector_load %arg12[%swap3A_670, %swap3A_671] {strides = array<i32>} : memref<80x144xf32, #tpu.memory_space<vmem>>, vector<16xf32>,
        tpu.vector_store %arg12[%swap3A_670, %swap3A_671], %mul3A_669 {strides = array<i32>} : memref<80x144xf32, #tpu.memory_space<vmem>>, vector<16xf32>,
        %get3A_673 = arith.index_cast %add3A_584 : i32 to index
        %get3A_674 = arith.constant 96 : index
        %get3A_675 = tpu.vector_load %arg10[%get3A_673, %get3A_674] {strides = array<i32>} : memref<80x144xf32, #tpu.memory_space<vmem>>, vector<16xf32>,
        %mul3A_676 = arith.mulf %get3A_675, %broadcast_in_dim3A_630 : vector<16xf32>
        %swap3A_677 = arith.index_cast %add3A_584 : i32 to index
        %swap3A_678 = arith.constant 96 : index
        %swap3A_679 = tpu.vector_load %arg12[%swap3A_677, %swap3A_678] {strides = array<i32>} : memref<80x144xf32, #tpu.memory_space<vmem>>, vector<16xf32>,
        tpu.vector_store %arg12[%swap3A_677, %swap3A_678], %mul3A_676 {strides = array<i32>} : memref<80x144xf32, #tpu.memory_space<vmem>>, vector<16xf32>,
        %get3A_680 = arith.index_cast %add3A_584 : i32 to index
        %get3A_681 = arith.constant 112 : index
        %get3A_682 = tpu.vector_load %arg10[%get3A_680, %get3A_681] {strides = array<i32>} : memref<80x144xf32, #tpu.memory_space<vmem>>, vector<16xf32>,
        %mul3A_683 = arith.mulf %get3A_682, %broadcast_in_dim3A_630 : vector<16xf32>
        %swap3A_684 = arith.index_cast %add3A_584 : i32 to index
        %swap3A_685 = arith.constant 112 : index
        %swap3A_686 = tpu.vector_load %arg12[%swap3A_684, %swap3A_685] {strides = array<i32>} : memref<80x144xf32, #tpu.memory_space<vmem>>, vector<16xf32>,
        tpu.vector_store %arg12[%swap3A_684, %swap3A_685], %mul3A_683 {strides = array<i32>} : memref<80x144xf32, #tpu.memory_space<vmem>>, vector<16xf32>,
        %and3A_687 = arith.constant 3 : i32
        %and3A_688 = vector.broadcast %and3A_687 : i32 to vector<16xi32>
        %and3A_689 = arith.andi %iota3A, %and3A_688 : vector<16xi32>
        %gather3A_690 = tpu.vector_load_idx %arg13[%and3A_689, %broadcast_in_dim3A_586] : memref<4x16xf32, #tpu.memory_space<vmem>>[vector<16xi32>, vector<16xi32>], vector<16xf32>,
        %lt3A_691 = arith.constant 4 : i32
        %lt3A_692 = vector.broadcast %lt3A_691 : i32 to vector<16xi32>
        %lt3A_693 = arith.cmpi slt, %iota3A, %lt3A_692 : vector<16xi32>
        %jit3A_694 = arith.constant 0.000000e+00 : f32
        %broadcast_in_dim3A_695 = vector.broadcast %jit3A_694 : f32 to vector<16xf32>
        %select_n3A_696 = arith.select %lt3A_693, %gather3A_690, %broadcast_in_dim3A_695 : vector<16xi1>, vector<16xf32>
        %swap3A_697 = arith.index_cast %add3A_584 : i32 to index
        %swap3A_698 = arith.constant 128 : index
        %swap3A_699 = tpu.vector_load %arg12[%swap3A_697, %swap3A_698] {strides = array<i32>} : memref<80x144xf32, #tpu.memory_space<vmem>>, vector<16xf32>,
        tpu.vector_store %arg12[%swap3A_697, %swap3A_698], %select_n3A_696 {strides = array<i32>} : memref<80x144xf32, #tpu.memory_space<vmem>>, vector<16xf32>,
        %add3A_700 = arith.constant 3 : i32
        %add3A_701 = arith.addi %mul3A_49, %add3A_700 : i32
        %broadcast_in_dim3A_702 = arith.constant 3 : i32
        %broadcast_in_dim3A_703 = vector.broadcast %broadcast_in_dim3A_702 : i32 to vector<16xi32>
        %eq3A_704 = arith.constant 3 : i32
        %eq3A_705 = vector.broadcast %eq3A_704 : i32 to vector<16xi32>
        %eq3A_706 = arith.cmpi eq, %iota3A, %eq3A_705 : vector<16xi32>
        %jit3A_707 = arith.constant 0.000000e+00 : f32
        %broadcast_in_dim3A_708 = vector.broadcast %jit3A_707 : f32 to vector<16xf32>
        %select_n3A_709 = arith.select %eq3A_706, %mul3A_115, %broadcast_in_dim3A_708 : vector<16xi1>, vector<16xf32>
        %reduce_sum3A_710 = arith.constant true
        %reduce_sum3A_711 = vector.broadcast %reduce_sum3A_710 : i1 to vector<16xi1>
        %reduce_sum3A_712 = tpu.scan <sum>, %select_n3A_709 masked %reduce_sum3A_711 : vector<16xf32>, vector<16xi1> -> vector<16xf32>
        %reduce_sum3A_713 = vector.extract %reduce_sum3A_712[15] : f32 from vector<16xf32>
        %broadcast_in_dim3A_714 = vector.broadcast %reduce_sum3A_713 : f32 to vector<16xf32>
        %eq3A_715 = arith.constant 3 : i32
        %eq3A_716 = vector.broadcast %eq3A_715 : i32 to vector<16xi32>
        %eq3A_717 = arith.cmpi eq, %iota3A, %eq3A_716 : vector<16xi32>
        %jit3A_718 = arith.constant 0.000000e+00 : f32
        %broadcast_in_dim3A_719 = vector.broadcast %jit3A_718 : f32 to vector<16xf32>
        %select_n3A_720 = arith.select %eq3A_717, %mul3A_192, %broadcast_in_dim3A_719 : vector<16xi1>, vector<16xf32>
        %reduce_sum3A_721 = arith.constant true
        %reduce_sum3A_722 = vector.broadcast %reduce_sum3A_721 : i1 to vector<16xi1>
        %reduce_sum3A_723 = tpu.scan <sum>, %select_n3A_720 masked %reduce_sum3A_722 : vector<16xf32>, vector<16xi1> -> vector<16xf32>
        %reduce_sum3A_724 = vector.extract %reduce_sum3A_723[15] : f32 from vector<16xf32>
        %broadcast_in_dim3A_725 = vector.broadcast %reduce_sum3A_724 : f32 to vector<16xf32>
        %eq3A_726 = arith.constant 3 : i32
        %eq3A_727 = vector.broadcast %eq3A_726 : i32 to vector<16xi32>
        %eq3A_728 = arith.cmpi eq, %iota3A, %eq3A_727 : vector<16xi32>
        %jit3A_729 = arith.constant 0.000000e+00 : f32
        %broadcast_in_dim3A_730 = vector.broadcast %jit3A_729 : f32 to vector<16xf32>
        %select_n3A_731 = arith.select %eq3A_728, %mul3A_270, %broadcast_in_dim3A_730 : vector<16xi1>, vector<16xf32>
        %reduce_sum3A_732 = arith.constant true
        %reduce_sum3A_733 = vector.broadcast %reduce_sum3A_732 : i1 to vector<16xi1>
        %reduce_sum3A_734 = tpu.scan <sum>, %select_n3A_731 masked %reduce_sum3A_733 : vector<16xf32>, vector<16xi1> -> vector<16xf32>
        %reduce_sum3A_735 = vector.extract %reduce_sum3A_734[15] : f32 from vector<16xf32>
        %broadcast_in_dim3A_736 = vector.broadcast %reduce_sum3A_735 : f32 to vector<16xf32>
        %eq3A_737 = arith.constant 3 : i32
        %eq3A_738 = vector.broadcast %eq3A_737 : i32 to vector<16xi32>
        %eq3A_739 = arith.cmpi eq, %iota3A, %eq3A_738 : vector<16xi32>
        %jit3A_740 = arith.constant 0.000000e+00 : f32
        %broadcast_in_dim3A_741 = vector.broadcast %jit3A_740 : f32 to vector<16xf32>
        %select_n3A_742 = arith.select %eq3A_739, %mul3A_348, %broadcast_in_dim3A_741 : vector<16xi1>, vector<16xf32>
        %reduce_sum3A_743 = arith.constant true
        %reduce_sum3A_744 = vector.broadcast %reduce_sum3A_743 : i1 to vector<16xi1>
        %reduce_sum3A_745 = tpu.scan <sum>, %select_n3A_742 masked %reduce_sum3A_744 : vector<16xf32>, vector<16xi1> -> vector<16xf32>
        %reduce_sum3A_746 = vector.extract %reduce_sum3A_745[15] : f32 from vector<16xf32>
        %broadcast_in_dim3A_747 = vector.broadcast %reduce_sum3A_746 : f32 to vector<16xf32>
        %get3A_748 = arith.index_cast %add3A_701 : i32 to index
        %get3A_749 = arith.constant 0 : index
        %get3A_750 = tpu.vector_load %arg10[%get3A_748, %get3A_749] {strides = array<i32>} : memref<80x144xf32, #tpu.memory_space<vmem>>, vector<16xf32>,
        %mul3A_751 = arith.mulf %get3A_750, %broadcast_in_dim3A_714 : vector<16xf32>
        %swap3A_752 = arith.index_cast %add3A_701 : i32 to index
        %swap3A_753 = arith.constant 0 : index
        %swap3A_754 = tpu.vector_load %arg12[%swap3A_752, %swap3A_753] {strides = array<i32>} : memref<80x144xf32, #tpu.memory_space<vmem>>, vector<16xf32>,
        tpu.vector_store %arg12[%swap3A_752, %swap3A_753], %mul3A_751 {strides = array<i32>} : memref<80x144xf32, #tpu.memory_space<vmem>>, vector<16xf32>,
        %get3A_755 = arith.index_cast %add3A_701 : i32 to index
        %get3A_756 = arith.constant 16 : index
        %get3A_757 = tpu.vector_load %arg10[%get3A_755, %get3A_756] {strides = array<i32>} : memref<80x144xf32, #tpu.memory_space<vmem>>, vector<16xf32>,
        %mul3A_758 = arith.mulf %get3A_757, %broadcast_in_dim3A_714 : vector<16xf32>
        %swap3A_759 = arith.index_cast %add3A_701 : i32 to index
        %swap3A_760 = arith.constant 16 : index
        %swap3A_761 = tpu.vector_load %arg12[%swap3A_759, %swap3A_760] {strides = array<i32>} : memref<80x144xf32, #tpu.memory_space<vmem>>, vector<16xf32>,
        tpu.vector_store %arg12[%swap3A_759, %swap3A_760], %mul3A_758 {strides = array<i32>} : memref<80x144xf32, #tpu.memory_space<vmem>>, vector<16xf32>,
        %get3A_762 = arith.index_cast %add3A_701 : i32 to index
        %get3A_763 = arith.constant 32 : index
        %get3A_764 = tpu.vector_load %arg10[%get3A_762, %get3A_763] {strides = array<i32>} : memref<80x144xf32, #tpu.memory_space<vmem>>, vector<16xf32>,
        %mul3A_765 = arith.mulf %get3A_764, %broadcast_in_dim3A_725 : vector<16xf32>
        %swap3A_766 = arith.index_cast %add3A_701 : i32 to index
        %swap3A_767 = arith.constant 32 : index
        %swap3A_768 = tpu.vector_load %arg12[%swap3A_766, %swap3A_767] {strides = array<i32>} : memref<80x144xf32, #tpu.memory_space<vmem>>, vector<16xf32>,
        tpu.vector_store %arg12[%swap3A_766, %swap3A_767], %mul3A_765 {strides = array<i32>} : memref<80x144xf32, #tpu.memory_space<vmem>>, vector<16xf32>,
        %get3A_769 = arith.index_cast %add3A_701 : i32 to index
        %get3A_770 = arith.constant 48 : index
        %get3A_771 = tpu.vector_load %arg10[%get3A_769, %get3A_770] {strides = array<i32>} : memref<80x144xf32, #tpu.memory_space<vmem>>, vector<16xf32>,
        %mul3A_772 = arith.mulf %get3A_771, %broadcast_in_dim3A_725 : vector<16xf32>
        %swap3A_773 = arith.index_cast %add3A_701 : i32 to index
        %swap3A_774 = arith.constant 48 : index
        %swap3A_775 = tpu.vector_load %arg12[%swap3A_773, %swap3A_774] {strides = array<i32>} : memref<80x144xf32, #tpu.memory_space<vmem>>, vector<16xf32>,
        tpu.vector_store %arg12[%swap3A_773, %swap3A_774], %mul3A_772 {strides = array<i32>} : memref<80x144xf32, #tpu.memory_space<vmem>>, vector<16xf32>,
        %get3A_776 = arith.index_cast %add3A_701 : i32 to index
        %get3A_777 = arith.constant 64 : index
        %get3A_778 = tpu.vector_load %arg10[%get3A_776, %get3A_777] {strides = array<i32>} : memref<80x144xf32, #tpu.memory_space<vmem>>, vector<16xf32>,
        %mul3A_779 = arith.mulf %get3A_778, %broadcast_in_dim3A_736 : vector<16xf32>
        %swap3A_780 = arith.index_cast %add3A_701 : i32 to index
        %swap3A_781 = arith.constant 64 : index
        %swap3A_782 = tpu.vector_load %arg12[%swap3A_780, %swap3A_781] {strides = array<i32>} : memref<80x144xf32, #tpu.memory_space<vmem>>, vector<16xf32>,
        tpu.vector_store %arg12[%swap3A_780, %swap3A_781], %mul3A_779 {strides = array<i32>} : memref<80x144xf32, #tpu.memory_space<vmem>>, vector<16xf32>,
        %get3A_783 = arith.index_cast %add3A_701 : i32 to index
        %get3A_784 = arith.constant 80 : index
        %get3A_785 = tpu.vector_load %arg10[%get3A_783, %get3A_784] {strides = array<i32>} : memref<80x144xf32, #tpu.memory_space<vmem>>, vector<16xf32>,
        %mul3A_786 = arith.mulf %get3A_785, %broadcast_in_dim3A_736 : vector<16xf32>
        %swap3A_787 = arith.index_cast %add3A_701 : i32 to index
        %swap3A_788 = arith.constant 80 : index
        %swap3A_789 = tpu.vector_load %arg12[%swap3A_787, %swap3A_788] {strides = array<i32>} : memref<80x144xf32, #tpu.memory_space<vmem>>, vector<16xf32>,
        tpu.vector_store %arg12[%swap3A_787, %swap3A_788], %mul3A_786 {strides = array<i32>} : memref<80x144xf32, #tpu.memory_space<vmem>>, vector<16xf32>,
        %get3A_790 = arith.index_cast %add3A_701 : i32 to index
        %get3A_791 = arith.constant 96 : index
        %get3A_792 = tpu.vector_load %arg10[%get3A_790, %get3A_791] {strides = array<i32>} : memref<80x144xf32, #tpu.memory_space<vmem>>, vector<16xf32>,
        %mul3A_793 = arith.mulf %get3A_792, %broadcast_in_dim3A_747 : vector<16xf32>
        %swap3A_794 = arith.index_cast %add3A_701 : i32 to index
        %swap3A_795 = arith.constant 96 : index
        %swap3A_796 = tpu.vector_load %arg12[%swap3A_794, %swap3A_795] {strides = array<i32>} : memref<80x144xf32, #tpu.memory_space<vmem>>, vector<16xf32>,
        tpu.vector_store %arg12[%swap3A_794, %swap3A_795], %mul3A_793 {strides = array<i32>} : memref<80x144xf32, #tpu.memory_space<vmem>>, vector<16xf32>,
        %get3A_797 = arith.index_cast %add3A_701 : i32 to index
        %get3A_798 = arith.constant 112 : index
        %get3A_799 = tpu.vector_load %arg10[%get3A_797, %get3A_798] {strides = array<i32>} : memref<80x144xf32, #tpu.memory_space<vmem>>, vector<16xf32>,
        %mul3A_800 = arith.mulf %get3A_799, %broadcast_in_dim3A_747 : vector<16xf32>
        %swap3A_801 = arith.index_cast %add3A_701 : i32 to index
        %swap3A_802 = arith.constant 112 : index
        %swap3A_803 = tpu.vector_load %arg12[%swap3A_801, %swap3A_802] {strides = array<i32>} : memref<80x144xf32, #tpu.memory_space<vmem>>, vector<16xf32>,
        tpu.vector_store %arg12[%swap3A_801, %swap3A_802], %mul3A_800 {strides = array<i32>} : memref<80x144xf32, #tpu.memory_space<vmem>>, vector<16xf32>,
        %and3A_804 = arith.constant 3 : i32
        %and3A_805 = vector.broadcast %and3A_804 : i32 to vector<16xi32>
        %and3A_806 = arith.andi %iota3A, %and3A_805 : vector<16xi32>
        %gather3A_807 = tpu.vector_load_idx %arg13[%and3A_806, %broadcast_in_dim3A_703] : memref<4x16xf32, #tpu.memory_space<vmem>>[vector<16xi32>, vector<16xi32>], vector<16xf32>,
        %lt3A_808 = arith.constant 4 : i32
        %lt3A_809 = vector.broadcast %lt3A_808 : i32 to vector<16xi32>
        %lt3A_810 = arith.cmpi slt, %iota3A, %lt3A_809 : vector<16xi32>
        %jit3A_811 = arith.constant 0.000000e+00 : f32
        %broadcast_in_dim3A_812 = vector.broadcast %jit3A_811 : f32 to vector<16xf32>
        %select_n3A_813 = arith.select %lt3A_810, %gather3A_807, %broadcast_in_dim3A_812 : vector<16xi1>, vector<16xf32>
        %swap3A_814 = arith.index_cast %add3A_701 : i32 to index
        %swap3A_815 = arith.constant 128 : index
        %swap3A_816 = tpu.vector_load %arg12[%swap3A_814, %swap3A_815] {strides = array<i32>} : memref<80x144xf32, #tpu.memory_space<vmem>>, vector<16xf32>,
        tpu.vector_store %arg12[%swap3A_814, %swap3A_815], %select_n3A_813 {strides = array<i32>} : memref<80x144xf32, #tpu.memory_space<vmem>>, vector<16xf32>,
        %add3A_817 = arith.constant 4 : i32
        %add3A_818 = arith.addi %mul3A_49, %add3A_817 : i32
        %broadcast_in_dim3A_819 = arith.constant 4 : i32
        %broadcast_in_dim3A_820 = vector.broadcast %broadcast_in_dim3A_819 : i32 to vector<16xi32>
        %eq3A_821 = arith.constant 4 : i32
        %eq3A_822 = vector.broadcast %eq3A_821 : i32 to vector<16xi32>
        %eq3A_823 = arith.cmpi eq, %iota3A, %eq3A_822 : vector<16xi32>
        %jit3A_824 = arith.constant 0.000000e+00 : f32
        %broadcast_in_dim3A_825 = vector.broadcast %jit3A_824 : f32 to vector<16xf32>
        %select_n3A_826 = arith.select %eq3A_823, %mul3A_115, %broadcast_in_dim3A_825 : vector<16xi1>, vector<16xf32>
        %reduce_sum3A_827 = arith.constant true
        %reduce_sum3A_828 = vector.broadcast %reduce_sum3A_827 : i1 to vector<16xi1>
        %reduce_sum3A_829 = tpu.scan <sum>, %select_n3A_826 masked %reduce_sum3A_828 : vector<16xf32>, vector<16xi1> -> vector<16xf32>
        %reduce_sum3A_830 = vector.extract %reduce_sum3A_829[15] : f32 from vector<16xf32>
        %broadcast_in_dim3A_831 = vector.broadcast %reduce_sum3A_830 : f32 to vector<16xf32>
        %eq3A_832 = arith.constant 4 : i32
        %eq3A_833 = vector.broadcast %eq3A_832 : i32 to vector<16xi32>
        %eq3A_834 = arith.cmpi eq, %iota3A, %eq3A_833 : vector<16xi32>
        %jit3A_835 = arith.constant 0.000000e+00 : f32
        %broadcast_in_dim3A_836 = vector.broadcast %jit3A_835 : f32 to vector<16xf32>
        %select_n3A_837 = arith.select %eq3A_834, %mul3A_192, %broadcast_in_dim3A_836 : vector<16xi1>, vector<16xf32>
        %reduce_sum3A_838 = arith.constant true
        %reduce_sum3A_839 = vector.broadcast %reduce_sum3A_838 : i1 to vector<16xi1>
        %reduce_sum3A_840 = tpu.scan <sum>, %select_n3A_837 masked %reduce_sum3A_839 : vector<16xf32>, vector<16xi1> -> vector<16xf32>
        %reduce_sum3A_841 = vector.extract %reduce_sum3A_840[15] : f32 from vector<16xf32>
        %broadcast_in_dim3A_842 = vector.broadcast %reduce_sum3A_841 : f32 to vector<16xf32>
        %eq3A_843 = arith.constant 4 : i32
        %eq3A_844 = vector.broadcast %eq3A_843 : i32 to vector<16xi32>
        %eq3A_845 = arith.cmpi eq, %iota3A, %eq3A_844 : vector<16xi32>
        %jit3A_846 = arith.constant 0.000000e+00 : f32
        %broadcast_in_dim3A_847 = vector.broadcast %jit3A_846 : f32 to vector<16xf32>
        %select_n3A_848 = arith.select %eq3A_845, %mul3A_270, %broadcast_in_dim3A_847 : vector<16xi1>, vector<16xf32>
        %reduce_sum3A_849 = arith.constant true
        %reduce_sum3A_850 = vector.broadcast %reduce_sum3A_849 : i1 to vector<16xi1>
        %reduce_sum3A_851 = tpu.scan <sum>, %select_n3A_848 masked %reduce_sum3A_850 : vector<16xf32>, vector<16xi1> -> vector<16xf32>
        %reduce_sum3A_852 = vector.extract %reduce_sum3A_851[15] : f32 from vector<16xf32>
        %broadcast_in_dim3A_853 = vector.broadcast %reduce_sum3A_852 : f32 to vector<16xf32>
        %eq3A_854 = arith.constant 4 : i32
        %eq3A_855 = vector.broadcast %eq3A_854 : i32 to vector<16xi32>
        %eq3A_856 = arith.cmpi eq, %iota3A, %eq3A_855 : vector<16xi32>
        %jit3A_857 = arith.constant 0.000000e+00 : f32
        %broadcast_in_dim3A_858 = vector.broadcast %jit3A_857 : f32 to vector<16xf32>
        %select_n3A_859 = arith.select %eq3A_856, %mul3A_348, %broadcast_in_dim3A_858 : vector<16xi1>, vector<16xf32>
        %reduce_sum3A_860 = arith.constant true
        %reduce_sum3A_861 = vector.broadcast %reduce_sum3A_860 : i1 to vector<16xi1>
        %reduce_sum3A_862 = tpu.scan <sum>, %select_n3A_859 masked %reduce_sum3A_861 : vector<16xf32>, vector<16xi1> -> vector<16xf32>
        %reduce_sum3A_863 = vector.extract %reduce_sum3A_862[15] : f32 from vector<16xf32>
        %broadcast_in_dim3A_864 = vector.broadcast %reduce_sum3A_863 : f32 to vector<16xf32>
        %get3A_865 = arith.index_cast %add3A_818 : i32 to index
        %get3A_866 = arith.constant 0 : index
        %get3A_867 = tpu.vector_load %arg10[%get3A_865, %get3A_866] {strides = array<i32>} : memref<80x144xf32, #tpu.memory_space<vmem>>, vector<16xf32>,
        %mul3A_868 = arith.mulf %get3A_867, %broadcast_in_dim3A_831 : vector<16xf32>
        %swap3A_869 = arith.index_cast %add3A_818 : i32 to index
        %swap3A_870 = arith.constant 0 : index
        %swap3A_871 = tpu.vector_load %arg12[%swap3A_869, %swap3A_870] {strides = array<i32>} : memref<80x144xf32, #tpu.memory_space<vmem>>, vector<16xf32>,
        tpu.vector_store %arg12[%swap3A_869, %swap3A_870], %mul3A_868 {strides = array<i32>} : memref<80x144xf32, #tpu.memory_space<vmem>>, vector<16xf32>,
        %get3A_872 = arith.index_cast %add3A_818 : i32 to index
        %get3A_873 = arith.constant 16 : index
        %get3A_874 = tpu.vector_load %arg10[%get3A_872, %get3A_873] {strides = array<i32>} : memref<80x144xf32, #tpu.memory_space<vmem>>, vector<16xf32>,
        %mul3A_875 = arith.mulf %get3A_874, %broadcast_in_dim3A_831 : vector<16xf32>
        %swap3A_876 = arith.index_cast %add3A_818 : i32 to index
        %swap3A_877 = arith.constant 16 : index
        %swap3A_878 = tpu.vector_load %arg12[%swap3A_876, %swap3A_877] {strides = array<i32>} : memref<80x144xf32, #tpu.memory_space<vmem>>, vector<16xf32>,
        tpu.vector_store %arg12[%swap3A_876, %swap3A_877], %mul3A_875 {strides = array<i32>} : memref<80x144xf32, #tpu.memory_space<vmem>>, vector<16xf32>,
        %get3A_879 = arith.index_cast %add3A_818 : i32 to index
        %get3A_880 = arith.constant 32 : index
        %get3A_881 = tpu.vector_load %arg10[%get3A_879, %get3A_880] {strides = array<i32>} : memref<80x144xf32, #tpu.memory_space<vmem>>, vector<16xf32>,
        %mul3A_882 = arith.mulf %get3A_881, %broadcast_in_dim3A_842 : vector<16xf32>
        %swap3A_883 = arith.index_cast %add3A_818 : i32 to index
        %swap3A_884 = arith.constant 32 : index
        %swap3A_885 = tpu.vector_load %arg12[%swap3A_883, %swap3A_884] {strides = array<i32>} : memref<80x144xf32, #tpu.memory_space<vmem>>, vector<16xf32>,
        tpu.vector_store %arg12[%swap3A_883, %swap3A_884], %mul3A_882 {strides = array<i32>} : memref<80x144xf32, #tpu.memory_space<vmem>>, vector<16xf32>,
        %get3A_886 = arith.index_cast %add3A_818 : i32 to index
        %get3A_887 = arith.constant 48 : index
        %get3A_888 = tpu.vector_load %arg10[%get3A_886, %get3A_887] {strides = array<i32>} : memref<80x144xf32, #tpu.memory_space<vmem>>, vector<16xf32>,
        %mul3A_889 = arith.mulf %get3A_888, %broadcast_in_dim3A_842 : vector<16xf32>
        %swap3A_890 = arith.index_cast %add3A_818 : i32 to index
        %swap3A_891 = arith.constant 48 : index
        %swap3A_892 = tpu.vector_load %arg12[%swap3A_890, %swap3A_891] {strides = array<i32>} : memref<80x144xf32, #tpu.memory_space<vmem>>, vector<16xf32>,
        tpu.vector_store %arg12[%swap3A_890, %swap3A_891], %mul3A_889 {strides = array<i32>} : memref<80x144xf32, #tpu.memory_space<vmem>>, vector<16xf32>,
        %get3A_893 = arith.index_cast %add3A_818 : i32 to index
        %get3A_894 = arith.constant 64 : index
        %get3A_895 = tpu.vector_load %arg10[%get3A_893, %get3A_894] {strides = array<i32>} : memref<80x144xf32, #tpu.memory_space<vmem>>, vector<16xf32>,
        %mul3A_896 = arith.mulf %get3A_895, %broadcast_in_dim3A_853 : vector<16xf32>
        %swap3A_897 = arith.index_cast %add3A_818 : i32 to index
        %swap3A_898 = arith.constant 64 : index
        %swap3A_899 = tpu.vector_load %arg12[%swap3A_897, %swap3A_898] {strides = array<i32>} : memref<80x144xf32, #tpu.memory_space<vmem>>, vector<16xf32>,
        tpu.vector_store %arg12[%swap3A_897, %swap3A_898], %mul3A_896 {strides = array<i32>} : memref<80x144xf32, #tpu.memory_space<vmem>>, vector<16xf32>,
        %get3A_900 = arith.index_cast %add3A_818 : i32 to index
        %get3A_901 = arith.constant 80 : index
        %get3A_902 = tpu.vector_load %arg10[%get3A_900, %get3A_901] {strides = array<i32>} : memref<80x144xf32, #tpu.memory_space<vmem>>, vector<16xf32>,
        %mul3A_903 = arith.mulf %get3A_902, %broadcast_in_dim3A_853 : vector<16xf32>
        %swap3A_904 = arith.index_cast %add3A_818 : i32 to index
        %swap3A_905 = arith.constant 80 : index
        %swap3A_906 = tpu.vector_load %arg12[%swap3A_904, %swap3A_905] {strides = array<i32>} : memref<80x144xf32, #tpu.memory_space<vmem>>, vector<16xf32>,
        tpu.vector_store %arg12[%swap3A_904, %swap3A_905], %mul3A_903 {strides = array<i32>} : memref<80x144xf32, #tpu.memory_space<vmem>>, vector<16xf32>,
        %get3A_907 = arith.index_cast %add3A_818 : i32 to index
        %get3A_908 = arith.constant 96 : index
        %get3A_909 = tpu.vector_load %arg10[%get3A_907, %get3A_908] {strides = array<i32>} : memref<80x144xf32, #tpu.memory_space<vmem>>, vector<16xf32>,
        %mul3A_910 = arith.mulf %get3A_909, %broadcast_in_dim3A_864 : vector<16xf32>
        %swap3A_911 = arith.index_cast %add3A_818 : i32 to index
        %swap3A_912 = arith.constant 96 : index
        %swap3A_913 = tpu.vector_load %arg12[%swap3A_911, %swap3A_912] {strides = array<i32>} : memref<80x144xf32, #tpu.memory_space<vmem>>, vector<16xf32>,
        tpu.vector_store %arg12[%swap3A_911, %swap3A_912], %mul3A_910 {strides = array<i32>} : memref<80x144xf32, #tpu.memory_space<vmem>>, vector<16xf32>,
        %get3A_914 = arith.index_cast %add3A_818 : i32 to index
        %get3A_915 = arith.constant 112 : index
        %get3A_916 = tpu.vector_load %arg10[%get3A_914, %get3A_915] {strides = array<i32>} : memref<80x144xf32, #tpu.memory_space<vmem>>, vector<16xf32>,
        %mul3A_917 = arith.mulf %get3A_916, %broadcast_in_dim3A_864 : vector<16xf32>
        %swap3A_918 = arith.index_cast %add3A_818 : i32 to index
        %swap3A_919 = arith.constant 112 : index
        %swap3A_920 = tpu.vector_load %arg12[%swap3A_918, %swap3A_919] {strides = array<i32>} : memref<80x144xf32, #tpu.memory_space<vmem>>, vector<16xf32>,
        tpu.vector_store %arg12[%swap3A_918, %swap3A_919], %mul3A_917 {strides = array<i32>} : memref<80x144xf32, #tpu.memory_space<vmem>>, vector<16xf32>,
        %and3A_921 = arith.constant 3 : i32
        %and3A_922 = vector.broadcast %and3A_921 : i32 to vector<16xi32>
        %and3A_923 = arith.andi %iota3A, %and3A_922 : vector<16xi32>
        %gather3A_924 = tpu.vector_load_idx %arg13[%and3A_923, %broadcast_in_dim3A_820] : memref<4x16xf32, #tpu.memory_space<vmem>>[vector<16xi32>, vector<16xi32>], vector<16xf32>,
        %lt3A_925 = arith.constant 4 : i32
        %lt3A_926 = vector.broadcast %lt3A_925 : i32 to vector<16xi32>
        %lt3A_927 = arith.cmpi slt, %iota3A, %lt3A_926 : vector<16xi32>
        %jit3A_928 = arith.constant 0.000000e+00 : f32
        %broadcast_in_dim3A_929 = vector.broadcast %jit3A_928 : f32 to vector<16xf32>
        %select_n3A_930 = arith.select %lt3A_927, %gather3A_924, %broadcast_in_dim3A_929 : vector<16xi1>, vector<16xf32>
        %swap3A_931 = arith.index_cast %add3A_818 : i32 to index
        %swap3A_932 = arith.constant 128 : index
        %swap3A_933 = tpu.vector_load %arg12[%swap3A_931, %swap3A_932] {strides = array<i32>} : memref<80x144xf32, #tpu.memory_space<vmem>>, vector<16xf32>,
        tpu.vector_store %arg12[%swap3A_931, %swap3A_932], %select_n3A_930 {strides = array<i32>} : memref<80x144xf32, #tpu.memory_space<vmem>>, vector<16xf32>,
        %add3A_934 = arith.constant 5 : i32
        %add3A_935 = arith.addi %mul3A_49, %add3A_934 : i32
        %broadcast_in_dim3A_936 = arith.constant 5 : i32
        %broadcast_in_dim3A_937 = vector.broadcast %broadcast_in_dim3A_936 : i32 to vector<16xi32>
        %eq3A_938 = arith.constant 5 : i32
        %eq3A_939 = vector.broadcast %eq3A_938 : i32 to vector<16xi32>
        %eq3A_940 = arith.cmpi eq, %iota3A, %eq3A_939 : vector<16xi32>
        %jit3A_941 = arith.constant 0.000000e+00 : f32
        %broadcast_in_dim3A_942 = vector.broadcast %jit3A_941 : f32 to vector<16xf32>
        %select_n3A_943 = arith.select %eq3A_940, %mul3A_115, %broadcast_in_dim3A_942 : vector<16xi1>, vector<16xf32>
        %reduce_sum3A_944 = arith.constant true
        %reduce_sum3A_945 = vector.broadcast %reduce_sum3A_944 : i1 to vector<16xi1>
        %reduce_sum3A_946 = tpu.scan <sum>, %select_n3A_943 masked %reduce_sum3A_945 : vector<16xf32>, vector<16xi1> -> vector<16xf32>
        %reduce_sum3A_947 = vector.extract %reduce_sum3A_946[15] : f32 from vector<16xf32>
        %broadcast_in_dim3A_948 = vector.broadcast %reduce_sum3A_947 : f32 to vector<16xf32>
        %eq3A_949 = arith.constant 5 : i32
        %eq3A_950 = vector.broadcast %eq3A_949 : i32 to vector<16xi32>
        %eq3A_951 = arith.cmpi eq, %iota3A, %eq3A_950 : vector<16xi32>
        %jit3A_952 = arith.constant 0.000000e+00 : f32
        %broadcast_in_dim3A_953 = vector.broadcast %jit3A_952 : f32 to vector<16xf32>
        %select_n3A_954 = arith.select %eq3A_951, %mul3A_192, %broadcast_in_dim3A_953 : vector<16xi1>, vector<16xf32>
        %reduce_sum3A_955 = arith.constant true
        %reduce_sum3A_956 = vector.broadcast %reduce_sum3A_955 : i1 to vector<16xi1>
        %reduce_sum3A_957 = tpu.scan <sum>, %select_n3A_954 masked %reduce_sum3A_956 : vector<16xf32>, vector<16xi1> -> vector<16xf32>
        %reduce_sum3A_958 = vector.extract %reduce_sum3A_957[15] : f32 from vector<16xf32>
        %broadcast_in_dim3A_959 = vector.broadcast %reduce_sum3A_958 : f32 to vector<16xf32>
        %eq3A_960 = arith.constant 5 : i32
        %eq3A_961 = vector.broadcast %eq3A_960 : i32 to vector<16xi32>
        %eq3A_962 = arith.cmpi eq, %iota3A, %eq3A_961 : vector<16xi32>
        %jit3A_963 = arith.constant 0.000000e+00 : f32
        %broadcast_in_dim3A_964 = vector.broadcast %jit3A_963 : f32 to vector<16xf32>
        %select_n3A_965 = arith.select %eq3A_962, %mul3A_270, %broadcast_in_dim3A_964 : vector<16xi1>, vector<16xf32>
        %reduce_sum3A_966 = arith.constant true
        %reduce_sum3A_967 = vector.broadcast %reduce_sum3A_966 : i1 to vector<16xi1>
        %reduce_sum3A_968 = tpu.scan <sum>, %select_n3A_965 masked %reduce_sum3A_967 : vector<16xf32>, vector<16xi1> -> vector<16xf32>
        %reduce_sum3A_969 = vector.extract %reduce_sum3A_968[15] : f32 from vector<16xf32>
        %broadcast_in_dim3A_970 = vector.broadcast %reduce_sum3A_969 : f32 to vector<16xf32>
        %eq3A_971 = arith.constant 5 : i32
        %eq3A_972 = vector.broadcast %eq3A_971 : i32 to vector<16xi32>
        %eq3A_973 = arith.cmpi eq, %iota3A, %eq3A_972 : vector<16xi32>
        %jit3A_974 = arith.constant 0.000000e+00 : f32
        %broadcast_in_dim3A_975 = vector.broadcast %jit3A_974 : f32 to vector<16xf32>
        %select_n3A_976 = arith.select %eq3A_973, %mul3A_348, %broadcast_in_dim3A_975 : vector<16xi1>, vector<16xf32>
        %reduce_sum3A_977 = arith.constant true
        %reduce_sum3A_978 = vector.broadcast %reduce_sum3A_977 : i1 to vector<16xi1>
        %reduce_sum3A_979 = tpu.scan <sum>, %select_n3A_976 masked %reduce_sum3A_978 : vector<16xf32>, vector<16xi1> -> vector<16xf32>
        %reduce_sum3A_980 = vector.extract %reduce_sum3A_979[15] : f32 from vector<16xf32>
        %broadcast_in_dim3A_981 = vector.broadcast %reduce_sum3A_980 : f32 to vector<16xf32>
        %get3A_982 = arith.index_cast %add3A_935 : i32 to index
        %get3A_983 = arith.constant 0 : index
        %get3A_984 = tpu.vector_load %arg10[%get3A_982, %get3A_983] {strides = array<i32>} : memref<80x144xf32, #tpu.memory_space<vmem>>, vector<16xf32>,
        %mul3A_985 = arith.mulf %get3A_984, %broadcast_in_dim3A_948 : vector<16xf32>
        %swap3A_986 = arith.index_cast %add3A_935 : i32 to index
        %swap3A_987 = arith.constant 0 : index
        %swap3A_988 = tpu.vector_load %arg12[%swap3A_986, %swap3A_987] {strides = array<i32>} : memref<80x144xf32, #tpu.memory_space<vmem>>, vector<16xf32>,
        tpu.vector_store %arg12[%swap3A_986, %swap3A_987], %mul3A_985 {strides = array<i32>} : memref<80x144xf32, #tpu.memory_space<vmem>>, vector<16xf32>,
        %get3A_989 = arith.index_cast %add3A_935 : i32 to index
        %get3A_990 = arith.constant 16 : index
        %get3A_991 = tpu.vector_load %arg10[%get3A_989, %get3A_990] {strides = array<i32>} : memref<80x144xf32, #tpu.memory_space<vmem>>, vector<16xf32>,
        %mul3A_992 = arith.mulf %get3A_991, %broadcast_in_dim3A_948 : vector<16xf32>
        %swap3A_993 = arith.index_cast %add3A_935 : i32 to index
        %swap3A_994 = arith.constant 16 : index
        %swap3A_995 = tpu.vector_load %arg12[%swap3A_993, %swap3A_994] {strides = array<i32>} : memref<80x144xf32, #tpu.memory_space<vmem>>, vector<16xf32>,
        tpu.vector_store %arg12[%swap3A_993, %swap3A_994], %mul3A_992 {strides = array<i32>} : memref<80x144xf32, #tpu.memory_space<vmem>>, vector<16xf32>,
        %get3A_996 = arith.index_cast %add3A_935 : i32 to index
        %get3A_997 = arith.constant 32 : index
        %get3A_998 = tpu.vector_load %arg10[%get3A_996, %get3A_997] {strides = array<i32>} : memref<80x144xf32, #tpu.memory_space<vmem>>, vector<16xf32>,
        %mul3A_999 = arith.mulf %get3A_998, %broadcast_in_dim3A_959 : vector<16xf32>
        %swap3A_1000 = arith.index_cast %add3A_935 : i32 to index
        %swap3A_1001 = arith.constant 32 : index
        %swap3A_1002 = tpu.vector_load %arg12[%swap3A_1000, %swap3A_1001] {strides = array<i32>} : memref<80x144xf32, #tpu.memory_space<vmem>>, vector<16xf32>,
        tpu.vector_store %arg12[%swap3A_1000, %swap3A_1001], %mul3A_999 {strides = array<i32>} : memref<80x144xf32, #tpu.memory_space<vmem>>, vector<16xf32>,
        %get3A_1003 = arith.index_cast %add3A_935 : i32 to index
        %get3A_1004 = arith.constant 48 : index
        %get3A_1005 = tpu.vector_load %arg10[%get3A_1003, %get3A_1004] {strides = array<i32>} : memref<80x144xf32, #tpu.memory_space<vmem>>, vector<16xf32>,
        %mul3A_1006 = arith.mulf %get3A_1005, %broadcast_in_dim3A_959 : vector<16xf32>
        %swap3A_1007 = arith.index_cast %add3A_935 : i32 to index
        %swap3A_1008 = arith.constant 48 : index
        %swap3A_1009 = tpu.vector_load %arg12[%swap3A_1007, %swap3A_1008] {strides = array<i32>} : memref<80x144xf32, #tpu.memory_space<vmem>>, vector<16xf32>,
        tpu.vector_store %arg12[%swap3A_1007, %swap3A_1008], %mul3A_1006 {strides = array<i32>} : memref<80x144xf32, #tpu.memory_space<vmem>>, vector<16xf32>,
        %get3A_1010 = arith.index_cast %add3A_935 : i32 to index
        %get3A_1011 = arith.constant 64 : index
        %get3A_1012 = tpu.vector_load %arg10[%get3A_1010, %get3A_1011] {strides = array<i32>} : memref<80x144xf32, #tpu.memory_space<vmem>>, vector<16xf32>,
        %mul3A_1013 = arith.mulf %get3A_1012, %broadcast_in_dim3A_970 : vector<16xf32>
        %swap3A_1014 = arith.index_cast %add3A_935 : i32 to index
        %swap3A_1015 = arith.constant 64 : index
        %swap3A_1016 = tpu.vector_load %arg12[%swap3A_1014, %swap3A_1015] {strides = array<i32>} : memref<80x144xf32, #tpu.memory_space<vmem>>, vector<16xf32>,
        tpu.vector_store %arg12[%swap3A_1014, %swap3A_1015], %mul3A_1013 {strides = array<i32>} : memref<80x144xf32, #tpu.memory_space<vmem>>, vector<16xf32>,
        %get3A_1017 = arith.index_cast %add3A_935 : i32 to index
        %get3A_1018 = arith.constant 80 : index
        %get3A_1019 = tpu.vector_load %arg10[%get3A_1017, %get3A_1018] {strides = array<i32>} : memref<80x144xf32, #tpu.memory_space<vmem>>, vector<16xf32>,
        %mul3A_1020 = arith.mulf %get3A_1019, %broadcast_in_dim3A_970 : vector<16xf32>
        %swap3A_1021 = arith.index_cast %add3A_935 : i32 to index
        %swap3A_1022 = arith.constant 80 : index
        %swap3A_1023 = tpu.vector_load %arg12[%swap3A_1021, %swap3A_1022] {strides = array<i32>} : memref<80x144xf32, #tpu.memory_space<vmem>>, vector<16xf32>,
        tpu.vector_store %arg12[%swap3A_1021, %swap3A_1022], %mul3A_1020 {strides = array<i32>} : memref<80x144xf32, #tpu.memory_space<vmem>>, vector<16xf32>,
        %get3A_1024 = arith.index_cast %add3A_935 : i32 to index
        %get3A_1025 = arith.constant 96 : index
        %get3A_1026 = tpu.vector_load %arg10[%get3A_1024, %get3A_1025] {strides = array<i32>} : memref<80x144xf32, #tpu.memory_space<vmem>>, vector<16xf32>,
        %mul3A_1027 = arith.mulf %get3A_1026, %broadcast_in_dim3A_981 : vector<16xf32>
        %swap3A_1028 = arith.index_cast %add3A_935 : i32 to index
        %swap3A_1029 = arith.constant 96 : index
        %swap3A_1030 = tpu.vector_load %arg12[%swap3A_1028, %swap3A_1029] {strides = array<i32>} : memref<80x144xf32, #tpu.memory_space<vmem>>, vector<16xf32>,
        tpu.vector_store %arg12[%swap3A_1028, %swap3A_1029], %mul3A_1027 {strides = array<i32>} : memref<80x144xf32, #tpu.memory_space<vmem>>, vector<16xf32>,
        %get3A_1031 = arith.index_cast %add3A_935 : i32 to index
        %get3A_1032 = arith.constant 112 : index
        %get3A_1033 = tpu.vector_load %arg10[%get3A_1031, %get3A_1032] {strides = array<i32>} : memref<80x144xf32, #tpu.memory_space<vmem>>, vector<16xf32>,
        %mul3A_1034 = arith.mulf %get3A_1033, %broadcast_in_dim3A_981 : vector<16xf32>
        %swap3A_1035 = arith.index_cast %add3A_935 : i32 to index
        %swap3A_1036 = arith.constant 112 : index
        %swap3A_1037 = tpu.vector_load %arg12[%swap3A_1035, %swap3A_1036] {strides = array<i32>} : memref<80x144xf32, #tpu.memory_space<vmem>>, vector<16xf32>,
        tpu.vector_store %arg12[%swap3A_1035, %swap3A_1036], %mul3A_1034 {strides = array<i32>} : memref<80x144xf32, #tpu.memory_space<vmem>>, vector<16xf32>,
        %and3A_1038 = arith.constant 3 : i32
        %and3A_1039 = vector.broadcast %and3A_1038 : i32 to vector<16xi32>
        %and3A_1040 = arith.andi %iota3A, %and3A_1039 : vector<16xi32>
        %gather3A_1041 = tpu.vector_load_idx %arg13[%and3A_1040, %broadcast_in_dim3A_937] : memref<4x16xf32, #tpu.memory_space<vmem>>[vector<16xi32>, vector<16xi32>], vector<16xf32>,
        %lt3A_1042 = arith.constant 4 : i32
        %lt3A_1043 = vector.broadcast %lt3A_1042 : i32 to vector<16xi32>
        %lt3A_1044 = arith.cmpi slt, %iota3A, %lt3A_1043 : vector<16xi32>
        %jit3A_1045 = arith.constant 0.000000e+00 : f32
        %broadcast_in_dim3A_1046 = vector.broadcast %jit3A_1045 : f32 to vector<16xf32>
        %select_n3A_1047 = arith.select %lt3A_1044, %gather3A_1041, %broadcast_in_dim3A_1046 : vector<16xi1>, vector<16xf32>
        %swap3A_1048 = arith.index_cast %add3A_935 : i32 to index
        %swap3A_1049 = arith.constant 128 : index
        %swap3A_1050 = tpu.vector_load %arg12[%swap3A_1048, %swap3A_1049] {strides = array<i32>} : memref<80x144xf32, #tpu.memory_space<vmem>>, vector<16xf32>,
        tpu.vector_store %arg12[%swap3A_1048, %swap3A_1049], %select_n3A_1047 {strides = array<i32>} : memref<80x144xf32, #tpu.memory_space<vmem>>, vector<16xf32>,
        %add3A_1051 = arith.constant 6 : i32
        %add3A_1052 = arith.addi %mul3A_49, %add3A_1051 : i32
        %broadcast_in_dim3A_1053 = arith.constant 6 : i32
        %broadcast_in_dim3A_1054 = vector.broadcast %broadcast_in_dim3A_1053 : i32 to vector<16xi32>
        %eq3A_1055 = arith.constant 6 : i32
        %eq3A_1056 = vector.broadcast %eq3A_1055 : i32 to vector<16xi32>
        %eq3A_1057 = arith.cmpi eq, %iota3A, %eq3A_1056 : vector<16xi32>
        %jit3A_1058 = arith.constant 0.000000e+00 : f32
        %broadcast_in_dim3A_1059 = vector.broadcast %jit3A_1058 : f32 to vector<16xf32>
        %select_n3A_1060 = arith.select %eq3A_1057, %mul3A_115, %broadcast_in_dim3A_1059 : vector<16xi1>, vector<16xf32>
        %reduce_sum3A_1061 = arith.constant true
        %reduce_sum3A_1062 = vector.broadcast %reduce_sum3A_1061 : i1 to vector<16xi1>
        %reduce_sum3A_1063 = tpu.scan <sum>, %select_n3A_1060 masked %reduce_sum3A_1062 : vector<16xf32>, vector<16xi1> -> vector<16xf32>
        %reduce_sum3A_1064 = vector.extract %reduce_sum3A_1063[15] : f32 from vector<16xf32>
        %broadcast_in_dim3A_1065 = vector.broadcast %reduce_sum3A_1064 : f32 to vector<16xf32>
        %eq3A_1066 = arith.constant 6 : i32
        %eq3A_1067 = vector.broadcast %eq3A_1066 : i32 to vector<16xi32>
        %eq3A_1068 = arith.cmpi eq, %iota3A, %eq3A_1067 : vector<16xi32>
        %jit3A_1069 = arith.constant 0.000000e+00 : f32
        %broadcast_in_dim3A_1070 = vector.broadcast %jit3A_1069 : f32 to vector<16xf32>
        %select_n3A_1071 = arith.select %eq3A_1068, %mul3A_192, %broadcast_in_dim3A_1070 : vector<16xi1>, vector<16xf32>
        %reduce_sum3A_1072 = arith.constant true
        %reduce_sum3A_1073 = vector.broadcast %reduce_sum3A_1072 : i1 to vector<16xi1>
        %reduce_sum3A_1074 = tpu.scan <sum>, %select_n3A_1071 masked %reduce_sum3A_1073 : vector<16xf32>, vector<16xi1> -> vector<16xf32>
        %reduce_sum3A_1075 = vector.extract %reduce_sum3A_1074[15] : f32 from vector<16xf32>
        %broadcast_in_dim3A_1076 = vector.broadcast %reduce_sum3A_1075 : f32 to vector<16xf32>
        %eq3A_1077 = arith.constant 6 : i32
        %eq3A_1078 = vector.broadcast %eq3A_1077 : i32 to vector<16xi32>
        %eq3A_1079 = arith.cmpi eq, %iota3A, %eq3A_1078 : vector<16xi32>
        %jit3A_1080 = arith.constant 0.000000e+00 : f32
        %broadcast_in_dim3A_1081 = vector.broadcast %jit3A_1080 : f32 to vector<16xf32>
        %select_n3A_1082 = arith.select %eq3A_1079, %mul3A_270, %broadcast_in_dim3A_1081 : vector<16xi1>, vector<16xf32>
        %reduce_sum3A_1083 = arith.constant true
        %reduce_sum3A_1084 = vector.broadcast %reduce_sum3A_1083 : i1 to vector<16xi1>
        %reduce_sum3A_1085 = tpu.scan <sum>, %select_n3A_1082 masked %reduce_sum3A_1084 : vector<16xf32>, vector<16xi1> -> vector<16xf32>
        %reduce_sum3A_1086 = vector.extract %reduce_sum3A_1085[15] : f32 from vector<16xf32>
        %broadcast_in_dim3A_1087 = vector.broadcast %reduce_sum3A_1086 : f32 to vector<16xf32>
        %eq3A_1088 = arith.constant 6 : i32
        %eq3A_1089 = vector.broadcast %eq3A_1088 : i32 to vector<16xi32>
        %eq3A_1090 = arith.cmpi eq, %iota3A, %eq3A_1089 : vector<16xi32>
        %jit3A_1091 = arith.constant 0.000000e+00 : f32
        %broadcast_in_dim3A_1092 = vector.broadcast %jit3A_1091 : f32 to vector<16xf32>
        %select_n3A_1093 = arith.select %eq3A_1090, %mul3A_348, %broadcast_in_dim3A_1092 : vector<16xi1>, vector<16xf32>
        %reduce_sum3A_1094 = arith.constant true
        %reduce_sum3A_1095 = vector.broadcast %reduce_sum3A_1094 : i1 to vector<16xi1>
        %reduce_sum3A_1096 = tpu.scan <sum>, %select_n3A_1093 masked %reduce_sum3A_1095 : vector<16xf32>, vector<16xi1> -> vector<16xf32>
        %reduce_sum3A_1097 = vector.extract %reduce_sum3A_1096[15] : f32 from vector<16xf32>
        %broadcast_in_dim3A_1098 = vector.broadcast %reduce_sum3A_1097 : f32 to vector<16xf32>
        %get3A_1099 = arith.index_cast %add3A_1052 : i32 to index
        %get3A_1100 = arith.constant 0 : index
        %get3A_1101 = tpu.vector_load %arg10[%get3A_1099, %get3A_1100] {strides = array<i32>} : memref<80x144xf32, #tpu.memory_space<vmem>>, vector<16xf32>,
        %mul3A_1102 = arith.mulf %get3A_1101, %broadcast_in_dim3A_1065 : vector<16xf32>
        %swap3A_1103 = arith.index_cast %add3A_1052 : i32 to index
        %swap3A_1104 = arith.constant 0 : index
        %swap3A_1105 = tpu.vector_load %arg12[%swap3A_1103, %swap3A_1104] {strides = array<i32>} : memref<80x144xf32, #tpu.memory_space<vmem>>, vector<16xf32>,
        tpu.vector_store %arg12[%swap3A_1103, %swap3A_1104], %mul3A_1102 {strides = array<i32>} : memref<80x144xf32, #tpu.memory_space<vmem>>, vector<16xf32>,
        %get3A_1106 = arith.index_cast %add3A_1052 : i32 to index
        %get3A_1107 = arith.constant 16 : index
        %get3A_1108 = tpu.vector_load %arg10[%get3A_1106, %get3A_1107] {strides = array<i32>} : memref<80x144xf32, #tpu.memory_space<vmem>>, vector<16xf32>,
        %mul3A_1109 = arith.mulf %get3A_1108, %broadcast_in_dim3A_1065 : vector<16xf32>
        %swap3A_1110 = arith.index_cast %add3A_1052 : i32 to index
        %swap3A_1111 = arith.constant 16 : index
        %swap3A_1112 = tpu.vector_load %arg12[%swap3A_1110, %swap3A_1111] {strides = array<i32>} : memref<80x144xf32, #tpu.memory_space<vmem>>, vector<16xf32>,
        tpu.vector_store %arg12[%swap3A_1110, %swap3A_1111], %mul3A_1109 {strides = array<i32>} : memref<80x144xf32, #tpu.memory_space<vmem>>, vector<16xf32>,
        %get3A_1113 = arith.index_cast %add3A_1052 : i32 to index
        %get3A_1114 = arith.constant 32 : index
        %get3A_1115 = tpu.vector_load %arg10[%get3A_1113, %get3A_1114] {strides = array<i32>} : memref<80x144xf32, #tpu.memory_space<vmem>>, vector<16xf32>,
        %mul3A_1116 = arith.mulf %get3A_1115, %broadcast_in_dim3A_1076 : vector<16xf32>
        %swap3A_1117 = arith.index_cast %add3A_1052 : i32 to index
        %swap3A_1118 = arith.constant 32 : index
        %swap3A_1119 = tpu.vector_load %arg12[%swap3A_1117, %swap3A_1118] {strides = array<i32>} : memref<80x144xf32, #tpu.memory_space<vmem>>, vector<16xf32>,
        tpu.vector_store %arg12[%swap3A_1117, %swap3A_1118], %mul3A_1116 {strides = array<i32>} : memref<80x144xf32, #tpu.memory_space<vmem>>, vector<16xf32>,
        %get3A_1120 = arith.index_cast %add3A_1052 : i32 to index
        %get3A_1121 = arith.constant 48 : index
        %get3A_1122 = tpu.vector_load %arg10[%get3A_1120, %get3A_1121] {strides = array<i32>} : memref<80x144xf32, #tpu.memory_space<vmem>>, vector<16xf32>,
        %mul3A_1123 = arith.mulf %get3A_1122, %broadcast_in_dim3A_1076 : vector<16xf32>
        %swap3A_1124 = arith.index_cast %add3A_1052 : i32 to index
        %swap3A_1125 = arith.constant 48 : index
        %swap3A_1126 = tpu.vector_load %arg12[%swap3A_1124, %swap3A_1125] {strides = array<i32>} : memref<80x144xf32, #tpu.memory_space<vmem>>, vector<16xf32>,
        tpu.vector_store %arg12[%swap3A_1124, %swap3A_1125], %mul3A_1123 {strides = array<i32>} : memref<80x144xf32, #tpu.memory_space<vmem>>, vector<16xf32>,
        %get3A_1127 = arith.index_cast %add3A_1052 : i32 to index
        %get3A_1128 = arith.constant 64 : index
        %get3A_1129 = tpu.vector_load %arg10[%get3A_1127, %get3A_1128] {strides = array<i32>} : memref<80x144xf32, #tpu.memory_space<vmem>>, vector<16xf32>,
        %mul3A_1130 = arith.mulf %get3A_1129, %broadcast_in_dim3A_1087 : vector<16xf32>
        %swap3A_1131 = arith.index_cast %add3A_1052 : i32 to index
        %swap3A_1132 = arith.constant 64 : index
        %swap3A_1133 = tpu.vector_load %arg12[%swap3A_1131, %swap3A_1132] {strides = array<i32>} : memref<80x144xf32, #tpu.memory_space<vmem>>, vector<16xf32>,
        tpu.vector_store %arg12[%swap3A_1131, %swap3A_1132], %mul3A_1130 {strides = array<i32>} : memref<80x144xf32, #tpu.memory_space<vmem>>, vector<16xf32>,
        %get3A_1134 = arith.index_cast %add3A_1052 : i32 to index
        %get3A_1135 = arith.constant 80 : index
        %get3A_1136 = tpu.vector_load %arg10[%get3A_1134, %get3A_1135] {strides = array<i32>} : memref<80x144xf32, #tpu.memory_space<vmem>>, vector<16xf32>,
        %mul3A_1137 = arith.mulf %get3A_1136, %broadcast_in_dim3A_1087 : vector<16xf32>
        %swap3A_1138 = arith.index_cast %add3A_1052 : i32 to index
        %swap3A_1139 = arith.constant 80 : index
        %swap3A_1140 = tpu.vector_load %arg12[%swap3A_1138, %swap3A_1139] {strides = array<i32>} : memref<80x144xf32, #tpu.memory_space<vmem>>, vector<16xf32>,
        tpu.vector_store %arg12[%swap3A_1138, %swap3A_1139], %mul3A_1137 {strides = array<i32>} : memref<80x144xf32, #tpu.memory_space<vmem>>, vector<16xf32>,
        %get3A_1141 = arith.index_cast %add3A_1052 : i32 to index
        %get3A_1142 = arith.constant 96 : index
        %get3A_1143 = tpu.vector_load %arg10[%get3A_1141, %get3A_1142] {strides = array<i32>} : memref<80x144xf32, #tpu.memory_space<vmem>>, vector<16xf32>,
        %mul3A_1144 = arith.mulf %get3A_1143, %broadcast_in_dim3A_1098 : vector<16xf32>
        %swap3A_1145 = arith.index_cast %add3A_1052 : i32 to index
        %swap3A_1146 = arith.constant 96 : index
        %swap3A_1147 = tpu.vector_load %arg12[%swap3A_1145, %swap3A_1146] {strides = array<i32>} : memref<80x144xf32, #tpu.memory_space<vmem>>, vector<16xf32>,
        tpu.vector_store %arg12[%swap3A_1145, %swap3A_1146], %mul3A_1144 {strides = array<i32>} : memref<80x144xf32, #tpu.memory_space<vmem>>, vector<16xf32>,
        %get3A_1148 = arith.index_cast %add3A_1052 : i32 to index
        %get3A_1149 = arith.constant 112 : index
        %get3A_1150 = tpu.vector_load %arg10[%get3A_1148, %get3A_1149] {strides = array<i32>} : memref<80x144xf32, #tpu.memory_space<vmem>>, vector<16xf32>,
        %mul3A_1151 = arith.mulf %get3A_1150, %broadcast_in_dim3A_1098 : vector<16xf32>
        %swap3A_1152 = arith.index_cast %add3A_1052 : i32 to index
        %swap3A_1153 = arith.constant 112 : index
        %swap3A_1154 = tpu.vector_load %arg12[%swap3A_1152, %swap3A_1153] {strides = array<i32>} : memref<80x144xf32, #tpu.memory_space<vmem>>, vector<16xf32>,
        tpu.vector_store %arg12[%swap3A_1152, %swap3A_1153], %mul3A_1151 {strides = array<i32>} : memref<80x144xf32, #tpu.memory_space<vmem>>, vector<16xf32>,
        %and3A_1155 = arith.constant 3 : i32
        %and3A_1156 = vector.broadcast %and3A_1155 : i32 to vector<16xi32>
        %and3A_1157 = arith.andi %iota3A, %and3A_1156 : vector<16xi32>
        %gather3A_1158 = tpu.vector_load_idx %arg13[%and3A_1157, %broadcast_in_dim3A_1054] : memref<4x16xf32, #tpu.memory_space<vmem>>[vector<16xi32>, vector<16xi32>], vector<16xf32>,
        %lt3A_1159 = arith.constant 4 : i32
        %lt3A_1160 = vector.broadcast %lt3A_1159 : i32 to vector<16xi32>
        %lt3A_1161 = arith.cmpi slt, %iota3A, %lt3A_1160 : vector<16xi32>
        %jit3A_1162 = arith.constant 0.000000e+00 : f32
        %broadcast_in_dim3A_1163 = vector.broadcast %jit3A_1162 : f32 to vector<16xf32>
        %select_n3A_1164 = arith.select %lt3A_1161, %gather3A_1158, %broadcast_in_dim3A_1163 : vector<16xi1>, vector<16xf32>
        %swap3A_1165 = arith.index_cast %add3A_1052 : i32 to index
        %swap3A_1166 = arith.constant 128 : index
        %swap3A_1167 = tpu.vector_load %arg12[%swap3A_1165, %swap3A_1166] {strides = array<i32>} : memref<80x144xf32, #tpu.memory_space<vmem>>, vector<16xf32>,
        tpu.vector_store %arg12[%swap3A_1165, %swap3A_1166], %select_n3A_1164 {strides = array<i32>} : memref<80x144xf32, #tpu.memory_space<vmem>>, vector<16xf32>,
        %add3A_1168 = arith.constant 7 : i32
        %add3A_1169 = arith.addi %mul3A_49, %add3A_1168 : i32
        %broadcast_in_dim3A_1170 = arith.constant 7 : i32
        %broadcast_in_dim3A_1171 = vector.broadcast %broadcast_in_dim3A_1170 : i32 to vector<16xi32>
        %eq3A_1172 = arith.constant 7 : i32
        %eq3A_1173 = vector.broadcast %eq3A_1172 : i32 to vector<16xi32>
        %eq3A_1174 = arith.cmpi eq, %iota3A, %eq3A_1173 : vector<16xi32>
        %jit3A_1175 = arith.constant 0.000000e+00 : f32
        %broadcast_in_dim3A_1176 = vector.broadcast %jit3A_1175 : f32 to vector<16xf32>
        %select_n3A_1177 = arith.select %eq3A_1174, %mul3A_115, %broadcast_in_dim3A_1176 : vector<16xi1>, vector<16xf32>
        %reduce_sum3A_1178 = arith.constant true
        %reduce_sum3A_1179 = vector.broadcast %reduce_sum3A_1178 : i1 to vector<16xi1>
        %reduce_sum3A_1180 = tpu.scan <sum>, %select_n3A_1177 masked %reduce_sum3A_1179 : vector<16xf32>, vector<16xi1> -> vector<16xf32>
        %reduce_sum3A_1181 = vector.extract %reduce_sum3A_1180[15] : f32 from vector<16xf32>
        %broadcast_in_dim3A_1182 = vector.broadcast %reduce_sum3A_1181 : f32 to vector<16xf32>
        %eq3A_1183 = arith.constant 7 : i32
        %eq3A_1184 = vector.broadcast %eq3A_1183 : i32 to vector<16xi32>
        %eq3A_1185 = arith.cmpi eq, %iota3A, %eq3A_1184 : vector<16xi32>
        %jit3A_1186 = arith.constant 0.000000e+00 : f32
        %broadcast_in_dim3A_1187 = vector.broadcast %jit3A_1186 : f32 to vector<16xf32>
        %select_n3A_1188 = arith.select %eq3A_1185, %mul3A_192, %broadcast_in_dim3A_1187 : vector<16xi1>, vector<16xf32>
        %reduce_sum3A_1189 = arith.constant true
        %reduce_sum3A_1190 = vector.broadcast %reduce_sum3A_1189 : i1 to vector<16xi1>
        %reduce_sum3A_1191 = tpu.scan <sum>, %select_n3A_1188 masked %reduce_sum3A_1190 : vector<16xf32>, vector<16xi1> -> vector<16xf32>
        %reduce_sum3A_1192 = vector.extract %reduce_sum3A_1191[15] : f32 from vector<16xf32>
        %broadcast_in_dim3A_1193 = vector.broadcast %reduce_sum3A_1192 : f32 to vector<16xf32>
        %eq3A_1194 = arith.constant 7 : i32
        %eq3A_1195 = vector.broadcast %eq3A_1194 : i32 to vector<16xi32>
        %eq3A_1196 = arith.cmpi eq, %iota3A, %eq3A_1195 : vector<16xi32>
        %jit3A_1197 = arith.constant 0.000000e+00 : f32
        %broadcast_in_dim3A_1198 = vector.broadcast %jit3A_1197 : f32 to vector<16xf32>
        %select_n3A_1199 = arith.select %eq3A_1196, %mul3A_270, %broadcast_in_dim3A_1198 : vector<16xi1>, vector<16xf32>
        %reduce_sum3A_1200 = arith.constant true
        %reduce_sum3A_1201 = vector.broadcast %reduce_sum3A_1200 : i1 to vector<16xi1>
        %reduce_sum3A_1202 = tpu.scan <sum>, %select_n3A_1199 masked %reduce_sum3A_1201 : vector<16xf32>, vector<16xi1> -> vector<16xf32>
        %reduce_sum3A_1203 = vector.extract %reduce_sum3A_1202[15] : f32 from vector<16xf32>
        %broadcast_in_dim3A_1204 = vector.broadcast %reduce_sum3A_1203 : f32 to vector<16xf32>
        %eq3A_1205 = arith.constant 7 : i32
        %eq3A_1206 = vector.broadcast %eq3A_1205 : i32 to vector<16xi32>
        %eq3A_1207 = arith.cmpi eq, %iota3A, %eq3A_1206 : vector<16xi32>
        %jit3A_1208 = arith.constant 0.000000e+00 : f32
        %broadcast_in_dim3A_1209 = vector.broadcast %jit3A_1208 : f32 to vector<16xf32>
        %select_n3A_1210 = arith.select %eq3A_1207, %mul3A_348, %broadcast_in_dim3A_1209 : vector<16xi1>, vector<16xf32>
        %reduce_sum3A_1211 = arith.constant true
        %reduce_sum3A_1212 = vector.broadcast %reduce_sum3A_1211 : i1 to vector<16xi1>
        %reduce_sum3A_1213 = tpu.scan <sum>, %select_n3A_1210 masked %reduce_sum3A_1212 : vector<16xf32>, vector<16xi1> -> vector<16xf32>
        %reduce_sum3A_1214 = vector.extract %reduce_sum3A_1213[15] : f32 from vector<16xf32>
        %broadcast_in_dim3A_1215 = vector.broadcast %reduce_sum3A_1214 : f32 to vector<16xf32>
        %get3A_1216 = arith.index_cast %add3A_1169 : i32 to index
        %get3A_1217 = arith.constant 0 : index
        %get3A_1218 = tpu.vector_load %arg10[%get3A_1216, %get3A_1217] {strides = array<i32>} : memref<80x144xf32, #tpu.memory_space<vmem>>, vector<16xf32>,
        %mul3A_1219 = arith.mulf %get3A_1218, %broadcast_in_dim3A_1182 : vector<16xf32>
        %swap3A_1220 = arith.index_cast %add3A_1169 : i32 to index
        %swap3A_1221 = arith.constant 0 : index
        %swap3A_1222 = tpu.vector_load %arg12[%swap3A_1220, %swap3A_1221] {strides = array<i32>} : memref<80x144xf32, #tpu.memory_space<vmem>>, vector<16xf32>,
        tpu.vector_store %arg12[%swap3A_1220, %swap3A_1221], %mul3A_1219 {strides = array<i32>} : memref<80x144xf32, #tpu.memory_space<vmem>>, vector<16xf32>,
        %get3A_1223 = arith.index_cast %add3A_1169 : i32 to index
        %get3A_1224 = arith.constant 16 : index
        %get3A_1225 = tpu.vector_load %arg10[%get3A_1223, %get3A_1224] {strides = array<i32>} : memref<80x144xf32, #tpu.memory_space<vmem>>, vector<16xf32>,
        %mul3A_1226 = arith.mulf %get3A_1225, %broadcast_in_dim3A_1182 : vector<16xf32>
        %swap3A_1227 = arith.index_cast %add3A_1169 : i32 to index
        %swap3A_1228 = arith.constant 16 : index
        %swap3A_1229 = tpu.vector_load %arg12[%swap3A_1227, %swap3A_1228] {strides = array<i32>} : memref<80x144xf32, #tpu.memory_space<vmem>>, vector<16xf32>,
        tpu.vector_store %arg12[%swap3A_1227, %swap3A_1228], %mul3A_1226 {strides = array<i32>} : memref<80x144xf32, #tpu.memory_space<vmem>>, vector<16xf32>,
        %get3A_1230 = arith.index_cast %add3A_1169 : i32 to index
        %get3A_1231 = arith.constant 32 : index
        %get3A_1232 = tpu.vector_load %arg10[%get3A_1230, %get3A_1231] {strides = array<i32>} : memref<80x144xf32, #tpu.memory_space<vmem>>, vector<16xf32>,
        %mul3A_1233 = arith.mulf %get3A_1232, %broadcast_in_dim3A_1193 : vector<16xf32>
        %swap3A_1234 = arith.index_cast %add3A_1169 : i32 to index
        %swap3A_1235 = arith.constant 32 : index
        %swap3A_1236 = tpu.vector_load %arg12[%swap3A_1234, %swap3A_1235] {strides = array<i32>} : memref<80x144xf32, #tpu.memory_space<vmem>>, vector<16xf32>,
        tpu.vector_store %arg12[%swap3A_1234, %swap3A_1235], %mul3A_1233 {strides = array<i32>} : memref<80x144xf32, #tpu.memory_space<vmem>>, vector<16xf32>,
        %get3A_1237 = arith.index_cast %add3A_1169 : i32 to index
        %get3A_1238 = arith.constant 48 : index
        %get3A_1239 = tpu.vector_load %arg10[%get3A_1237, %get3A_1238] {strides = array<i32>} : memref<80x144xf32, #tpu.memory_space<vmem>>, vector<16xf32>,
        %mul3A_1240 = arith.mulf %get3A_1239, %broadcast_in_dim3A_1193 : vector<16xf32>
        %swap3A_1241 = arith.index_cast %add3A_1169 : i32 to index
        %swap3A_1242 = arith.constant 48 : index
        %swap3A_1243 = tpu.vector_load %arg12[%swap3A_1241, %swap3A_1242] {strides = array<i32>} : memref<80x144xf32, #tpu.memory_space<vmem>>, vector<16xf32>,
        tpu.vector_store %arg12[%swap3A_1241, %swap3A_1242], %mul3A_1240 {strides = array<i32>} : memref<80x144xf32, #tpu.memory_space<vmem>>, vector<16xf32>,
        %get3A_1244 = arith.index_cast %add3A_1169 : i32 to index
        %get3A_1245 = arith.constant 64 : index
        %get3A_1246 = tpu.vector_load %arg10[%get3A_1244, %get3A_1245] {strides = array<i32>} : memref<80x144xf32, #tpu.memory_space<vmem>>, vector<16xf32>,
        %mul3A_1247 = arith.mulf %get3A_1246, %broadcast_in_dim3A_1204 : vector<16xf32>
        %swap3A_1248 = arith.index_cast %add3A_1169 : i32 to index
        %swap3A_1249 = arith.constant 64 : index
        %swap3A_1250 = tpu.vector_load %arg12[%swap3A_1248, %swap3A_1249] {strides = array<i32>} : memref<80x144xf32, #tpu.memory_space<vmem>>, vector<16xf32>,
        tpu.vector_store %arg12[%swap3A_1248, %swap3A_1249], %mul3A_1247 {strides = array<i32>} : memref<80x144xf32, #tpu.memory_space<vmem>>, vector<16xf32>,
        %get3A_1251 = arith.index_cast %add3A_1169 : i32 to index
        %get3A_1252 = arith.constant 80 : index
        %get3A_1253 = tpu.vector_load %arg10[%get3A_1251, %get3A_1252] {strides = array<i32>} : memref<80x144xf32, #tpu.memory_space<vmem>>, vector<16xf32>,
        %mul3A_1254 = arith.mulf %get3A_1253, %broadcast_in_dim3A_1204 : vector<16xf32>
        %swap3A_1255 = arith.index_cast %add3A_1169 : i32 to index
        %swap3A_1256 = arith.constant 80 : index
        %swap3A_1257 = tpu.vector_load %arg12[%swap3A_1255, %swap3A_1256] {strides = array<i32>} : memref<80x144xf32, #tpu.memory_space<vmem>>, vector<16xf32>,
        tpu.vector_store %arg12[%swap3A_1255, %swap3A_1256], %mul3A_1254 {strides = array<i32>} : memref<80x144xf32, #tpu.memory_space<vmem>>, vector<16xf32>,
        %get3A_1258 = arith.index_cast %add3A_1169 : i32 to index
        %get3A_1259 = arith.constant 96 : index
        %get3A_1260 = tpu.vector_load %arg10[%get3A_1258, %get3A_1259] {strides = array<i32>} : memref<80x144xf32, #tpu.memory_space<vmem>>, vector<16xf32>,
        %mul3A_1261 = arith.mulf %get3A_1260, %broadcast_in_dim3A_1215 : vector<16xf32>
        %swap3A_1262 = arith.index_cast %add3A_1169 : i32 to index
        %swap3A_1263 = arith.constant 96 : index
        %swap3A_1264 = tpu.vector_load %arg12[%swap3A_1262, %swap3A_1263] {strides = array<i32>} : memref<80x144xf32, #tpu.memory_space<vmem>>, vector<16xf32>,
        tpu.vector_store %arg12[%swap3A_1262, %swap3A_1263], %mul3A_1261 {strides = array<i32>} : memref<80x144xf32, #tpu.memory_space<vmem>>, vector<16xf32>,
        %get3A_1265 = arith.index_cast %add3A_1169 : i32 to index
        %get3A_1266 = arith.constant 112 : index
        %get3A_1267 = tpu.vector_load %arg10[%get3A_1265, %get3A_1266] {strides = array<i32>} : memref<80x144xf32, #tpu.memory_space<vmem>>, vector<16xf32>,
        %mul3A_1268 = arith.mulf %get3A_1267, %broadcast_in_dim3A_1215 : vector<16xf32>
        %swap3A_1269 = arith.index_cast %add3A_1169 : i32 to index
        %swap3A_1270 = arith.constant 112 : index
        %swap3A_1271 = tpu.vector_load %arg12[%swap3A_1269, %swap3A_1270] {strides = array<i32>} : memref<80x144xf32, #tpu.memory_space<vmem>>, vector<16xf32>,
        tpu.vector_store %arg12[%swap3A_1269, %swap3A_1270], %mul3A_1268 {strides = array<i32>} : memref<80x144xf32, #tpu.memory_space<vmem>>, vector<16xf32>,
        %and3A_1272 = arith.constant 3 : i32
        %and3A_1273 = vector.broadcast %and3A_1272 : i32 to vector<16xi32>
        %and3A_1274 = arith.andi %iota3A, %and3A_1273 : vector<16xi32>
        %gather3A_1275 = tpu.vector_load_idx %arg13[%and3A_1274, %broadcast_in_dim3A_1171] : memref<4x16xf32, #tpu.memory_space<vmem>>[vector<16xi32>, vector<16xi32>], vector<16xf32>,
        %lt3A_1276 = arith.constant 4 : i32
        %lt3A_1277 = vector.broadcast %lt3A_1276 : i32 to vector<16xi32>
        %lt3A_1278 = arith.cmpi slt, %iota3A, %lt3A_1277 : vector<16xi32>
        %jit3A_1279 = arith.constant 0.000000e+00 : f32
        %broadcast_in_dim3A_1280 = vector.broadcast %jit3A_1279 : f32 to vector<16xf32>
        %select_n3A_1281 = arith.select %lt3A_1278, %gather3A_1275, %broadcast_in_dim3A_1280 : vector<16xi1>, vector<16xf32>
        %swap3A_1282 = arith.index_cast %add3A_1169 : i32 to index
        %swap3A_1283 = arith.constant 128 : index
        %swap3A_1284 = tpu.vector_load %arg12[%swap3A_1282, %swap3A_1283] {strides = array<i32>} : memref<80x144xf32, #tpu.memory_space<vmem>>, vector<16xf32>,
        tpu.vector_store %arg12[%swap3A_1282, %swap3A_1283], %select_n3A_1281 {strides = array<i32>} : memref<80x144xf32, #tpu.memory_space<vmem>>, vector<16xf32>,
        %add3A_1285 = arith.constant 8 : i32
        %add3A_1286 = arith.addi %mul3A_49, %add3A_1285 : i32
        %broadcast_in_dim3A_1287 = arith.constant 8 : i32
        %broadcast_in_dim3A_1288 = vector.broadcast %broadcast_in_dim3A_1287 : i32 to vector<16xi32>
        %eq3A_1289 = arith.constant 8 : i32
        %eq3A_1290 = vector.broadcast %eq3A_1289 : i32 to vector<16xi32>
        %eq3A_1291 = arith.cmpi eq, %iota3A, %eq3A_1290 : vector<16xi32>
        %jit3A_1292 = arith.constant 0.000000e+00 : f32
        %broadcast_in_dim3A_1293 = vector.broadcast %jit3A_1292 : f32 to vector<16xf32>
        %select_n3A_1294 = arith.select %eq3A_1291, %mul3A_115, %broadcast_in_dim3A_1293 : vector<16xi1>, vector<16xf32>
        %reduce_sum3A_1295 = arith.constant true
        %reduce_sum3A_1296 = vector.broadcast %reduce_sum3A_1295 : i1 to vector<16xi1>
        %reduce_sum3A_1297 = tpu.scan <sum>, %select_n3A_1294 masked %reduce_sum3A_1296 : vector<16xf32>, vector<16xi1> -> vector<16xf32>
        %reduce_sum3A_1298 = vector.extract %reduce_sum3A_1297[15] : f32 from vector<16xf32>
        %broadcast_in_dim3A_1299 = vector.broadcast %reduce_sum3A_1298 : f32 to vector<16xf32>
        %eq3A_1300 = arith.constant 8 : i32
        %eq3A_1301 = vector.broadcast %eq3A_1300 : i32 to vector<16xi32>
        %eq3A_1302 = arith.cmpi eq, %iota3A, %eq3A_1301 : vector<16xi32>
        %jit3A_1303 = arith.constant 0.000000e+00 : f32
        %broadcast_in_dim3A_1304 = vector.broadcast %jit3A_1303 : f32 to vector<16xf32>
        %select_n3A_1305 = arith.select %eq3A_1302, %mul3A_192, %broadcast_in_dim3A_1304 : vector<16xi1>, vector<16xf32>
        %reduce_sum3A_1306 = arith.constant true
        %reduce_sum3A_1307 = vector.broadcast %reduce_sum3A_1306 : i1 to vector<16xi1>
        %reduce_sum3A_1308 = tpu.scan <sum>, %select_n3A_1305 masked %reduce_sum3A_1307 : vector<16xf32>, vector<16xi1> -> vector<16xf32>
        %reduce_sum3A_1309 = vector.extract %reduce_sum3A_1308[15] : f32 from vector<16xf32>
        %broadcast_in_dim3A_1310 = vector.broadcast %reduce_sum3A_1309 : f32 to vector<16xf32>
        %eq3A_1311 = arith.constant 8 : i32
        %eq3A_1312 = vector.broadcast %eq3A_1311 : i32 to vector<16xi32>
        %eq3A_1313 = arith.cmpi eq, %iota3A, %eq3A_1312 : vector<16xi32>
        %jit3A_1314 = arith.constant 0.000000e+00 : f32
        %broadcast_in_dim3A_1315 = vector.broadcast %jit3A_1314 : f32 to vector<16xf32>
        %select_n3A_1316 = arith.select %eq3A_1313, %mul3A_270, %broadcast_in_dim3A_1315 : vector<16xi1>, vector<16xf32>
        %reduce_sum3A_1317 = arith.constant true
        %reduce_sum3A_1318 = vector.broadcast %reduce_sum3A_1317 : i1 to vector<16xi1>
        %reduce_sum3A_1319 = tpu.scan <sum>, %select_n3A_1316 masked %reduce_sum3A_1318 : vector<16xf32>, vector<16xi1> -> vector<16xf32>
        %reduce_sum3A_1320 = vector.extract %reduce_sum3A_1319[15] : f32 from vector<16xf32>
        %broadcast_in_dim3A_1321 = vector.broadcast %reduce_sum3A_1320 : f32 to vector<16xf32>
        %eq3A_1322 = arith.constant 8 : i32
        %eq3A_1323 = vector.broadcast %eq3A_1322 : i32 to vector<16xi32>
        %eq3A_1324 = arith.cmpi eq, %iota3A, %eq3A_1323 : vector<16xi32>
        %jit3A_1325 = arith.constant 0.000000e+00 : f32
        %broadcast_in_dim3A_1326 = vector.broadcast %jit3A_1325 : f32 to vector<16xf32>
        %select_n3A_1327 = arith.select %eq3A_1324, %mul3A_348, %broadcast_in_dim3A_1326 : vector<16xi1>, vector<16xf32>
        %reduce_sum3A_1328 = arith.constant true
        %reduce_sum3A_1329 = vector.broadcast %reduce_sum3A_1328 : i1 to vector<16xi1>
        %reduce_sum3A_1330 = tpu.scan <sum>, %select_n3A_1327 masked %reduce_sum3A_1329 : vector<16xf32>, vector<16xi1> -> vector<16xf32>
        %reduce_sum3A_1331 = vector.extract %reduce_sum3A_1330[15] : f32 from vector<16xf32>
        %broadcast_in_dim3A_1332 = vector.broadcast %reduce_sum3A_1331 : f32 to vector<16xf32>
        %get3A_1333 = arith.index_cast %add3A_1286 : i32 to index
        %get3A_1334 = arith.constant 0 : index
        %get3A_1335 = tpu.vector_load %arg10[%get3A_1333, %get3A_1334] {strides = array<i32>} : memref<80x144xf32, #tpu.memory_space<vmem>>, vector<16xf32>,
        %mul3A_1336 = arith.mulf %get3A_1335, %broadcast_in_dim3A_1299 : vector<16xf32>
        %swap3A_1337 = arith.index_cast %add3A_1286 : i32 to index
        %swap3A_1338 = arith.constant 0 : index
        %swap3A_1339 = tpu.vector_load %arg12[%swap3A_1337, %swap3A_1338] {strides = array<i32>} : memref<80x144xf32, #tpu.memory_space<vmem>>, vector<16xf32>,
        tpu.vector_store %arg12[%swap3A_1337, %swap3A_1338], %mul3A_1336 {strides = array<i32>} : memref<80x144xf32, #tpu.memory_space<vmem>>, vector<16xf32>,
        %get3A_1340 = arith.index_cast %add3A_1286 : i32 to index
        %get3A_1341 = arith.constant 16 : index
        %get3A_1342 = tpu.vector_load %arg10[%get3A_1340, %get3A_1341] {strides = array<i32>} : memref<80x144xf32, #tpu.memory_space<vmem>>, vector<16xf32>,
        %mul3A_1343 = arith.mulf %get3A_1342, %broadcast_in_dim3A_1299 : vector<16xf32>
        %swap3A_1344 = arith.index_cast %add3A_1286 : i32 to index
        %swap3A_1345 = arith.constant 16 : index
        %swap3A_1346 = tpu.vector_load %arg12[%swap3A_1344, %swap3A_1345] {strides = array<i32>} : memref<80x144xf32, #tpu.memory_space<vmem>>, vector<16xf32>,
        tpu.vector_store %arg12[%swap3A_1344, %swap3A_1345], %mul3A_1343 {strides = array<i32>} : memref<80x144xf32, #tpu.memory_space<vmem>>, vector<16xf32>,
        %get3A_1347 = arith.index_cast %add3A_1286 : i32 to index
        %get3A_1348 = arith.constant 32 : index
        %get3A_1349 = tpu.vector_load %arg10[%get3A_1347, %get3A_1348] {strides = array<i32>} : memref<80x144xf32, #tpu.memory_space<vmem>>, vector<16xf32>,
        %mul3A_1350 = arith.mulf %get3A_1349, %broadcast_in_dim3A_1310 : vector<16xf32>
        %swap3A_1351 = arith.index_cast %add3A_1286 : i32 to index
        %swap3A_1352 = arith.constant 32 : index
        %swap3A_1353 = tpu.vector_load %arg12[%swap3A_1351, %swap3A_1352] {strides = array<i32>} : memref<80x144xf32, #tpu.memory_space<vmem>>, vector<16xf32>,
        tpu.vector_store %arg12[%swap3A_1351, %swap3A_1352], %mul3A_1350 {strides = array<i32>} : memref<80x144xf32, #tpu.memory_space<vmem>>, vector<16xf32>,
        %get3A_1354 = arith.index_cast %add3A_1286 : i32 to index
        %get3A_1355 = arith.constant 48 : index
        %get3A_1356 = tpu.vector_load %arg10[%get3A_1354, %get3A_1355] {strides = array<i32>} : memref<80x144xf32, #tpu.memory_space<vmem>>, vector<16xf32>,
        %mul3A_1357 = arith.mulf %get3A_1356, %broadcast_in_dim3A_1310 : vector<16xf32>
        %swap3A_1358 = arith.index_cast %add3A_1286 : i32 to index
        %swap3A_1359 = arith.constant 48 : index
        %swap3A_1360 = tpu.vector_load %arg12[%swap3A_1358, %swap3A_1359] {strides = array<i32>} : memref<80x144xf32, #tpu.memory_space<vmem>>, vector<16xf32>,
        tpu.vector_store %arg12[%swap3A_1358, %swap3A_1359], %mul3A_1357 {strides = array<i32>} : memref<80x144xf32, #tpu.memory_space<vmem>>, vector<16xf32>,
        %get3A_1361 = arith.index_cast %add3A_1286 : i32 to index
        %get3A_1362 = arith.constant 64 : index
        %get3A_1363 = tpu.vector_load %arg10[%get3A_1361, %get3A_1362] {strides = array<i32>} : memref<80x144xf32, #tpu.memory_space<vmem>>, vector<16xf32>,
        %mul3A_1364 = arith.mulf %get3A_1363, %broadcast_in_dim3A_1321 : vector<16xf32>
        %swap3A_1365 = arith.index_cast %add3A_1286 : i32 to index
        %swap3A_1366 = arith.constant 64 : index
        %swap3A_1367 = tpu.vector_load %arg12[%swap3A_1365, %swap3A_1366] {strides = array<i32>} : memref<80x144xf32, #tpu.memory_space<vmem>>, vector<16xf32>,
        tpu.vector_store %arg12[%swap3A_1365, %swap3A_1366], %mul3A_1364 {strides = array<i32>} : memref<80x144xf32, #tpu.memory_space<vmem>>, vector<16xf32>,
        %get3A_1368 = arith.index_cast %add3A_1286 : i32 to index
        %get3A_1369 = arith.constant 80 : index
        %get3A_1370 = tpu.vector_load %arg10[%get3A_1368, %get3A_1369] {strides = array<i32>} : memref<80x144xf32, #tpu.memory_space<vmem>>, vector<16xf32>,
        %mul3A_1371 = arith.mulf %get3A_1370, %broadcast_in_dim3A_1321 : vector<16xf32>
        %swap3A_1372 = arith.index_cast %add3A_1286 : i32 to index
        %swap3A_1373 = arith.constant 80 : index
        %swap3A_1374 = tpu.vector_load %arg12[%swap3A_1372, %swap3A_1373] {strides = array<i32>} : memref<80x144xf32, #tpu.memory_space<vmem>>, vector<16xf32>,
        tpu.vector_store %arg12[%swap3A_1372, %swap3A_1373], %mul3A_1371 {strides = array<i32>} : memref<80x144xf32, #tpu.memory_space<vmem>>, vector<16xf32>,
        %get3A_1375 = arith.index_cast %add3A_1286 : i32 to index
        %get3A_1376 = arith.constant 96 : index
        %get3A_1377 = tpu.vector_load %arg10[%get3A_1375, %get3A_1376] {strides = array<i32>} : memref<80x144xf32, #tpu.memory_space<vmem>>, vector<16xf32>,
        %mul3A_1378 = arith.mulf %get3A_1377, %broadcast_in_dim3A_1332 : vector<16xf32>
        %swap3A_1379 = arith.index_cast %add3A_1286 : i32 to index
        %swap3A_1380 = arith.constant 96 : index
        %swap3A_1381 = tpu.vector_load %arg12[%swap3A_1379, %swap3A_1380] {strides = array<i32>} : memref<80x144xf32, #tpu.memory_space<vmem>>, vector<16xf32>,
        tpu.vector_store %arg12[%swap3A_1379, %swap3A_1380], %mul3A_1378 {strides = array<i32>} : memref<80x144xf32, #tpu.memory_space<vmem>>, vector<16xf32>,
        %get3A_1382 = arith.index_cast %add3A_1286 : i32 to index
        %get3A_1383 = arith.constant 112 : index
        %get3A_1384 = tpu.vector_load %arg10[%get3A_1382, %get3A_1383] {strides = array<i32>} : memref<80x144xf32, #tpu.memory_space<vmem>>, vector<16xf32>,
        %mul3A_1385 = arith.mulf %get3A_1384, %broadcast_in_dim3A_1332 : vector<16xf32>
        %swap3A_1386 = arith.index_cast %add3A_1286 : i32 to index
        %swap3A_1387 = arith.constant 112 : index
        %swap3A_1388 = tpu.vector_load %arg12[%swap3A_1386, %swap3A_1387] {strides = array<i32>} : memref<80x144xf32, #tpu.memory_space<vmem>>, vector<16xf32>,
        tpu.vector_store %arg12[%swap3A_1386, %swap3A_1387], %mul3A_1385 {strides = array<i32>} : memref<80x144xf32, #tpu.memory_space<vmem>>, vector<16xf32>,
        %and3A_1389 = arith.constant 3 : i32
        %and3A_1390 = vector.broadcast %and3A_1389 : i32 to vector<16xi32>
        %and3A_1391 = arith.andi %iota3A, %and3A_1390 : vector<16xi32>
        %gather3A_1392 = tpu.vector_load_idx %arg13[%and3A_1391, %broadcast_in_dim3A_1288] : memref<4x16xf32, #tpu.memory_space<vmem>>[vector<16xi32>, vector<16xi32>], vector<16xf32>,
        %lt3A_1393 = arith.constant 4 : i32
        %lt3A_1394 = vector.broadcast %lt3A_1393 : i32 to vector<16xi32>
        %lt3A_1395 = arith.cmpi slt, %iota3A, %lt3A_1394 : vector<16xi32>
        %jit3A_1396 = arith.constant 0.000000e+00 : f32
        %broadcast_in_dim3A_1397 = vector.broadcast %jit3A_1396 : f32 to vector<16xf32>
        %select_n3A_1398 = arith.select %lt3A_1395, %gather3A_1392, %broadcast_in_dim3A_1397 : vector<16xi1>, vector<16xf32>
        %swap3A_1399 = arith.index_cast %add3A_1286 : i32 to index
        %swap3A_1400 = arith.constant 128 : index
        %swap3A_1401 = tpu.vector_load %arg12[%swap3A_1399, %swap3A_1400] {strides = array<i32>} : memref<80x144xf32, #tpu.memory_space<vmem>>, vector<16xf32>,
        tpu.vector_store %arg12[%swap3A_1399, %swap3A_1400], %select_n3A_1398 {strides = array<i32>} : memref<80x144xf32, #tpu.memory_space<vmem>>, vector<16xf32>,
        %add3A_1402 = arith.constant 9 : i32
        %add3A_1403 = arith.addi %mul3A_49, %add3A_1402 : i32
        %broadcast_in_dim3A_1404 = arith.constant 9 : i32
        %broadcast_in_dim3A_1405 = vector.broadcast %broadcast_in_dim3A_1404 : i32 to vector<16xi32>
        %eq3A_1406 = arith.constant 9 : i32
        %eq3A_1407 = vector.broadcast %eq3A_1406 : i32 to vector<16xi32>
        %eq3A_1408 = arith.cmpi eq, %iota3A, %eq3A_1407 : vector<16xi32>
        %jit3A_1409 = arith.constant 0.000000e+00 : f32
        %broadcast_in_dim3A_1410 = vector.broadcast %jit3A_1409 : f32 to vector<16xf32>
        %select_n3A_1411 = arith.select %eq3A_1408, %mul3A_115, %broadcast_in_dim3A_1410 : vector<16xi1>, vector<16xf32>
        %reduce_sum3A_1412 = arith.constant true
        %reduce_sum3A_1413 = vector.broadcast %reduce_sum3A_1412 : i1 to vector<16xi1>
        %reduce_sum3A_1414 = tpu.scan <sum>, %select_n3A_1411 masked %reduce_sum3A_1413 : vector<16xf32>, vector<16xi1> -> vector<16xf32>
        %reduce_sum3A_1415 = vector.extract %reduce_sum3A_1414[15] : f32 from vector<16xf32>
        %broadcast_in_dim3A_1416 = vector.broadcast %reduce_sum3A_1415 : f32 to vector<16xf32>
        %eq3A_1417 = arith.constant 9 : i32
        %eq3A_1418 = vector.broadcast %eq3A_1417 : i32 to vector<16xi32>
        %eq3A_1419 = arith.cmpi eq, %iota3A, %eq3A_1418 : vector<16xi32>
        %jit3A_1420 = arith.constant 0.000000e+00 : f32
        %broadcast_in_dim3A_1421 = vector.broadcast %jit3A_1420 : f32 to vector<16xf32>
        %select_n3A_1422 = arith.select %eq3A_1419, %mul3A_192, %broadcast_in_dim3A_1421 : vector<16xi1>, vector<16xf32>
        %reduce_sum3A_1423 = arith.constant true
        %reduce_sum3A_1424 = vector.broadcast %reduce_sum3A_1423 : i1 to vector<16xi1>
        %reduce_sum3A_1425 = tpu.scan <sum>, %select_n3A_1422 masked %reduce_sum3A_1424 : vector<16xf32>, vector<16xi1> -> vector<16xf32>
        %reduce_sum3A_1426 = vector.extract %reduce_sum3A_1425[15] : f32 from vector<16xf32>
        %broadcast_in_dim3A_1427 = vector.broadcast %reduce_sum3A_1426 : f32 to vector<16xf32>
        %eq3A_1428 = arith.constant 9 : i32
        %eq3A_1429 = vector.broadcast %eq3A_1428 : i32 to vector<16xi32>
        %eq3A_1430 = arith.cmpi eq, %iota3A, %eq3A_1429 : vector<16xi32>
        %jit3A_1431 = arith.constant 0.000000e+00 : f32
        %broadcast_in_dim3A_1432 = vector.broadcast %jit3A_1431 : f32 to vector<16xf32>
        %select_n3A_1433 = arith.select %eq3A_1430, %mul3A_270, %broadcast_in_dim3A_1432 : vector<16xi1>, vector<16xf32>
        %reduce_sum3A_1434 = arith.constant true
        %reduce_sum3A_1435 = vector.broadcast %reduce_sum3A_1434 : i1 to vector<16xi1>
        %reduce_sum3A_1436 = tpu.scan <sum>, %select_n3A_1433 masked %reduce_sum3A_1435 : vector<16xf32>, vector<16xi1> -> vector<16xf32>
        %reduce_sum3A_1437 = vector.extract %reduce_sum3A_1436[15] : f32 from vector<16xf32>
        %broadcast_in_dim3A_1438 = vector.broadcast %reduce_sum3A_1437 : f32 to vector<16xf32>
        %eq3A_1439 = arith.constant 9 : i32
        %eq3A_1440 = vector.broadcast %eq3A_1439 : i32 to vector<16xi32>
        %eq3A_1441 = arith.cmpi eq, %iota3A, %eq3A_1440 : vector<16xi32>
        %jit3A_1442 = arith.constant 0.000000e+00 : f32
        %broadcast_in_dim3A_1443 = vector.broadcast %jit3A_1442 : f32 to vector<16xf32>
        %select_n3A_1444 = arith.select %eq3A_1441, %mul3A_348, %broadcast_in_dim3A_1443 : vector<16xi1>, vector<16xf32>
        %reduce_sum3A_1445 = arith.constant true
        %reduce_sum3A_1446 = vector.broadcast %reduce_sum3A_1445 : i1 to vector<16xi1>
        %reduce_sum3A_1447 = tpu.scan <sum>, %select_n3A_1444 masked %reduce_sum3A_1446 : vector<16xf32>, vector<16xi1> -> vector<16xf32>
        %reduce_sum3A_1448 = vector.extract %reduce_sum3A_1447[15] : f32 from vector<16xf32>
        %broadcast_in_dim3A_1449 = vector.broadcast %reduce_sum3A_1448 : f32 to vector<16xf32>
        %get3A_1450 = arith.index_cast %add3A_1403 : i32 to index
        %get3A_1451 = arith.constant 0 : index
        %get3A_1452 = tpu.vector_load %arg10[%get3A_1450, %get3A_1451] {strides = array<i32>} : memref<80x144xf32, #tpu.memory_space<vmem>>, vector<16xf32>,
        %mul3A_1453 = arith.mulf %get3A_1452, %broadcast_in_dim3A_1416 : vector<16xf32>
        %swap3A_1454 = arith.index_cast %add3A_1403 : i32 to index
        %swap3A_1455 = arith.constant 0 : index
        %swap3A_1456 = tpu.vector_load %arg12[%swap3A_1454, %swap3A_1455] {strides = array<i32>} : memref<80x144xf32, #tpu.memory_space<vmem>>, vector<16xf32>,
        tpu.vector_store %arg12[%swap3A_1454, %swap3A_1455], %mul3A_1453 {strides = array<i32>} : memref<80x144xf32, #tpu.memory_space<vmem>>, vector<16xf32>,
        %get3A_1457 = arith.index_cast %add3A_1403 : i32 to index
        %get3A_1458 = arith.constant 16 : index
        %get3A_1459 = tpu.vector_load %arg10[%get3A_1457, %get3A_1458] {strides = array<i32>} : memref<80x144xf32, #tpu.memory_space<vmem>>, vector<16xf32>,
        %mul3A_1460 = arith.mulf %get3A_1459, %broadcast_in_dim3A_1416 : vector<16xf32>
        %swap3A_1461 = arith.index_cast %add3A_1403 : i32 to index
        %swap3A_1462 = arith.constant 16 : index
        %swap3A_1463 = tpu.vector_load %arg12[%swap3A_1461, %swap3A_1462] {strides = array<i32>} : memref<80x144xf32, #tpu.memory_space<vmem>>, vector<16xf32>,
        tpu.vector_store %arg12[%swap3A_1461, %swap3A_1462], %mul3A_1460 {strides = array<i32>} : memref<80x144xf32, #tpu.memory_space<vmem>>, vector<16xf32>,
        %get3A_1464 = arith.index_cast %add3A_1403 : i32 to index
        %get3A_1465 = arith.constant 32 : index
        %get3A_1466 = tpu.vector_load %arg10[%get3A_1464, %get3A_1465] {strides = array<i32>} : memref<80x144xf32, #tpu.memory_space<vmem>>, vector<16xf32>,
        %mul3A_1467 = arith.mulf %get3A_1466, %broadcast_in_dim3A_1427 : vector<16xf32>
        %swap3A_1468 = arith.index_cast %add3A_1403 : i32 to index
        %swap3A_1469 = arith.constant 32 : index
        %swap3A_1470 = tpu.vector_load %arg12[%swap3A_1468, %swap3A_1469] {strides = array<i32>} : memref<80x144xf32, #tpu.memory_space<vmem>>, vector<16xf32>,
        tpu.vector_store %arg12[%swap3A_1468, %swap3A_1469], %mul3A_1467 {strides = array<i32>} : memref<80x144xf32, #tpu.memory_space<vmem>>, vector<16xf32>,
        %get3A_1471 = arith.index_cast %add3A_1403 : i32 to index
        %get3A_1472 = arith.constant 48 : index
        %get3A_1473 = tpu.vector_load %arg10[%get3A_1471, %get3A_1472] {strides = array<i32>} : memref<80x144xf32, #tpu.memory_space<vmem>>, vector<16xf32>,
        %mul3A_1474 = arith.mulf %get3A_1473, %broadcast_in_dim3A_1427 : vector<16xf32>
        %swap3A_1475 = arith.index_cast %add3A_1403 : i32 to index
        %swap3A_1476 = arith.constant 48 : index
        %swap3A_1477 = tpu.vector_load %arg12[%swap3A_1475, %swap3A_1476] {strides = array<i32>} : memref<80x144xf32, #tpu.memory_space<vmem>>, vector<16xf32>,
        tpu.vector_store %arg12[%swap3A_1475, %swap3A_1476], %mul3A_1474 {strides = array<i32>} : memref<80x144xf32, #tpu.memory_space<vmem>>, vector<16xf32>,
        %get3A_1478 = arith.index_cast %add3A_1403 : i32 to index
        %get3A_1479 = arith.constant 64 : index
        %get3A_1480 = tpu.vector_load %arg10[%get3A_1478, %get3A_1479] {strides = array<i32>} : memref<80x144xf32, #tpu.memory_space<vmem>>, vector<16xf32>,
        %mul3A_1481 = arith.mulf %get3A_1480, %broadcast_in_dim3A_1438 : vector<16xf32>
        %swap3A_1482 = arith.index_cast %add3A_1403 : i32 to index
        %swap3A_1483 = arith.constant 64 : index
        %swap3A_1484 = tpu.vector_load %arg12[%swap3A_1482, %swap3A_1483] {strides = array<i32>} : memref<80x144xf32, #tpu.memory_space<vmem>>, vector<16xf32>,
        tpu.vector_store %arg12[%swap3A_1482, %swap3A_1483], %mul3A_1481 {strides = array<i32>} : memref<80x144xf32, #tpu.memory_space<vmem>>, vector<16xf32>,
        %get3A_1485 = arith.index_cast %add3A_1403 : i32 to index
        %get3A_1486 = arith.constant 80 : index
        %get3A_1487 = tpu.vector_load %arg10[%get3A_1485, %get3A_1486] {strides = array<i32>} : memref<80x144xf32, #tpu.memory_space<vmem>>, vector<16xf32>,
        %mul3A_1488 = arith.mulf %get3A_1487, %broadcast_in_dim3A_1438 : vector<16xf32>
        %swap3A_1489 = arith.index_cast %add3A_1403 : i32 to index
        %swap3A_1490 = arith.constant 80 : index
        %swap3A_1491 = tpu.vector_load %arg12[%swap3A_1489, %swap3A_1490] {strides = array<i32>} : memref<80x144xf32, #tpu.memory_space<vmem>>, vector<16xf32>,
        tpu.vector_store %arg12[%swap3A_1489, %swap3A_1490], %mul3A_1488 {strides = array<i32>} : memref<80x144xf32, #tpu.memory_space<vmem>>, vector<16xf32>,
        %get3A_1492 = arith.index_cast %add3A_1403 : i32 to index
        %get3A_1493 = arith.constant 96 : index
        %get3A_1494 = tpu.vector_load %arg10[%get3A_1492, %get3A_1493] {strides = array<i32>} : memref<80x144xf32, #tpu.memory_space<vmem>>, vector<16xf32>,
        %mul3A_1495 = arith.mulf %get3A_1494, %broadcast_in_dim3A_1449 : vector<16xf32>
        %swap3A_1496 = arith.index_cast %add3A_1403 : i32 to index
        %swap3A_1497 = arith.constant 96 : index
        %swap3A_1498 = tpu.vector_load %arg12[%swap3A_1496, %swap3A_1497] {strides = array<i32>} : memref<80x144xf32, #tpu.memory_space<vmem>>, vector<16xf32>,
        tpu.vector_store %arg12[%swap3A_1496, %swap3A_1497], %mul3A_1495 {strides = array<i32>} : memref<80x144xf32, #tpu.memory_space<vmem>>, vector<16xf32>,
        %get3A_1499 = arith.index_cast %add3A_1403 : i32 to index
        %get3A_1500 = arith.constant 112 : index
        %get3A_1501 = tpu.vector_load %arg10[%get3A_1499, %get3A_1500] {strides = array<i32>} : memref<80x144xf32, #tpu.memory_space<vmem>>, vector<16xf32>,
        %mul3A_1502 = arith.mulf %get3A_1501, %broadcast_in_dim3A_1449 : vector<16xf32>
        %swap3A_1503 = arith.index_cast %add3A_1403 : i32 to index
        %swap3A_1504 = arith.constant 112 : index
        %swap3A_1505 = tpu.vector_load %arg12[%swap3A_1503, %swap3A_1504] {strides = array<i32>} : memref<80x144xf32, #tpu.memory_space<vmem>>, vector<16xf32>,
        tpu.vector_store %arg12[%swap3A_1503, %swap3A_1504], %mul3A_1502 {strides = array<i32>} : memref<80x144xf32, #tpu.memory_space<vmem>>, vector<16xf32>,
        %and3A_1506 = arith.constant 3 : i32
        %and3A_1507 = vector.broadcast %and3A_1506 : i32 to vector<16xi32>
        %and3A_1508 = arith.andi %iota3A, %and3A_1507 : vector<16xi32>
        %gather3A_1509 = tpu.vector_load_idx %arg13[%and3A_1508, %broadcast_in_dim3A_1405] : memref<4x16xf32, #tpu.memory_space<vmem>>[vector<16xi32>, vector<16xi32>], vector<16xf32>,
        %lt3A_1510 = arith.constant 4 : i32
        %lt3A_1511 = vector.broadcast %lt3A_1510 : i32 to vector<16xi32>
        %lt3A_1512 = arith.cmpi slt, %iota3A, %lt3A_1511 : vector<16xi32>
        %jit3A_1513 = arith.constant 0.000000e+00 : f32
        %broadcast_in_dim3A_1514 = vector.broadcast %jit3A_1513 : f32 to vector<16xf32>
        %select_n3A_1515 = arith.select %lt3A_1512, %gather3A_1509, %broadcast_in_dim3A_1514 : vector<16xi1>, vector<16xf32>
        %swap3A_1516 = arith.index_cast %add3A_1403 : i32 to index
        %swap3A_1517 = arith.constant 128 : index
        %swap3A_1518 = tpu.vector_load %arg12[%swap3A_1516, %swap3A_1517] {strides = array<i32>} : memref<80x144xf32, #tpu.memory_space<vmem>>, vector<16xf32>,
        tpu.vector_store %arg12[%swap3A_1516, %swap3A_1517], %select_n3A_1515 {strides = array<i32>} : memref<80x144xf32, #tpu.memory_space<vmem>>, vector<16xf32>,
        %add3A_1519 = arith.constant 10 : i32
        %add3A_1520 = arith.addi %mul3A_49, %add3A_1519 : i32
        %broadcast_in_dim3A_1521 = arith.constant 10 : i32
        %broadcast_in_dim3A_1522 = vector.broadcast %broadcast_in_dim3A_1521 : i32 to vector<16xi32>
        %eq3A_1523 = arith.constant 10 : i32
        %eq3A_1524 = vector.broadcast %eq3A_1523 : i32 to vector<16xi32>
        %eq3A_1525 = arith.cmpi eq, %iota3A, %eq3A_1524 : vector<16xi32>
        %jit3A_1526 = arith.constant 0.000000e+00 : f32
        %broadcast_in_dim3A_1527 = vector.broadcast %jit3A_1526 : f32 to vector<16xf32>
        %select_n3A_1528 = arith.select %eq3A_1525, %mul3A_115, %broadcast_in_dim3A_1527 : vector<16xi1>, vector<16xf32>
        %reduce_sum3A_1529 = arith.constant true
        %reduce_sum3A_1530 = vector.broadcast %reduce_sum3A_1529 : i1 to vector<16xi1>
        %reduce_sum3A_1531 = tpu.scan <sum>, %select_n3A_1528 masked %reduce_sum3A_1530 : vector<16xf32>, vector<16xi1> -> vector<16xf32>
        %reduce_sum3A_1532 = vector.extract %reduce_sum3A_1531[15] : f32 from vector<16xf32>
        %broadcast_in_dim3A_1533 = vector.broadcast %reduce_sum3A_1532 : f32 to vector<16xf32>
        %eq3A_1534 = arith.constant 10 : i32
        %eq3A_1535 = vector.broadcast %eq3A_1534 : i32 to vector<16xi32>
        %eq3A_1536 = arith.cmpi eq, %iota3A, %eq3A_1535 : vector<16xi32>
        %jit3A_1537 = arith.constant 0.000000e+00 : f32
        %broadcast_in_dim3A_1538 = vector.broadcast %jit3A_1537 : f32 to vector<16xf32>
        %select_n3A_1539 = arith.select %eq3A_1536, %mul3A_192, %broadcast_in_dim3A_1538 : vector<16xi1>, vector<16xf32>
        %reduce_sum3A_1540 = arith.constant true
        %reduce_sum3A_1541 = vector.broadcast %reduce_sum3A_1540 : i1 to vector<16xi1>
        %reduce_sum3A_1542 = tpu.scan <sum>, %select_n3A_1539 masked %reduce_sum3A_1541 : vector<16xf32>, vector<16xi1> -> vector<16xf32>
        %reduce_sum3A_1543 = vector.extract %reduce_sum3A_1542[15] : f32 from vector<16xf32>
        %broadcast_in_dim3A_1544 = vector.broadcast %reduce_sum3A_1543 : f32 to vector<16xf32>
        %eq3A_1545 = arith.constant 10 : i32
        %eq3A_1546 = vector.broadcast %eq3A_1545 : i32 to vector<16xi32>
        %eq3A_1547 = arith.cmpi eq, %iota3A, %eq3A_1546 : vector<16xi32>
        %jit3A_1548 = arith.constant 0.000000e+00 : f32
        %broadcast_in_dim3A_1549 = vector.broadcast %jit3A_1548 : f32 to vector<16xf32>
        %select_n3A_1550 = arith.select %eq3A_1547, %mul3A_270, %broadcast_in_dim3A_1549 : vector<16xi1>, vector<16xf32>
        %reduce_sum3A_1551 = arith.constant true
        %reduce_sum3A_1552 = vector.broadcast %reduce_sum3A_1551 : i1 to vector<16xi1>
        %reduce_sum3A_1553 = tpu.scan <sum>, %select_n3A_1550 masked %reduce_sum3A_1552 : vector<16xf32>, vector<16xi1> -> vector<16xf32>
        %reduce_sum3A_1554 = vector.extract %reduce_sum3A_1553[15] : f32 from vector<16xf32>
        %broadcast_in_dim3A_1555 = vector.broadcast %reduce_sum3A_1554 : f32 to vector<16xf32>
        %eq3A_1556 = arith.constant 10 : i32
        %eq3A_1557 = vector.broadcast %eq3A_1556 : i32 to vector<16xi32>
        %eq3A_1558 = arith.cmpi eq, %iota3A, %eq3A_1557 : vector<16xi32>
        %jit3A_1559 = arith.constant 0.000000e+00 : f32
        %broadcast_in_dim3A_1560 = vector.broadcast %jit3A_1559 : f32 to vector<16xf32>
        %select_n3A_1561 = arith.select %eq3A_1558, %mul3A_348, %broadcast_in_dim3A_1560 : vector<16xi1>, vector<16xf32>
        %reduce_sum3A_1562 = arith.constant true
        %reduce_sum3A_1563 = vector.broadcast %reduce_sum3A_1562 : i1 to vector<16xi1>
        %reduce_sum3A_1564 = tpu.scan <sum>, %select_n3A_1561 masked %reduce_sum3A_1563 : vector<16xf32>, vector<16xi1> -> vector<16xf32>
        %reduce_sum3A_1565 = vector.extract %reduce_sum3A_1564[15] : f32 from vector<16xf32>
        %broadcast_in_dim3A_1566 = vector.broadcast %reduce_sum3A_1565 : f32 to vector<16xf32>
        %get3A_1567 = arith.index_cast %add3A_1520 : i32 to index
        %get3A_1568 = arith.constant 0 : index
        %get3A_1569 = tpu.vector_load %arg10[%get3A_1567, %get3A_1568] {strides = array<i32>} : memref<80x144xf32, #tpu.memory_space<vmem>>, vector<16xf32>,
        %mul3A_1570 = arith.mulf %get3A_1569, %broadcast_in_dim3A_1533 : vector<16xf32>
        %swap3A_1571 = arith.index_cast %add3A_1520 : i32 to index
        %swap3A_1572 = arith.constant 0 : index
        %swap3A_1573 = tpu.vector_load %arg12[%swap3A_1571, %swap3A_1572] {strides = array<i32>} : memref<80x144xf32, #tpu.memory_space<vmem>>, vector<16xf32>,
        tpu.vector_store %arg12[%swap3A_1571, %swap3A_1572], %mul3A_1570 {strides = array<i32>} : memref<80x144xf32, #tpu.memory_space<vmem>>, vector<16xf32>,
        %get3A_1574 = arith.index_cast %add3A_1520 : i32 to index
        %get3A_1575 = arith.constant 16 : index
        %get3A_1576 = tpu.vector_load %arg10[%get3A_1574, %get3A_1575] {strides = array<i32>} : memref<80x144xf32, #tpu.memory_space<vmem>>, vector<16xf32>,
        %mul3A_1577 = arith.mulf %get3A_1576, %broadcast_in_dim3A_1533 : vector<16xf32>
        %swap3A_1578 = arith.index_cast %add3A_1520 : i32 to index
        %swap3A_1579 = arith.constant 16 : index
        %swap3A_1580 = tpu.vector_load %arg12[%swap3A_1578, %swap3A_1579] {strides = array<i32>} : memref<80x144xf32, #tpu.memory_space<vmem>>, vector<16xf32>,
        tpu.vector_store %arg12[%swap3A_1578, %swap3A_1579], %mul3A_1577 {strides = array<i32>} : memref<80x144xf32, #tpu.memory_space<vmem>>, vector<16xf32>,
        %get3A_1581 = arith.index_cast %add3A_1520 : i32 to index
        %get3A_1582 = arith.constant 32 : index
        %get3A_1583 = tpu.vector_load %arg10[%get3A_1581, %get3A_1582] {strides = array<i32>} : memref<80x144xf32, #tpu.memory_space<vmem>>, vector<16xf32>,
        %mul3A_1584 = arith.mulf %get3A_1583, %broadcast_in_dim3A_1544 : vector<16xf32>
        %swap3A_1585 = arith.index_cast %add3A_1520 : i32 to index
        %swap3A_1586 = arith.constant 32 : index
        %swap3A_1587 = tpu.vector_load %arg12[%swap3A_1585, %swap3A_1586] {strides = array<i32>} : memref<80x144xf32, #tpu.memory_space<vmem>>, vector<16xf32>,
        tpu.vector_store %arg12[%swap3A_1585, %swap3A_1586], %mul3A_1584 {strides = array<i32>} : memref<80x144xf32, #tpu.memory_space<vmem>>, vector<16xf32>,
        %get3A_1588 = arith.index_cast %add3A_1520 : i32 to index
        %get3A_1589 = arith.constant 48 : index
        %get3A_1590 = tpu.vector_load %arg10[%get3A_1588, %get3A_1589] {strides = array<i32>} : memref<80x144xf32, #tpu.memory_space<vmem>>, vector<16xf32>,
        %mul3A_1591 = arith.mulf %get3A_1590, %broadcast_in_dim3A_1544 : vector<16xf32>
        %swap3A_1592 = arith.index_cast %add3A_1520 : i32 to index
        %swap3A_1593 = arith.constant 48 : index
        %swap3A_1594 = tpu.vector_load %arg12[%swap3A_1592, %swap3A_1593] {strides = array<i32>} : memref<80x144xf32, #tpu.memory_space<vmem>>, vector<16xf32>,
        tpu.vector_store %arg12[%swap3A_1592, %swap3A_1593], %mul3A_1591 {strides = array<i32>} : memref<80x144xf32, #tpu.memory_space<vmem>>, vector<16xf32>,
        %get3A_1595 = arith.index_cast %add3A_1520 : i32 to index
        %get3A_1596 = arith.constant 64 : index
        %get3A_1597 = tpu.vector_load %arg10[%get3A_1595, %get3A_1596] {strides = array<i32>} : memref<80x144xf32, #tpu.memory_space<vmem>>, vector<16xf32>,
        %mul3A_1598 = arith.mulf %get3A_1597, %broadcast_in_dim3A_1555 : vector<16xf32>
        %swap3A_1599 = arith.index_cast %add3A_1520 : i32 to index
        %swap3A_1600 = arith.constant 64 : index
        %swap3A_1601 = tpu.vector_load %arg12[%swap3A_1599, %swap3A_1600] {strides = array<i32>} : memref<80x144xf32, #tpu.memory_space<vmem>>, vector<16xf32>,
        tpu.vector_store %arg12[%swap3A_1599, %swap3A_1600], %mul3A_1598 {strides = array<i32>} : memref<80x144xf32, #tpu.memory_space<vmem>>, vector<16xf32>,
        %get3A_1602 = arith.index_cast %add3A_1520 : i32 to index
        %get3A_1603 = arith.constant 80 : index
        %get3A_1604 = tpu.vector_load %arg10[%get3A_1602, %get3A_1603] {strides = array<i32>} : memref<80x144xf32, #tpu.memory_space<vmem>>, vector<16xf32>,
        %mul3A_1605 = arith.mulf %get3A_1604, %broadcast_in_dim3A_1555 : vector<16xf32>
        %swap3A_1606 = arith.index_cast %add3A_1520 : i32 to index
        %swap3A_1607 = arith.constant 80 : index
        %swap3A_1608 = tpu.vector_load %arg12[%swap3A_1606, %swap3A_1607] {strides = array<i32>} : memref<80x144xf32, #tpu.memory_space<vmem>>, vector<16xf32>,
        tpu.vector_store %arg12[%swap3A_1606, %swap3A_1607], %mul3A_1605 {strides = array<i32>} : memref<80x144xf32, #tpu.memory_space<vmem>>, vector<16xf32>,
        %get3A_1609 = arith.index_cast %add3A_1520 : i32 to index
        %get3A_1610 = arith.constant 96 : index
        %get3A_1611 = tpu.vector_load %arg10[%get3A_1609, %get3A_1610] {strides = array<i32>} : memref<80x144xf32, #tpu.memory_space<vmem>>, vector<16xf32>,
        %mul3A_1612 = arith.mulf %get3A_1611, %broadcast_in_dim3A_1566 : vector<16xf32>
        %swap3A_1613 = arith.index_cast %add3A_1520 : i32 to index
        %swap3A_1614 = arith.constant 96 : index
        %swap3A_1615 = tpu.vector_load %arg12[%swap3A_1613, %swap3A_1614] {strides = array<i32>} : memref<80x144xf32, #tpu.memory_space<vmem>>, vector<16xf32>,
        tpu.vector_store %arg12[%swap3A_1613, %swap3A_1614], %mul3A_1612 {strides = array<i32>} : memref<80x144xf32, #tpu.memory_space<vmem>>, vector<16xf32>,
        %get3A_1616 = arith.index_cast %add3A_1520 : i32 to index
        %get3A_1617 = arith.constant 112 : index
        %get3A_1618 = tpu.vector_load %arg10[%get3A_1616, %get3A_1617] {strides = array<i32>} : memref<80x144xf32, #tpu.memory_space<vmem>>, vector<16xf32>,
        %mul3A_1619 = arith.mulf %get3A_1618, %broadcast_in_dim3A_1566 : vector<16xf32>
        %swap3A_1620 = arith.index_cast %add3A_1520 : i32 to index
        %swap3A_1621 = arith.constant 112 : index
        %swap3A_1622 = tpu.vector_load %arg12[%swap3A_1620, %swap3A_1621] {strides = array<i32>} : memref<80x144xf32, #tpu.memory_space<vmem>>, vector<16xf32>,
        tpu.vector_store %arg12[%swap3A_1620, %swap3A_1621], %mul3A_1619 {strides = array<i32>} : memref<80x144xf32, #tpu.memory_space<vmem>>, vector<16xf32>,
        %and3A_1623 = arith.constant 3 : i32
        %and3A_1624 = vector.broadcast %and3A_1623 : i32 to vector<16xi32>
        %and3A_1625 = arith.andi %iota3A, %and3A_1624 : vector<16xi32>
        %gather3A_1626 = tpu.vector_load_idx %arg13[%and3A_1625, %broadcast_in_dim3A_1522] : memref<4x16xf32, #tpu.memory_space<vmem>>[vector<16xi32>, vector<16xi32>], vector<16xf32>,
        %lt3A_1627 = arith.constant 4 : i32
        %lt3A_1628 = vector.broadcast %lt3A_1627 : i32 to vector<16xi32>
        %lt3A_1629 = arith.cmpi slt, %iota3A, %lt3A_1628 : vector<16xi32>
        %jit3A_1630 = arith.constant 0.000000e+00 : f32
        %broadcast_in_dim3A_1631 = vector.broadcast %jit3A_1630 : f32 to vector<16xf32>
        %select_n3A_1632 = arith.select %lt3A_1629, %gather3A_1626, %broadcast_in_dim3A_1631 : vector<16xi1>, vector<16xf32>
        %swap3A_1633 = arith.index_cast %add3A_1520 : i32 to index
        %swap3A_1634 = arith.constant 128 : index
        %swap3A_1635 = tpu.vector_load %arg12[%swap3A_1633, %swap3A_1634] {strides = array<i32>} : memref<80x144xf32, #tpu.memory_space<vmem>>, vector<16xf32>,
        tpu.vector_store %arg12[%swap3A_1633, %swap3A_1634], %select_n3A_1632 {strides = array<i32>} : memref<80x144xf32, #tpu.memory_space<vmem>>, vector<16xf32>,
        %add3A_1636 = arith.constant 11 : i32
        %add3A_1637 = arith.addi %mul3A_49, %add3A_1636 : i32
        %broadcast_in_dim3A_1638 = arith.constant 11 : i32
        %broadcast_in_dim3A_1639 = vector.broadcast %broadcast_in_dim3A_1638 : i32 to vector<16xi32>
        %eq3A_1640 = arith.constant 11 : i32
        %eq3A_1641 = vector.broadcast %eq3A_1640 : i32 to vector<16xi32>
        %eq3A_1642 = arith.cmpi eq, %iota3A, %eq3A_1641 : vector<16xi32>
        %jit3A_1643 = arith.constant 0.000000e+00 : f32
        %broadcast_in_dim3A_1644 = vector.broadcast %jit3A_1643 : f32 to vector<16xf32>
        %select_n3A_1645 = arith.select %eq3A_1642, %mul3A_115, %broadcast_in_dim3A_1644 : vector<16xi1>, vector<16xf32>
        %reduce_sum3A_1646 = arith.constant true
        %reduce_sum3A_1647 = vector.broadcast %reduce_sum3A_1646 : i1 to vector<16xi1>
        %reduce_sum3A_1648 = tpu.scan <sum>, %select_n3A_1645 masked %reduce_sum3A_1647 : vector<16xf32>, vector<16xi1> -> vector<16xf32>
        %reduce_sum3A_1649 = vector.extract %reduce_sum3A_1648[15] : f32 from vector<16xf32>
        %broadcast_in_dim3A_1650 = vector.broadcast %reduce_sum3A_1649 : f32 to vector<16xf32>
        %eq3A_1651 = arith.constant 11 : i32
        %eq3A_1652 = vector.broadcast %eq3A_1651 : i32 to vector<16xi32>
        %eq3A_1653 = arith.cmpi eq, %iota3A, %eq3A_1652 : vector<16xi32>
        %jit3A_1654 = arith.constant 0.000000e+00 : f32
        %broadcast_in_dim3A_1655 = vector.broadcast %jit3A_1654 : f32 to vector<16xf32>
        %select_n3A_1656 = arith.select %eq3A_1653, %mul3A_192, %broadcast_in_dim3A_1655 : vector<16xi1>, vector<16xf32>
        %reduce_sum3A_1657 = arith.constant true
        %reduce_sum3A_1658 = vector.broadcast %reduce_sum3A_1657 : i1 to vector<16xi1>
        %reduce_sum3A_1659 = tpu.scan <sum>, %select_n3A_1656 masked %reduce_sum3A_1658 : vector<16xf32>, vector<16xi1> -> vector<16xf32>
        %reduce_sum3A_1660 = vector.extract %reduce_sum3A_1659[15] : f32 from vector<16xf32>
        %broadcast_in_dim3A_1661 = vector.broadcast %reduce_sum3A_1660 : f32 to vector<16xf32>
        %eq3A_1662 = arith.constant 11 : i32
        %eq3A_1663 = vector.broadcast %eq3A_1662 : i32 to vector<16xi32>
        %eq3A_1664 = arith.cmpi eq, %iota3A, %eq3A_1663 : vector<16xi32>
        %jit3A_1665 = arith.constant 0.000000e+00 : f32
        %broadcast_in_dim3A_1666 = vector.broadcast %jit3A_1665 : f32 to vector<16xf32>
        %select_n3A_1667 = arith.select %eq3A_1664, %mul3A_270, %broadcast_in_dim3A_1666 : vector<16xi1>, vector<16xf32>
        %reduce_sum3A_1668 = arith.constant true
        %reduce_sum3A_1669 = vector.broadcast %reduce_sum3A_1668 : i1 to vector<16xi1>
        %reduce_sum3A_1670 = tpu.scan <sum>, %select_n3A_1667 masked %reduce_sum3A_1669 : vector<16xf32>, vector<16xi1> -> vector<16xf32>
        %reduce_sum3A_1671 = vector.extract %reduce_sum3A_1670[15] : f32 from vector<16xf32>
        %broadcast_in_dim3A_1672 = vector.broadcast %reduce_sum3A_1671 : f32 to vector<16xf32>
        %eq3A_1673 = arith.constant 11 : i32
        %eq3A_1674 = vector.broadcast %eq3A_1673 : i32 to vector<16xi32>
        %eq3A_1675 = arith.cmpi eq, %iota3A, %eq3A_1674 : vector<16xi32>
        %jit3A_1676 = arith.constant 0.000000e+00 : f32
        %broadcast_in_dim3A_1677 = vector.broadcast %jit3A_1676 : f32 to vector<16xf32>
        %select_n3A_1678 = arith.select %eq3A_1675, %mul3A_348, %broadcast_in_dim3A_1677 : vector<16xi1>, vector<16xf32>
        %reduce_sum3A_1679 = arith.constant true
        %reduce_sum3A_1680 = vector.broadcast %reduce_sum3A_1679 : i1 to vector<16xi1>
        %reduce_sum3A_1681 = tpu.scan <sum>, %select_n3A_1678 masked %reduce_sum3A_1680 : vector<16xf32>, vector<16xi1> -> vector<16xf32>
        %reduce_sum3A_1682 = vector.extract %reduce_sum3A_1681[15] : f32 from vector<16xf32>
        %broadcast_in_dim3A_1683 = vector.broadcast %reduce_sum3A_1682 : f32 to vector<16xf32>
        %get3A_1684 = arith.index_cast %add3A_1637 : i32 to index
        %get3A_1685 = arith.constant 0 : index
        %get3A_1686 = tpu.vector_load %arg10[%get3A_1684, %get3A_1685] {strides = array<i32>} : memref<80x144xf32, #tpu.memory_space<vmem>>, vector<16xf32>,
        %mul3A_1687 = arith.mulf %get3A_1686, %broadcast_in_dim3A_1650 : vector<16xf32>
        %swap3A_1688 = arith.index_cast %add3A_1637 : i32 to index
        %swap3A_1689 = arith.constant 0 : index
        %swap3A_1690 = tpu.vector_load %arg12[%swap3A_1688, %swap3A_1689] {strides = array<i32>} : memref<80x144xf32, #tpu.memory_space<vmem>>, vector<16xf32>,
        tpu.vector_store %arg12[%swap3A_1688, %swap3A_1689], %mul3A_1687 {strides = array<i32>} : memref<80x144xf32, #tpu.memory_space<vmem>>, vector<16xf32>,
        %get3A_1691 = arith.index_cast %add3A_1637 : i32 to index
        %get3A_1692 = arith.constant 16 : index
        %get3A_1693 = tpu.vector_load %arg10[%get3A_1691, %get3A_1692] {strides = array<i32>} : memref<80x144xf32, #tpu.memory_space<vmem>>, vector<16xf32>,
        %mul3A_1694 = arith.mulf %get3A_1693, %broadcast_in_dim3A_1650 : vector<16xf32>
        %swap3A_1695 = arith.index_cast %add3A_1637 : i32 to index
        %swap3A_1696 = arith.constant 16 : index
        %swap3A_1697 = tpu.vector_load %arg12[%swap3A_1695, %swap3A_1696] {strides = array<i32>} : memref<80x144xf32, #tpu.memory_space<vmem>>, vector<16xf32>,
        tpu.vector_store %arg12[%swap3A_1695, %swap3A_1696], %mul3A_1694 {strides = array<i32>} : memref<80x144xf32, #tpu.memory_space<vmem>>, vector<16xf32>,
        %get3A_1698 = arith.index_cast %add3A_1637 : i32 to index
        %get3A_1699 = arith.constant 32 : index
        %get3A_1700 = tpu.vector_load %arg10[%get3A_1698, %get3A_1699] {strides = array<i32>} : memref<80x144xf32, #tpu.memory_space<vmem>>, vector<16xf32>,
        %mul3A_1701 = arith.mulf %get3A_1700, %broadcast_in_dim3A_1661 : vector<16xf32>
        %swap3A_1702 = arith.index_cast %add3A_1637 : i32 to index
        %swap3A_1703 = arith.constant 32 : index
        %swap3A_1704 = tpu.vector_load %arg12[%swap3A_1702, %swap3A_1703] {strides = array<i32>} : memref<80x144xf32, #tpu.memory_space<vmem>>, vector<16xf32>,
        tpu.vector_store %arg12[%swap3A_1702, %swap3A_1703], %mul3A_1701 {strides = array<i32>} : memref<80x144xf32, #tpu.memory_space<vmem>>, vector<16xf32>,
        %get3A_1705 = arith.index_cast %add3A_1637 : i32 to index
        %get3A_1706 = arith.constant 48 : index
        %get3A_1707 = tpu.vector_load %arg10[%get3A_1705, %get3A_1706] {strides = array<i32>} : memref<80x144xf32, #tpu.memory_space<vmem>>, vector<16xf32>,
        %mul3A_1708 = arith.mulf %get3A_1707, %broadcast_in_dim3A_1661 : vector<16xf32>
        %swap3A_1709 = arith.index_cast %add3A_1637 : i32 to index
        %swap3A_1710 = arith.constant 48 : index
        %swap3A_1711 = tpu.vector_load %arg12[%swap3A_1709, %swap3A_1710] {strides = array<i32>} : memref<80x144xf32, #tpu.memory_space<vmem>>, vector<16xf32>,
        tpu.vector_store %arg12[%swap3A_1709, %swap3A_1710], %mul3A_1708 {strides = array<i32>} : memref<80x144xf32, #tpu.memory_space<vmem>>, vector<16xf32>,
        %get3A_1712 = arith.index_cast %add3A_1637 : i32 to index
        %get3A_1713 = arith.constant 64 : index
        %get3A_1714 = tpu.vector_load %arg10[%get3A_1712, %get3A_1713] {strides = array<i32>} : memref<80x144xf32, #tpu.memory_space<vmem>>, vector<16xf32>,
        %mul3A_1715 = arith.mulf %get3A_1714, %broadcast_in_dim3A_1672 : vector<16xf32>
        %swap3A_1716 = arith.index_cast %add3A_1637 : i32 to index
        %swap3A_1717 = arith.constant 64 : index
        %swap3A_1718 = tpu.vector_load %arg12[%swap3A_1716, %swap3A_1717] {strides = array<i32>} : memref<80x144xf32, #tpu.memory_space<vmem>>, vector<16xf32>,
        tpu.vector_store %arg12[%swap3A_1716, %swap3A_1717], %mul3A_1715 {strides = array<i32>} : memref<80x144xf32, #tpu.memory_space<vmem>>, vector<16xf32>,
        %get3A_1719 = arith.index_cast %add3A_1637 : i32 to index
        %get3A_1720 = arith.constant 80 : index
        %get3A_1721 = tpu.vector_load %arg10[%get3A_1719, %get3A_1720] {strides = array<i32>} : memref<80x144xf32, #tpu.memory_space<vmem>>, vector<16xf32>,
        %mul3A_1722 = arith.mulf %get3A_1721, %broadcast_in_dim3A_1672 : vector<16xf32>
        %swap3A_1723 = arith.index_cast %add3A_1637 : i32 to index
        %swap3A_1724 = arith.constant 80 : index
        %swap3A_1725 = tpu.vector_load %arg12[%swap3A_1723, %swap3A_1724] {strides = array<i32>} : memref<80x144xf32, #tpu.memory_space<vmem>>, vector<16xf32>,
        tpu.vector_store %arg12[%swap3A_1723, %swap3A_1724], %mul3A_1722 {strides = array<i32>} : memref<80x144xf32, #tpu.memory_space<vmem>>, vector<16xf32>,
        %get3A_1726 = arith.index_cast %add3A_1637 : i32 to index
        %get3A_1727 = arith.constant 96 : index
        %get3A_1728 = tpu.vector_load %arg10[%get3A_1726, %get3A_1727] {strides = array<i32>} : memref<80x144xf32, #tpu.memory_space<vmem>>, vector<16xf32>,
        %mul3A_1729 = arith.mulf %get3A_1728, %broadcast_in_dim3A_1683 : vector<16xf32>
        %swap3A_1730 = arith.index_cast %add3A_1637 : i32 to index
        %swap3A_1731 = arith.constant 96 : index
        %swap3A_1732 = tpu.vector_load %arg12[%swap3A_1730, %swap3A_1731] {strides = array<i32>} : memref<80x144xf32, #tpu.memory_space<vmem>>, vector<16xf32>,
        tpu.vector_store %arg12[%swap3A_1730, %swap3A_1731], %mul3A_1729 {strides = array<i32>} : memref<80x144xf32, #tpu.memory_space<vmem>>, vector<16xf32>,
        %get3A_1733 = arith.index_cast %add3A_1637 : i32 to index
        %get3A_1734 = arith.constant 112 : index
        %get3A_1735 = tpu.vector_load %arg10[%get3A_1733, %get3A_1734] {strides = array<i32>} : memref<80x144xf32, #tpu.memory_space<vmem>>, vector<16xf32>,
        %mul3A_1736 = arith.mulf %get3A_1735, %broadcast_in_dim3A_1683 : vector<16xf32>
        %swap3A_1737 = arith.index_cast %add3A_1637 : i32 to index
        %swap3A_1738 = arith.constant 112 : index
        %swap3A_1739 = tpu.vector_load %arg12[%swap3A_1737, %swap3A_1738] {strides = array<i32>} : memref<80x144xf32, #tpu.memory_space<vmem>>, vector<16xf32>,
        tpu.vector_store %arg12[%swap3A_1737, %swap3A_1738], %mul3A_1736 {strides = array<i32>} : memref<80x144xf32, #tpu.memory_space<vmem>>, vector<16xf32>,
        %and3A_1740 = arith.constant 3 : i32
        %and3A_1741 = vector.broadcast %and3A_1740 : i32 to vector<16xi32>
        %and3A_1742 = arith.andi %iota3A, %and3A_1741 : vector<16xi32>
        %gather3A_1743 = tpu.vector_load_idx %arg13[%and3A_1742, %broadcast_in_dim3A_1639] : memref<4x16xf32, #tpu.memory_space<vmem>>[vector<16xi32>, vector<16xi32>], vector<16xf32>,
        %lt3A_1744 = arith.constant 4 : i32
        %lt3A_1745 = vector.broadcast %lt3A_1744 : i32 to vector<16xi32>
        %lt3A_1746 = arith.cmpi slt, %iota3A, %lt3A_1745 : vector<16xi32>
        %jit3A_1747 = arith.constant 0.000000e+00 : f32
        %broadcast_in_dim3A_1748 = vector.broadcast %jit3A_1747 : f32 to vector<16xf32>
        %select_n3A_1749 = arith.select %lt3A_1746, %gather3A_1743, %broadcast_in_dim3A_1748 : vector<16xi1>, vector<16xf32>
        %swap3A_1750 = arith.index_cast %add3A_1637 : i32 to index
        %swap3A_1751 = arith.constant 128 : index
        %swap3A_1752 = tpu.vector_load %arg12[%swap3A_1750, %swap3A_1751] {strides = array<i32>} : memref<80x144xf32, #tpu.memory_space<vmem>>, vector<16xf32>,
        tpu.vector_store %arg12[%swap3A_1750, %swap3A_1751], %select_n3A_1749 {strides = array<i32>} : memref<80x144xf32, #tpu.memory_space<vmem>>, vector<16xf32>,
        %add3A_1753 = arith.constant 12 : i32
        %add3A_1754 = arith.addi %mul3A_49, %add3A_1753 : i32
        %broadcast_in_dim3A_1755 = arith.constant 12 : i32
        %broadcast_in_dim3A_1756 = vector.broadcast %broadcast_in_dim3A_1755 : i32 to vector<16xi32>
        %eq3A_1757 = arith.constant 12 : i32
        %eq3A_1758 = vector.broadcast %eq3A_1757 : i32 to vector<16xi32>
        %eq3A_1759 = arith.cmpi eq, %iota3A, %eq3A_1758 : vector<16xi32>
        %jit3A_1760 = arith.constant 0.000000e+00 : f32
        %broadcast_in_dim3A_1761 = vector.broadcast %jit3A_1760 : f32 to vector<16xf32>
        %select_n3A_1762 = arith.select %eq3A_1759, %mul3A_115, %broadcast_in_dim3A_1761 : vector<16xi1>, vector<16xf32>
        %reduce_sum3A_1763 = arith.constant true
        %reduce_sum3A_1764 = vector.broadcast %reduce_sum3A_1763 : i1 to vector<16xi1>
        %reduce_sum3A_1765 = tpu.scan <sum>, %select_n3A_1762 masked %reduce_sum3A_1764 : vector<16xf32>, vector<16xi1> -> vector<16xf32>
        %reduce_sum3A_1766 = vector.extract %reduce_sum3A_1765[15] : f32 from vector<16xf32>
        %broadcast_in_dim3A_1767 = vector.broadcast %reduce_sum3A_1766 : f32 to vector<16xf32>
        %eq3A_1768 = arith.constant 12 : i32
        %eq3A_1769 = vector.broadcast %eq3A_1768 : i32 to vector<16xi32>
        %eq3A_1770 = arith.cmpi eq, %iota3A, %eq3A_1769 : vector<16xi32>
        %jit3A_1771 = arith.constant 0.000000e+00 : f32
        %broadcast_in_dim3A_1772 = vector.broadcast %jit3A_1771 : f32 to vector<16xf32>
        %select_n3A_1773 = arith.select %eq3A_1770, %mul3A_192, %broadcast_in_dim3A_1772 : vector<16xi1>, vector<16xf32>
        %reduce_sum3A_1774 = arith.constant true
        %reduce_sum3A_1775 = vector.broadcast %reduce_sum3A_1774 : i1 to vector<16xi1>
        %reduce_sum3A_1776 = tpu.scan <sum>, %select_n3A_1773 masked %reduce_sum3A_1775 : vector<16xf32>, vector<16xi1> -> vector<16xf32>
        %reduce_sum3A_1777 = vector.extract %reduce_sum3A_1776[15] : f32 from vector<16xf32>
        %broadcast_in_dim3A_1778 = vector.broadcast %reduce_sum3A_1777 : f32 to vector<16xf32>
        %eq3A_1779 = arith.constant 12 : i32
        %eq3A_1780 = vector.broadcast %eq3A_1779 : i32 to vector<16xi32>
        %eq3A_1781 = arith.cmpi eq, %iota3A, %eq3A_1780 : vector<16xi32>
        %jit3A_1782 = arith.constant 0.000000e+00 : f32
        %broadcast_in_dim3A_1783 = vector.broadcast %jit3A_1782 : f32 to vector<16xf32>
        %select_n3A_1784 = arith.select %eq3A_1781, %mul3A_270, %broadcast_in_dim3A_1783 : vector<16xi1>, vector<16xf32>
        %reduce_sum3A_1785 = arith.constant true
        %reduce_sum3A_1786 = vector.broadcast %reduce_sum3A_1785 : i1 to vector<16xi1>
        %reduce_sum3A_1787 = tpu.scan <sum>, %select_n3A_1784 masked %reduce_sum3A_1786 : vector<16xf32>, vector<16xi1> -> vector<16xf32>
        %reduce_sum3A_1788 = vector.extract %reduce_sum3A_1787[15] : f32 from vector<16xf32>
        %broadcast_in_dim3A_1789 = vector.broadcast %reduce_sum3A_1788 : f32 to vector<16xf32>
        %eq3A_1790 = arith.constant 12 : i32
        %eq3A_1791 = vector.broadcast %eq3A_1790 : i32 to vector<16xi32>
        %eq3A_1792 = arith.cmpi eq, %iota3A, %eq3A_1791 : vector<16xi32>
        %jit3A_1793 = arith.constant 0.000000e+00 : f32
        %broadcast_in_dim3A_1794 = vector.broadcast %jit3A_1793 : f32 to vector<16xf32>
        %select_n3A_1795 = arith.select %eq3A_1792, %mul3A_348, %broadcast_in_dim3A_1794 : vector<16xi1>, vector<16xf32>
        %reduce_sum3A_1796 = arith.constant true
        %reduce_sum3A_1797 = vector.broadcast %reduce_sum3A_1796 : i1 to vector<16xi1>
        %reduce_sum3A_1798 = tpu.scan <sum>, %select_n3A_1795 masked %reduce_sum3A_1797 : vector<16xf32>, vector<16xi1> -> vector<16xf32>
        %reduce_sum3A_1799 = vector.extract %reduce_sum3A_1798[15] : f32 from vector<16xf32>
        %broadcast_in_dim3A_1800 = vector.broadcast %reduce_sum3A_1799 : f32 to vector<16xf32>
        %get3A_1801 = arith.index_cast %add3A_1754 : i32 to index
        %get3A_1802 = arith.constant 0 : index
        %get3A_1803 = tpu.vector_load %arg10[%get3A_1801, %get3A_1802] {strides = array<i32>} : memref<80x144xf32, #tpu.memory_space<vmem>>, vector<16xf32>,
        %mul3A_1804 = arith.mulf %get3A_1803, %broadcast_in_dim3A_1767 : vector<16xf32>
        %swap3A_1805 = arith.index_cast %add3A_1754 : i32 to index
        %swap3A_1806 = arith.constant 0 : index
        %swap3A_1807 = tpu.vector_load %arg12[%swap3A_1805, %swap3A_1806] {strides = array<i32>} : memref<80x144xf32, #tpu.memory_space<vmem>>, vector<16xf32>,
        tpu.vector_store %arg12[%swap3A_1805, %swap3A_1806], %mul3A_1804 {strides = array<i32>} : memref<80x144xf32, #tpu.memory_space<vmem>>, vector<16xf32>,
        %get3A_1808 = arith.index_cast %add3A_1754 : i32 to index
        %get3A_1809 = arith.constant 16 : index
        %get3A_1810 = tpu.vector_load %arg10[%get3A_1808, %get3A_1809] {strides = array<i32>} : memref<80x144xf32, #tpu.memory_space<vmem>>, vector<16xf32>,
        %mul3A_1811 = arith.mulf %get3A_1810, %broadcast_in_dim3A_1767 : vector<16xf32>
        %swap3A_1812 = arith.index_cast %add3A_1754 : i32 to index
        %swap3A_1813 = arith.constant 16 : index
        %swap3A_1814 = tpu.vector_load %arg12[%swap3A_1812, %swap3A_1813] {strides = array<i32>} : memref<80x144xf32, #tpu.memory_space<vmem>>, vector<16xf32>,
        tpu.vector_store %arg12[%swap3A_1812, %swap3A_1813], %mul3A_1811 {strides = array<i32>} : memref<80x144xf32, #tpu.memory_space<vmem>>, vector<16xf32>,
        %get3A_1815 = arith.index_cast %add3A_1754 : i32 to index
        %get3A_1816 = arith.constant 32 : index
        %get3A_1817 = tpu.vector_load %arg10[%get3A_1815, %get3A_1816] {strides = array<i32>} : memref<80x144xf32, #tpu.memory_space<vmem>>, vector<16xf32>,
        %mul3A_1818 = arith.mulf %get3A_1817, %broadcast_in_dim3A_1778 : vector<16xf32>
        %swap3A_1819 = arith.index_cast %add3A_1754 : i32 to index
        %swap3A_1820 = arith.constant 32 : index
        %swap3A_1821 = tpu.vector_load %arg12[%swap3A_1819, %swap3A_1820] {strides = array<i32>} : memref<80x144xf32, #tpu.memory_space<vmem>>, vector<16xf32>,
        tpu.vector_store %arg12[%swap3A_1819, %swap3A_1820], %mul3A_1818 {strides = array<i32>} : memref<80x144xf32, #tpu.memory_space<vmem>>, vector<16xf32>,
        %get3A_1822 = arith.index_cast %add3A_1754 : i32 to index
        %get3A_1823 = arith.constant 48 : index
        %get3A_1824 = tpu.vector_load %arg10[%get3A_1822, %get3A_1823] {strides = array<i32>} : memref<80x144xf32, #tpu.memory_space<vmem>>, vector<16xf32>,
        %mul3A_1825 = arith.mulf %get3A_1824, %broadcast_in_dim3A_1778 : vector<16xf32>
        %swap3A_1826 = arith.index_cast %add3A_1754 : i32 to index
        %swap3A_1827 = arith.constant 48 : index
        %swap3A_1828 = tpu.vector_load %arg12[%swap3A_1826, %swap3A_1827] {strides = array<i32>} : memref<80x144xf32, #tpu.memory_space<vmem>>, vector<16xf32>,
        tpu.vector_store %arg12[%swap3A_1826, %swap3A_1827], %mul3A_1825 {strides = array<i32>} : memref<80x144xf32, #tpu.memory_space<vmem>>, vector<16xf32>,
        %get3A_1829 = arith.index_cast %add3A_1754 : i32 to index
        %get3A_1830 = arith.constant 64 : index
        %get3A_1831 = tpu.vector_load %arg10[%get3A_1829, %get3A_1830] {strides = array<i32>} : memref<80x144xf32, #tpu.memory_space<vmem>>, vector<16xf32>,
        %mul3A_1832 = arith.mulf %get3A_1831, %broadcast_in_dim3A_1789 : vector<16xf32>
        %swap3A_1833 = arith.index_cast %add3A_1754 : i32 to index
        %swap3A_1834 = arith.constant 64 : index
        %swap3A_1835 = tpu.vector_load %arg12[%swap3A_1833, %swap3A_1834] {strides = array<i32>} : memref<80x144xf32, #tpu.memory_space<vmem>>, vector<16xf32>,
        tpu.vector_store %arg12[%swap3A_1833, %swap3A_1834], %mul3A_1832 {strides = array<i32>} : memref<80x144xf32, #tpu.memory_space<vmem>>, vector<16xf32>,
        %get3A_1836 = arith.index_cast %add3A_1754 : i32 to index
        %get3A_1837 = arith.constant 80 : index
        %get3A_1838 = tpu.vector_load %arg10[%get3A_1836, %get3A_1837] {strides = array<i32>} : memref<80x144xf32, #tpu.memory_space<vmem>>, vector<16xf32>,
        %mul3A_1839 = arith.mulf %get3A_1838, %broadcast_in_dim3A_1789 : vector<16xf32>
        %swap3A_1840 = arith.index_cast %add3A_1754 : i32 to index
        %swap3A_1841 = arith.constant 80 : index
        %swap3A_1842 = tpu.vector_load %arg12[%swap3A_1840, %swap3A_1841] {strides = array<i32>} : memref<80x144xf32, #tpu.memory_space<vmem>>, vector<16xf32>,
        tpu.vector_store %arg12[%swap3A_1840, %swap3A_1841], %mul3A_1839 {strides = array<i32>} : memref<80x144xf32, #tpu.memory_space<vmem>>, vector<16xf32>,
        %get3A_1843 = arith.index_cast %add3A_1754 : i32 to index
        %get3A_1844 = arith.constant 96 : index
        %get3A_1845 = tpu.vector_load %arg10[%get3A_1843, %get3A_1844] {strides = array<i32>} : memref<80x144xf32, #tpu.memory_space<vmem>>, vector<16xf32>,
        %mul3A_1846 = arith.mulf %get3A_1845, %broadcast_in_dim3A_1800 : vector<16xf32>
        %swap3A_1847 = arith.index_cast %add3A_1754 : i32 to index
        %swap3A_1848 = arith.constant 96 : index
        %swap3A_1849 = tpu.vector_load %arg12[%swap3A_1847, %swap3A_1848] {strides = array<i32>} : memref<80x144xf32, #tpu.memory_space<vmem>>, vector<16xf32>,
        tpu.vector_store %arg12[%swap3A_1847, %swap3A_1848], %mul3A_1846 {strides = array<i32>} : memref<80x144xf32, #tpu.memory_space<vmem>>, vector<16xf32>,
        %get3A_1850 = arith.index_cast %add3A_1754 : i32 to index
        %get3A_1851 = arith.constant 112 : index
        %get3A_1852 = tpu.vector_load %arg10[%get3A_1850, %get3A_1851] {strides = array<i32>} : memref<80x144xf32, #tpu.memory_space<vmem>>, vector<16xf32>,
        %mul3A_1853 = arith.mulf %get3A_1852, %broadcast_in_dim3A_1800 : vector<16xf32>
        %swap3A_1854 = arith.index_cast %add3A_1754 : i32 to index
        %swap3A_1855 = arith.constant 112 : index
        %swap3A_1856 = tpu.vector_load %arg12[%swap3A_1854, %swap3A_1855] {strides = array<i32>} : memref<80x144xf32, #tpu.memory_space<vmem>>, vector<16xf32>,
        tpu.vector_store %arg12[%swap3A_1854, %swap3A_1855], %mul3A_1853 {strides = array<i32>} : memref<80x144xf32, #tpu.memory_space<vmem>>, vector<16xf32>,
        %and3A_1857 = arith.constant 3 : i32
        %and3A_1858 = vector.broadcast %and3A_1857 : i32 to vector<16xi32>
        %and3A_1859 = arith.andi %iota3A, %and3A_1858 : vector<16xi32>
        %gather3A_1860 = tpu.vector_load_idx %arg13[%and3A_1859, %broadcast_in_dim3A_1756] : memref<4x16xf32, #tpu.memory_space<vmem>>[vector<16xi32>, vector<16xi32>], vector<16xf32>,
        %lt3A_1861 = arith.constant 4 : i32
        %lt3A_1862 = vector.broadcast %lt3A_1861 : i32 to vector<16xi32>
        %lt3A_1863 = arith.cmpi slt, %iota3A, %lt3A_1862 : vector<16xi32>
        %jit3A_1864 = arith.constant 0.000000e+00 : f32
        %broadcast_in_dim3A_1865 = vector.broadcast %jit3A_1864 : f32 to vector<16xf32>
        %select_n3A_1866 = arith.select %lt3A_1863, %gather3A_1860, %broadcast_in_dim3A_1865 : vector<16xi1>, vector<16xf32>
        %swap3A_1867 = arith.index_cast %add3A_1754 : i32 to index
        %swap3A_1868 = arith.constant 128 : index
        %swap3A_1869 = tpu.vector_load %arg12[%swap3A_1867, %swap3A_1868] {strides = array<i32>} : memref<80x144xf32, #tpu.memory_space<vmem>>, vector<16xf32>,
        tpu.vector_store %arg12[%swap3A_1867, %swap3A_1868], %select_n3A_1866 {strides = array<i32>} : memref<80x144xf32, #tpu.memory_space<vmem>>, vector<16xf32>,
        %add3A_1870 = arith.constant 13 : i32
        %add3A_1871 = arith.addi %mul3A_49, %add3A_1870 : i32
        %broadcast_in_dim3A_1872 = arith.constant 13 : i32
        %broadcast_in_dim3A_1873 = vector.broadcast %broadcast_in_dim3A_1872 : i32 to vector<16xi32>
        %eq3A_1874 = arith.constant 13 : i32
        %eq3A_1875 = vector.broadcast %eq3A_1874 : i32 to vector<16xi32>
        %eq3A_1876 = arith.cmpi eq, %iota3A, %eq3A_1875 : vector<16xi32>
        %jit3A_1877 = arith.constant 0.000000e+00 : f32
        %broadcast_in_dim3A_1878 = vector.broadcast %jit3A_1877 : f32 to vector<16xf32>
        %select_n3A_1879 = arith.select %eq3A_1876, %mul3A_115, %broadcast_in_dim3A_1878 : vector<16xi1>, vector<16xf32>
        %reduce_sum3A_1880 = arith.constant true
        %reduce_sum3A_1881 = vector.broadcast %reduce_sum3A_1880 : i1 to vector<16xi1>
        %reduce_sum3A_1882 = tpu.scan <sum>, %select_n3A_1879 masked %reduce_sum3A_1881 : vector<16xf32>, vector<16xi1> -> vector<16xf32>
        %reduce_sum3A_1883 = vector.extract %reduce_sum3A_1882[15] : f32 from vector<16xf32>
        %broadcast_in_dim3A_1884 = vector.broadcast %reduce_sum3A_1883 : f32 to vector<16xf32>
        %eq3A_1885 = arith.constant 13 : i32
        %eq3A_1886 = vector.broadcast %eq3A_1885 : i32 to vector<16xi32>
        %eq3A_1887 = arith.cmpi eq, %iota3A, %eq3A_1886 : vector<16xi32>
        %jit3A_1888 = arith.constant 0.000000e+00 : f32
        %broadcast_in_dim3A_1889 = vector.broadcast %jit3A_1888 : f32 to vector<16xf32>
        %select_n3A_1890 = arith.select %eq3A_1887, %mul3A_192, %broadcast_in_dim3A_1889 : vector<16xi1>, vector<16xf32>
        %reduce_sum3A_1891 = arith.constant true
        %reduce_sum3A_1892 = vector.broadcast %reduce_sum3A_1891 : i1 to vector<16xi1>
        %reduce_sum3A_1893 = tpu.scan <sum>, %select_n3A_1890 masked %reduce_sum3A_1892 : vector<16xf32>, vector<16xi1> -> vector<16xf32>
        %reduce_sum3A_1894 = vector.extract %reduce_sum3A_1893[15] : f32 from vector<16xf32>
        %broadcast_in_dim3A_1895 = vector.broadcast %reduce_sum3A_1894 : f32 to vector<16xf32>
        %eq3A_1896 = arith.constant 13 : i32
        %eq3A_1897 = vector.broadcast %eq3A_1896 : i32 to vector<16xi32>
        %eq3A_1898 = arith.cmpi eq, %iota3A, %eq3A_1897 : vector<16xi32>
        %jit3A_1899 = arith.constant 0.000000e+00 : f32
        %broadcast_in_dim3A_1900 = vector.broadcast %jit3A_1899 : f32 to vector<16xf32>
        %select_n3A_1901 = arith.select %eq3A_1898, %mul3A_270, %broadcast_in_dim3A_1900 : vector<16xi1>, vector<16xf32>
        %reduce_sum3A_1902 = arith.constant true
        %reduce_sum3A_1903 = vector.broadcast %reduce_sum3A_1902 : i1 to vector<16xi1>
        %reduce_sum3A_1904 = tpu.scan <sum>, %select_n3A_1901 masked %reduce_sum3A_1903 : vector<16xf32>, vector<16xi1> -> vector<16xf32>
        %reduce_sum3A_1905 = vector.extract %reduce_sum3A_1904[15] : f32 from vector<16xf32>
        %broadcast_in_dim3A_1906 = vector.broadcast %reduce_sum3A_1905 : f32 to vector<16xf32>
        %eq3A_1907 = arith.constant 13 : i32
        %eq3A_1908 = vector.broadcast %eq3A_1907 : i32 to vector<16xi32>
        %eq3A_1909 = arith.cmpi eq, %iota3A, %eq3A_1908 : vector<16xi32>
        %jit3A_1910 = arith.constant 0.000000e+00 : f32
        %broadcast_in_dim3A_1911 = vector.broadcast %jit3A_1910 : f32 to vector<16xf32>
        %select_n3A_1912 = arith.select %eq3A_1909, %mul3A_348, %broadcast_in_dim3A_1911 : vector<16xi1>, vector<16xf32>
        %reduce_sum3A_1913 = arith.constant true
        %reduce_sum3A_1914 = vector.broadcast %reduce_sum3A_1913 : i1 to vector<16xi1>
        %reduce_sum3A_1915 = tpu.scan <sum>, %select_n3A_1912 masked %reduce_sum3A_1914 : vector<16xf32>, vector<16xi1> -> vector<16xf32>
        %reduce_sum3A_1916 = vector.extract %reduce_sum3A_1915[15] : f32 from vector<16xf32>
        %broadcast_in_dim3A_1917 = vector.broadcast %reduce_sum3A_1916 : f32 to vector<16xf32>
        %get3A_1918 = arith.index_cast %add3A_1871 : i32 to index
        %get3A_1919 = arith.constant 0 : index
        %get3A_1920 = tpu.vector_load %arg10[%get3A_1918, %get3A_1919] {strides = array<i32>} : memref<80x144xf32, #tpu.memory_space<vmem>>, vector<16xf32>,
        %mul3A_1921 = arith.mulf %get3A_1920, %broadcast_in_dim3A_1884 : vector<16xf32>
        %swap3A_1922 = arith.index_cast %add3A_1871 : i32 to index
        %swap3A_1923 = arith.constant 0 : index
        %swap3A_1924 = tpu.vector_load %arg12[%swap3A_1922, %swap3A_1923] {strides = array<i32>} : memref<80x144xf32, #tpu.memory_space<vmem>>, vector<16xf32>,
        tpu.vector_store %arg12[%swap3A_1922, %swap3A_1923], %mul3A_1921 {strides = array<i32>} : memref<80x144xf32, #tpu.memory_space<vmem>>, vector<16xf32>,
        %get3A_1925 = arith.index_cast %add3A_1871 : i32 to index
        %get3A_1926 = arith.constant 16 : index
        %get3A_1927 = tpu.vector_load %arg10[%get3A_1925, %get3A_1926] {strides = array<i32>} : memref<80x144xf32, #tpu.memory_space<vmem>>, vector<16xf32>,
        %mul3A_1928 = arith.mulf %get3A_1927, %broadcast_in_dim3A_1884 : vector<16xf32>
        %swap3A_1929 = arith.index_cast %add3A_1871 : i32 to index
        %swap3A_1930 = arith.constant 16 : index
        %swap3A_1931 = tpu.vector_load %arg12[%swap3A_1929, %swap3A_1930] {strides = array<i32>} : memref<80x144xf32, #tpu.memory_space<vmem>>, vector<16xf32>,
        tpu.vector_store %arg12[%swap3A_1929, %swap3A_1930], %mul3A_1928 {strides = array<i32>} : memref<80x144xf32, #tpu.memory_space<vmem>>, vector<16xf32>,
        %get3A_1932 = arith.index_cast %add3A_1871 : i32 to index
        %get3A_1933 = arith.constant 32 : index
        %get3A_1934 = tpu.vector_load %arg10[%get3A_1932, %get3A_1933] {strides = array<i32>} : memref<80x144xf32, #tpu.memory_space<vmem>>, vector<16xf32>,
        %mul3A_1935 = arith.mulf %get3A_1934, %broadcast_in_dim3A_1895 : vector<16xf32>
        %swap3A_1936 = arith.index_cast %add3A_1871 : i32 to index
        %swap3A_1937 = arith.constant 32 : index
        %swap3A_1938 = tpu.vector_load %arg12[%swap3A_1936, %swap3A_1937] {strides = array<i32>} : memref<80x144xf32, #tpu.memory_space<vmem>>, vector<16xf32>,
        tpu.vector_store %arg12[%swap3A_1936, %swap3A_1937], %mul3A_1935 {strides = array<i32>} : memref<80x144xf32, #tpu.memory_space<vmem>>, vector<16xf32>,
        %get3A_1939 = arith.index_cast %add3A_1871 : i32 to index
        %get3A_1940 = arith.constant 48 : index
        %get3A_1941 = tpu.vector_load %arg10[%get3A_1939, %get3A_1940] {strides = array<i32>} : memref<80x144xf32, #tpu.memory_space<vmem>>, vector<16xf32>,
        %mul3A_1942 = arith.mulf %get3A_1941, %broadcast_in_dim3A_1895 : vector<16xf32>
        %swap3A_1943 = arith.index_cast %add3A_1871 : i32 to index
        %swap3A_1944 = arith.constant 48 : index
        %swap3A_1945 = tpu.vector_load %arg12[%swap3A_1943, %swap3A_1944] {strides = array<i32>} : memref<80x144xf32, #tpu.memory_space<vmem>>, vector<16xf32>,
        tpu.vector_store %arg12[%swap3A_1943, %swap3A_1944], %mul3A_1942 {strides = array<i32>} : memref<80x144xf32, #tpu.memory_space<vmem>>, vector<16xf32>,
        %get3A_1946 = arith.index_cast %add3A_1871 : i32 to index
        %get3A_1947 = arith.constant 64 : index
        %get3A_1948 = tpu.vector_load %arg10[%get3A_1946, %get3A_1947] {strides = array<i32>} : memref<80x144xf32, #tpu.memory_space<vmem>>, vector<16xf32>,
        %mul3A_1949 = arith.mulf %get3A_1948, %broadcast_in_dim3A_1906 : vector<16xf32>
        %swap3A_1950 = arith.index_cast %add3A_1871 : i32 to index
        %swap3A_1951 = arith.constant 64 : index
        %swap3A_1952 = tpu.vector_load %arg12[%swap3A_1950, %swap3A_1951] {strides = array<i32>} : memref<80x144xf32, #tpu.memory_space<vmem>>, vector<16xf32>,
        tpu.vector_store %arg12[%swap3A_1950, %swap3A_1951], %mul3A_1949 {strides = array<i32>} : memref<80x144xf32, #tpu.memory_space<vmem>>, vector<16xf32>,
        %get3A_1953 = arith.index_cast %add3A_1871 : i32 to index
        %get3A_1954 = arith.constant 80 : index
        %get3A_1955 = tpu.vector_load %arg10[%get3A_1953, %get3A_1954] {strides = array<i32>} : memref<80x144xf32, #tpu.memory_space<vmem>>, vector<16xf32>,
        %mul3A_1956 = arith.mulf %get3A_1955, %broadcast_in_dim3A_1906 : vector<16xf32>
        %swap3A_1957 = arith.index_cast %add3A_1871 : i32 to index
        %swap3A_1958 = arith.constant 80 : index
        %swap3A_1959 = tpu.vector_load %arg12[%swap3A_1957, %swap3A_1958] {strides = array<i32>} : memref<80x144xf32, #tpu.memory_space<vmem>>, vector<16xf32>,
        tpu.vector_store %arg12[%swap3A_1957, %swap3A_1958], %mul3A_1956 {strides = array<i32>} : memref<80x144xf32, #tpu.memory_space<vmem>>, vector<16xf32>,
        %get3A_1960 = arith.index_cast %add3A_1871 : i32 to index
        %get3A_1961 = arith.constant 96 : index
        %get3A_1962 = tpu.vector_load %arg10[%get3A_1960, %get3A_1961] {strides = array<i32>} : memref<80x144xf32, #tpu.memory_space<vmem>>, vector<16xf32>,
        %mul3A_1963 = arith.mulf %get3A_1962, %broadcast_in_dim3A_1917 : vector<16xf32>
        %swap3A_1964 = arith.index_cast %add3A_1871 : i32 to index
        %swap3A_1965 = arith.constant 96 : index
        %swap3A_1966 = tpu.vector_load %arg12[%swap3A_1964, %swap3A_1965] {strides = array<i32>} : memref<80x144xf32, #tpu.memory_space<vmem>>, vector<16xf32>,
        tpu.vector_store %arg12[%swap3A_1964, %swap3A_1965], %mul3A_1963 {strides = array<i32>} : memref<80x144xf32, #tpu.memory_space<vmem>>, vector<16xf32>,
        %get3A_1967 = arith.index_cast %add3A_1871 : i32 to index
        %get3A_1968 = arith.constant 112 : index
        %get3A_1969 = tpu.vector_load %arg10[%get3A_1967, %get3A_1968] {strides = array<i32>} : memref<80x144xf32, #tpu.memory_space<vmem>>, vector<16xf32>,
        %mul3A_1970 = arith.mulf %get3A_1969, %broadcast_in_dim3A_1917 : vector<16xf32>
        %swap3A_1971 = arith.index_cast %add3A_1871 : i32 to index
        %swap3A_1972 = arith.constant 112 : index
        %swap3A_1973 = tpu.vector_load %arg12[%swap3A_1971, %swap3A_1972] {strides = array<i32>} : memref<80x144xf32, #tpu.memory_space<vmem>>, vector<16xf32>,
        tpu.vector_store %arg12[%swap3A_1971, %swap3A_1972], %mul3A_1970 {strides = array<i32>} : memref<80x144xf32, #tpu.memory_space<vmem>>, vector<16xf32>,
        %and3A_1974 = arith.constant 3 : i32
        %and3A_1975 = vector.broadcast %and3A_1974 : i32 to vector<16xi32>
        %and3A_1976 = arith.andi %iota3A, %and3A_1975 : vector<16xi32>
        %gather3A_1977 = tpu.vector_load_idx %arg13[%and3A_1976, %broadcast_in_dim3A_1873] : memref<4x16xf32, #tpu.memory_space<vmem>>[vector<16xi32>, vector<16xi32>], vector<16xf32>,
        %lt3A_1978 = arith.constant 4 : i32
        %lt3A_1979 = vector.broadcast %lt3A_1978 : i32 to vector<16xi32>
        %lt3A_1980 = arith.cmpi slt, %iota3A, %lt3A_1979 : vector<16xi32>
        %jit3A_1981 = arith.constant 0.000000e+00 : f32
        %broadcast_in_dim3A_1982 = vector.broadcast %jit3A_1981 : f32 to vector<16xf32>
        %select_n3A_1983 = arith.select %lt3A_1980, %gather3A_1977, %broadcast_in_dim3A_1982 : vector<16xi1>, vector<16xf32>
        %swap3A_1984 = arith.index_cast %add3A_1871 : i32 to index
        %swap3A_1985 = arith.constant 128 : index
        %swap3A_1986 = tpu.vector_load %arg12[%swap3A_1984, %swap3A_1985] {strides = array<i32>} : memref<80x144xf32, #tpu.memory_space<vmem>>, vector<16xf32>,
        tpu.vector_store %arg12[%swap3A_1984, %swap3A_1985], %select_n3A_1983 {strides = array<i32>} : memref<80x144xf32, #tpu.memory_space<vmem>>, vector<16xf32>,
        %add3A_1987 = arith.constant 14 : i32
        %add3A_1988 = arith.addi %mul3A_49, %add3A_1987 : i32
        %broadcast_in_dim3A_1989 = arith.constant 14 : i32
        %broadcast_in_dim3A_1990 = vector.broadcast %broadcast_in_dim3A_1989 : i32 to vector<16xi32>
        %eq3A_1991 = arith.constant 14 : i32
        %eq3A_1992 = vector.broadcast %eq3A_1991 : i32 to vector<16xi32>
        %eq3A_1993 = arith.cmpi eq, %iota3A, %eq3A_1992 : vector<16xi32>
        %jit3A_1994 = arith.constant 0.000000e+00 : f32
        %broadcast_in_dim3A_1995 = vector.broadcast %jit3A_1994 : f32 to vector<16xf32>
        %select_n3A_1996 = arith.select %eq3A_1993, %mul3A_115, %broadcast_in_dim3A_1995 : vector<16xi1>, vector<16xf32>
        %reduce_sum3A_1997 = arith.constant true
        %reduce_sum3A_1998 = vector.broadcast %reduce_sum3A_1997 : i1 to vector<16xi1>
        %reduce_sum3A_1999 = tpu.scan <sum>, %select_n3A_1996 masked %reduce_sum3A_1998 : vector<16xf32>, vector<16xi1> -> vector<16xf32>
        %reduce_sum3A_2000 = vector.extract %reduce_sum3A_1999[15] : f32 from vector<16xf32>
        %broadcast_in_dim3A_2001 = vector.broadcast %reduce_sum3A_2000 : f32 to vector<16xf32>
        %eq3A_2002 = arith.constant 14 : i32
        %eq3A_2003 = vector.broadcast %eq3A_2002 : i32 to vector<16xi32>
        %eq3A_2004 = arith.cmpi eq, %iota3A, %eq3A_2003 : vector<16xi32>
        %jit3A_2005 = arith.constant 0.000000e+00 : f32
        %broadcast_in_dim3A_2006 = vector.broadcast %jit3A_2005 : f32 to vector<16xf32>
        %select_n3A_2007 = arith.select %eq3A_2004, %mul3A_192, %broadcast_in_dim3A_2006 : vector<16xi1>, vector<16xf32>
        %reduce_sum3A_2008 = arith.constant true
        %reduce_sum3A_2009 = vector.broadcast %reduce_sum3A_2008 : i1 to vector<16xi1>
        %reduce_sum3A_2010 = tpu.scan <sum>, %select_n3A_2007 masked %reduce_sum3A_2009 : vector<16xf32>, vector<16xi1> -> vector<16xf32>
        %reduce_sum3A_2011 = vector.extract %reduce_sum3A_2010[15] : f32 from vector<16xf32>
        %broadcast_in_dim3A_2012 = vector.broadcast %reduce_sum3A_2011 : f32 to vector<16xf32>
        %eq3A_2013 = arith.constant 14 : i32
        %eq3A_2014 = vector.broadcast %eq3A_2013 : i32 to vector<16xi32>
        %eq3A_2015 = arith.cmpi eq, %iota3A, %eq3A_2014 : vector<16xi32>
        %jit3A_2016 = arith.constant 0.000000e+00 : f32
        %broadcast_in_dim3A_2017 = vector.broadcast %jit3A_2016 : f32 to vector<16xf32>
        %select_n3A_2018 = arith.select %eq3A_2015, %mul3A_270, %broadcast_in_dim3A_2017 : vector<16xi1>, vector<16xf32>
        %reduce_sum3A_2019 = arith.constant true
        %reduce_sum3A_2020 = vector.broadcast %reduce_sum3A_2019 : i1 to vector<16xi1>
        %reduce_sum3A_2021 = tpu.scan <sum>, %select_n3A_2018 masked %reduce_sum3A_2020 : vector<16xf32>, vector<16xi1> -> vector<16xf32>
        %reduce_sum3A_2022 = vector.extract %reduce_sum3A_2021[15] : f32 from vector<16xf32>
        %broadcast_in_dim3A_2023 = vector.broadcast %reduce_sum3A_2022 : f32 to vector<16xf32>
        %eq3A_2024 = arith.constant 14 : i32
        %eq3A_2025 = vector.broadcast %eq3A_2024 : i32 to vector<16xi32>
        %eq3A_2026 = arith.cmpi eq, %iota3A, %eq3A_2025 : vector<16xi32>
        %jit3A_2027 = arith.constant 0.000000e+00 : f32
        %broadcast_in_dim3A_2028 = vector.broadcast %jit3A_2027 : f32 to vector<16xf32>
        %select_n3A_2029 = arith.select %eq3A_2026, %mul3A_348, %broadcast_in_dim3A_2028 : vector<16xi1>, vector<16xf32>
        %reduce_sum3A_2030 = arith.constant true
        %reduce_sum3A_2031 = vector.broadcast %reduce_sum3A_2030 : i1 to vector<16xi1>
        %reduce_sum3A_2032 = tpu.scan <sum>, %select_n3A_2029 masked %reduce_sum3A_2031 : vector<16xf32>, vector<16xi1> -> vector<16xf32>
        %reduce_sum3A_2033 = vector.extract %reduce_sum3A_2032[15] : f32 from vector<16xf32>
        %broadcast_in_dim3A_2034 = vector.broadcast %reduce_sum3A_2033 : f32 to vector<16xf32>
        %get3A_2035 = arith.index_cast %add3A_1988 : i32 to index
        %get3A_2036 = arith.constant 0 : index
        %get3A_2037 = tpu.vector_load %arg10[%get3A_2035, %get3A_2036] {strides = array<i32>} : memref<80x144xf32, #tpu.memory_space<vmem>>, vector<16xf32>,
        %mul3A_2038 = arith.mulf %get3A_2037, %broadcast_in_dim3A_2001 : vector<16xf32>
        %swap3A_2039 = arith.index_cast %add3A_1988 : i32 to index
        %swap3A_2040 = arith.constant 0 : index
        %swap3A_2041 = tpu.vector_load %arg12[%swap3A_2039, %swap3A_2040] {strides = array<i32>} : memref<80x144xf32, #tpu.memory_space<vmem>>, vector<16xf32>,
        tpu.vector_store %arg12[%swap3A_2039, %swap3A_2040], %mul3A_2038 {strides = array<i32>} : memref<80x144xf32, #tpu.memory_space<vmem>>, vector<16xf32>,
        %get3A_2042 = arith.index_cast %add3A_1988 : i32 to index
        %get3A_2043 = arith.constant 16 : index
        %get3A_2044 = tpu.vector_load %arg10[%get3A_2042, %get3A_2043] {strides = array<i32>} : memref<80x144xf32, #tpu.memory_space<vmem>>, vector<16xf32>,
        %mul3A_2045 = arith.mulf %get3A_2044, %broadcast_in_dim3A_2001 : vector<16xf32>
        %swap3A_2046 = arith.index_cast %add3A_1988 : i32 to index
        %swap3A_2047 = arith.constant 16 : index
        %swap3A_2048 = tpu.vector_load %arg12[%swap3A_2046, %swap3A_2047] {strides = array<i32>} : memref<80x144xf32, #tpu.memory_space<vmem>>, vector<16xf32>,
        tpu.vector_store %arg12[%swap3A_2046, %swap3A_2047], %mul3A_2045 {strides = array<i32>} : memref<80x144xf32, #tpu.memory_space<vmem>>, vector<16xf32>,
        %get3A_2049 = arith.index_cast %add3A_1988 : i32 to index
        %get3A_2050 = arith.constant 32 : index
        %get3A_2051 = tpu.vector_load %arg10[%get3A_2049, %get3A_2050] {strides = array<i32>} : memref<80x144xf32, #tpu.memory_space<vmem>>, vector<16xf32>,
        %mul3A_2052 = arith.mulf %get3A_2051, %broadcast_in_dim3A_2012 : vector<16xf32>
        %swap3A_2053 = arith.index_cast %add3A_1988 : i32 to index
        %swap3A_2054 = arith.constant 32 : index
        %swap3A_2055 = tpu.vector_load %arg12[%swap3A_2053, %swap3A_2054] {strides = array<i32>} : memref<80x144xf32, #tpu.memory_space<vmem>>, vector<16xf32>,
        tpu.vector_store %arg12[%swap3A_2053, %swap3A_2054], %mul3A_2052 {strides = array<i32>} : memref<80x144xf32, #tpu.memory_space<vmem>>, vector<16xf32>,
        %get3A_2056 = arith.index_cast %add3A_1988 : i32 to index
        %get3A_2057 = arith.constant 48 : index
        %get3A_2058 = tpu.vector_load %arg10[%get3A_2056, %get3A_2057] {strides = array<i32>} : memref<80x144xf32, #tpu.memory_space<vmem>>, vector<16xf32>,
        %mul3A_2059 = arith.mulf %get3A_2058, %broadcast_in_dim3A_2012 : vector<16xf32>
        %swap3A_2060 = arith.index_cast %add3A_1988 : i32 to index
        %swap3A_2061 = arith.constant 48 : index
        %swap3A_2062 = tpu.vector_load %arg12[%swap3A_2060, %swap3A_2061] {strides = array<i32>} : memref<80x144xf32, #tpu.memory_space<vmem>>, vector<16xf32>,
        tpu.vector_store %arg12[%swap3A_2060, %swap3A_2061], %mul3A_2059 {strides = array<i32>} : memref<80x144xf32, #tpu.memory_space<vmem>>, vector<16xf32>,
        %get3A_2063 = arith.index_cast %add3A_1988 : i32 to index
        %get3A_2064 = arith.constant 64 : index
        %get3A_2065 = tpu.vector_load %arg10[%get3A_2063, %get3A_2064] {strides = array<i32>} : memref<80x144xf32, #tpu.memory_space<vmem>>, vector<16xf32>,
        %mul3A_2066 = arith.mulf %get3A_2065, %broadcast_in_dim3A_2023 : vector<16xf32>
        %swap3A_2067 = arith.index_cast %add3A_1988 : i32 to index
        %swap3A_2068 = arith.constant 64 : index
        %swap3A_2069 = tpu.vector_load %arg12[%swap3A_2067, %swap3A_2068] {strides = array<i32>} : memref<80x144xf32, #tpu.memory_space<vmem>>, vector<16xf32>,
        tpu.vector_store %arg12[%swap3A_2067, %swap3A_2068], %mul3A_2066 {strides = array<i32>} : memref<80x144xf32, #tpu.memory_space<vmem>>, vector<16xf32>,
        %get3A_2070 = arith.index_cast %add3A_1988 : i32 to index
        %get3A_2071 = arith.constant 80 : index
        %get3A_2072 = tpu.vector_load %arg10[%get3A_2070, %get3A_2071] {strides = array<i32>} : memref<80x144xf32, #tpu.memory_space<vmem>>, vector<16xf32>,
        %mul3A_2073 = arith.mulf %get3A_2072, %broadcast_in_dim3A_2023 : vector<16xf32>
        %swap3A_2074 = arith.index_cast %add3A_1988 : i32 to index
        %swap3A_2075 = arith.constant 80 : index
        %swap3A_2076 = tpu.vector_load %arg12[%swap3A_2074, %swap3A_2075] {strides = array<i32>} : memref<80x144xf32, #tpu.memory_space<vmem>>, vector<16xf32>,
        tpu.vector_store %arg12[%swap3A_2074, %swap3A_2075], %mul3A_2073 {strides = array<i32>} : memref<80x144xf32, #tpu.memory_space<vmem>>, vector<16xf32>,
        %get3A_2077 = arith.index_cast %add3A_1988 : i32 to index
        %get3A_2078 = arith.constant 96 : index
        %get3A_2079 = tpu.vector_load %arg10[%get3A_2077, %get3A_2078] {strides = array<i32>} : memref<80x144xf32, #tpu.memory_space<vmem>>, vector<16xf32>,
        %mul3A_2080 = arith.mulf %get3A_2079, %broadcast_in_dim3A_2034 : vector<16xf32>
        %swap3A_2081 = arith.index_cast %add3A_1988 : i32 to index
        %swap3A_2082 = arith.constant 96 : index
        %swap3A_2083 = tpu.vector_load %arg12[%swap3A_2081, %swap3A_2082] {strides = array<i32>} : memref<80x144xf32, #tpu.memory_space<vmem>>, vector<16xf32>,
        tpu.vector_store %arg12[%swap3A_2081, %swap3A_2082], %mul3A_2080 {strides = array<i32>} : memref<80x144xf32, #tpu.memory_space<vmem>>, vector<16xf32>,
        %get3A_2084 = arith.index_cast %add3A_1988 : i32 to index
        %get3A_2085 = arith.constant 112 : index
        %get3A_2086 = tpu.vector_load %arg10[%get3A_2084, %get3A_2085] {strides = array<i32>} : memref<80x144xf32, #tpu.memory_space<vmem>>, vector<16xf32>,
        %mul3A_2087 = arith.mulf %get3A_2086, %broadcast_in_dim3A_2034 : vector<16xf32>
        %swap3A_2088 = arith.index_cast %add3A_1988 : i32 to index
        %swap3A_2089 = arith.constant 112 : index
        %swap3A_2090 = tpu.vector_load %arg12[%swap3A_2088, %swap3A_2089] {strides = array<i32>} : memref<80x144xf32, #tpu.memory_space<vmem>>, vector<16xf32>,
        tpu.vector_store %arg12[%swap3A_2088, %swap3A_2089], %mul3A_2087 {strides = array<i32>} : memref<80x144xf32, #tpu.memory_space<vmem>>, vector<16xf32>,
        %and3A_2091 = arith.constant 3 : i32
        %and3A_2092 = vector.broadcast %and3A_2091 : i32 to vector<16xi32>
        %and3A_2093 = arith.andi %iota3A, %and3A_2092 : vector<16xi32>
        %gather3A_2094 = tpu.vector_load_idx %arg13[%and3A_2093, %broadcast_in_dim3A_1990] : memref<4x16xf32, #tpu.memory_space<vmem>>[vector<16xi32>, vector<16xi32>], vector<16xf32>,
        %lt3A_2095 = arith.constant 4 : i32
        %lt3A_2096 = vector.broadcast %lt3A_2095 : i32 to vector<16xi32>
        %lt3A_2097 = arith.cmpi slt, %iota3A, %lt3A_2096 : vector<16xi32>
        %jit3A_2098 = arith.constant 0.000000e+00 : f32
        %broadcast_in_dim3A_2099 = vector.broadcast %jit3A_2098 : f32 to vector<16xf32>
        %select_n3A_2100 = arith.select %lt3A_2097, %gather3A_2094, %broadcast_in_dim3A_2099 : vector<16xi1>, vector<16xf32>
        %swap3A_2101 = arith.index_cast %add3A_1988 : i32 to index
        %swap3A_2102 = arith.constant 128 : index
        %swap3A_2103 = tpu.vector_load %arg12[%swap3A_2101, %swap3A_2102] {strides = array<i32>} : memref<80x144xf32, #tpu.memory_space<vmem>>, vector<16xf32>,
        tpu.vector_store %arg12[%swap3A_2101, %swap3A_2102], %select_n3A_2100 {strides = array<i32>} : memref<80x144xf32, #tpu.memory_space<vmem>>, vector<16xf32>,
        %add3A_2104 = arith.constant 15 : i32
        %add3A_2105 = arith.addi %mul3A_49, %add3A_2104 : i32
        %broadcast_in_dim3A_2106 = arith.constant 15 : i32
        %broadcast_in_dim3A_2107 = vector.broadcast %broadcast_in_dim3A_2106 : i32 to vector<16xi32>
        %eq3A_2108 = arith.constant 15 : i32
        %eq3A_2109 = vector.broadcast %eq3A_2108 : i32 to vector<16xi32>
        %eq3A_2110 = arith.cmpi eq, %iota3A, %eq3A_2109 : vector<16xi32>
        %jit3A_2111 = arith.constant 0.000000e+00 : f32
        %broadcast_in_dim3A_2112 = vector.broadcast %jit3A_2111 : f32 to vector<16xf32>
        %select_n3A_2113 = arith.select %eq3A_2110, %mul3A_115, %broadcast_in_dim3A_2112 : vector<16xi1>, vector<16xf32>
        %reduce_sum3A_2114 = arith.constant true
        %reduce_sum3A_2115 = vector.broadcast %reduce_sum3A_2114 : i1 to vector<16xi1>
        %reduce_sum3A_2116 = tpu.scan <sum>, %select_n3A_2113 masked %reduce_sum3A_2115 : vector<16xf32>, vector<16xi1> -> vector<16xf32>
        %reduce_sum3A_2117 = vector.extract %reduce_sum3A_2116[15] : f32 from vector<16xf32>
        %broadcast_in_dim3A_2118 = vector.broadcast %reduce_sum3A_2117 : f32 to vector<16xf32>
        %eq3A_2119 = arith.constant 15 : i32
        %eq3A_2120 = vector.broadcast %eq3A_2119 : i32 to vector<16xi32>
        %eq3A_2121 = arith.cmpi eq, %iota3A, %eq3A_2120 : vector<16xi32>
        %jit3A_2122 = arith.constant 0.000000e+00 : f32
        %broadcast_in_dim3A_2123 = vector.broadcast %jit3A_2122 : f32 to vector<16xf32>
        %select_n3A_2124 = arith.select %eq3A_2121, %mul3A_192, %broadcast_in_dim3A_2123 : vector<16xi1>, vector<16xf32>
        %reduce_sum3A_2125 = arith.constant true
        %reduce_sum3A_2126 = vector.broadcast %reduce_sum3A_2125 : i1 to vector<16xi1>
        %reduce_sum3A_2127 = tpu.scan <sum>, %select_n3A_2124 masked %reduce_sum3A_2126 : vector<16xf32>, vector<16xi1> -> vector<16xf32>
        %reduce_sum3A_2128 = vector.extract %reduce_sum3A_2127[15] : f32 from vector<16xf32>
        %broadcast_in_dim3A_2129 = vector.broadcast %reduce_sum3A_2128 : f32 to vector<16xf32>
        %eq3A_2130 = arith.constant 15 : i32
        %eq3A_2131 = vector.broadcast %eq3A_2130 : i32 to vector<16xi32>
        %eq3A_2132 = arith.cmpi eq, %iota3A, %eq3A_2131 : vector<16xi32>
        %jit3A_2133 = arith.constant 0.000000e+00 : f32
        %broadcast_in_dim3A_2134 = vector.broadcast %jit3A_2133 : f32 to vector<16xf32>
        %select_n3A_2135 = arith.select %eq3A_2132, %mul3A_270, %broadcast_in_dim3A_2134 : vector<16xi1>, vector<16xf32>
        %reduce_sum3A_2136 = arith.constant true
        %reduce_sum3A_2137 = vector.broadcast %reduce_sum3A_2136 : i1 to vector<16xi1>
        %reduce_sum3A_2138 = tpu.scan <sum>, %select_n3A_2135 masked %reduce_sum3A_2137 : vector<16xf32>, vector<16xi1> -> vector<16xf32>
        %reduce_sum3A_2139 = vector.extract %reduce_sum3A_2138[15] : f32 from vector<16xf32>
        %broadcast_in_dim3A_2140 = vector.broadcast %reduce_sum3A_2139 : f32 to vector<16xf32>
        %eq3A_2141 = arith.constant 15 : i32
        %eq3A_2142 = vector.broadcast %eq3A_2141 : i32 to vector<16xi32>
        %eq3A_2143 = arith.cmpi eq, %iota3A, %eq3A_2142 : vector<16xi32>
        %jit3A_2144 = arith.constant 0.000000e+00 : f32
        %broadcast_in_dim3A_2145 = vector.broadcast %jit3A_2144 : f32 to vector<16xf32>
        %select_n3A_2146 = arith.select %eq3A_2143, %mul3A_348, %broadcast_in_dim3A_2145 : vector<16xi1>, vector<16xf32>
        %reduce_sum3A_2147 = arith.constant true
        %reduce_sum3A_2148 = vector.broadcast %reduce_sum3A_2147 : i1 to vector<16xi1>
        %reduce_sum3A_2149 = tpu.scan <sum>, %select_n3A_2146 masked %reduce_sum3A_2148 : vector<16xf32>, vector<16xi1> -> vector<16xf32>
        %reduce_sum3A_2150 = vector.extract %reduce_sum3A_2149[15] : f32 from vector<16xf32>
        %broadcast_in_dim3A_2151 = vector.broadcast %reduce_sum3A_2150 : f32 to vector<16xf32>
        %get3A_2152 = arith.index_cast %add3A_2105 : i32 to index
        %get3A_2153 = arith.constant 0 : index
        %get3A_2154 = tpu.vector_load %arg10[%get3A_2152, %get3A_2153] {strides = array<i32>} : memref<80x144xf32, #tpu.memory_space<vmem>>, vector<16xf32>,
        %mul3A_2155 = arith.mulf %get3A_2154, %broadcast_in_dim3A_2118 : vector<16xf32>
        %swap3A_2156 = arith.index_cast %add3A_2105 : i32 to index
        %swap3A_2157 = arith.constant 0 : index
        %swap3A_2158 = tpu.vector_load %arg12[%swap3A_2156, %swap3A_2157] {strides = array<i32>} : memref<80x144xf32, #tpu.memory_space<vmem>>, vector<16xf32>,
        tpu.vector_store %arg12[%swap3A_2156, %swap3A_2157], %mul3A_2155 {strides = array<i32>} : memref<80x144xf32, #tpu.memory_space<vmem>>, vector<16xf32>,
        %get3A_2159 = arith.index_cast %add3A_2105 : i32 to index
        %get3A_2160 = arith.constant 16 : index
        %get3A_2161 = tpu.vector_load %arg10[%get3A_2159, %get3A_2160] {strides = array<i32>} : memref<80x144xf32, #tpu.memory_space<vmem>>, vector<16xf32>,
        %mul3A_2162 = arith.mulf %get3A_2161, %broadcast_in_dim3A_2118 : vector<16xf32>
        %swap3A_2163 = arith.index_cast %add3A_2105 : i32 to index
        %swap3A_2164 = arith.constant 16 : index
        %swap3A_2165 = tpu.vector_load %arg12[%swap3A_2163, %swap3A_2164] {strides = array<i32>} : memref<80x144xf32, #tpu.memory_space<vmem>>, vector<16xf32>,
        tpu.vector_store %arg12[%swap3A_2163, %swap3A_2164], %mul3A_2162 {strides = array<i32>} : memref<80x144xf32, #tpu.memory_space<vmem>>, vector<16xf32>,
        %get3A_2166 = arith.index_cast %add3A_2105 : i32 to index
        %get3A_2167 = arith.constant 32 : index
        %get3A_2168 = tpu.vector_load %arg10[%get3A_2166, %get3A_2167] {strides = array<i32>} : memref<80x144xf32, #tpu.memory_space<vmem>>, vector<16xf32>,
        %mul3A_2169 = arith.mulf %get3A_2168, %broadcast_in_dim3A_2129 : vector<16xf32>
        %swap3A_2170 = arith.index_cast %add3A_2105 : i32 to index
        %swap3A_2171 = arith.constant 32 : index
        %swap3A_2172 = tpu.vector_load %arg12[%swap3A_2170, %swap3A_2171] {strides = array<i32>} : memref<80x144xf32, #tpu.memory_space<vmem>>, vector<16xf32>,
        tpu.vector_store %arg12[%swap3A_2170, %swap3A_2171], %mul3A_2169 {strides = array<i32>} : memref<80x144xf32, #tpu.memory_space<vmem>>, vector<16xf32>,
        %get3A_2173 = arith.index_cast %add3A_2105 : i32 to index
        %get3A_2174 = arith.constant 48 : index
        %get3A_2175 = tpu.vector_load %arg10[%get3A_2173, %get3A_2174] {strides = array<i32>} : memref<80x144xf32, #tpu.memory_space<vmem>>, vector<16xf32>,
        %mul3A_2176 = arith.mulf %get3A_2175, %broadcast_in_dim3A_2129 : vector<16xf32>
        %swap3A_2177 = arith.index_cast %add3A_2105 : i32 to index
        %swap3A_2178 = arith.constant 48 : index
        %swap3A_2179 = tpu.vector_load %arg12[%swap3A_2177, %swap3A_2178] {strides = array<i32>} : memref<80x144xf32, #tpu.memory_space<vmem>>, vector<16xf32>,
        tpu.vector_store %arg12[%swap3A_2177, %swap3A_2178], %mul3A_2176 {strides = array<i32>} : memref<80x144xf32, #tpu.memory_space<vmem>>, vector<16xf32>,
        %get3A_2180 = arith.index_cast %add3A_2105 : i32 to index
        %get3A_2181 = arith.constant 64 : index
        %get3A_2182 = tpu.vector_load %arg10[%get3A_2180, %get3A_2181] {strides = array<i32>} : memref<80x144xf32, #tpu.memory_space<vmem>>, vector<16xf32>,
        %mul3A_2183 = arith.mulf %get3A_2182, %broadcast_in_dim3A_2140 : vector<16xf32>
        %swap3A_2184 = arith.index_cast %add3A_2105 : i32 to index
        %swap3A_2185 = arith.constant 64 : index
        %swap3A_2186 = tpu.vector_load %arg12[%swap3A_2184, %swap3A_2185] {strides = array<i32>} : memref<80x144xf32, #tpu.memory_space<vmem>>, vector<16xf32>,
        tpu.vector_store %arg12[%swap3A_2184, %swap3A_2185], %mul3A_2183 {strides = array<i32>} : memref<80x144xf32, #tpu.memory_space<vmem>>, vector<16xf32>,
        %get3A_2187 = arith.index_cast %add3A_2105 : i32 to index
        %get3A_2188 = arith.constant 80 : index
        %get3A_2189 = tpu.vector_load %arg10[%get3A_2187, %get3A_2188] {strides = array<i32>} : memref<80x144xf32, #tpu.memory_space<vmem>>, vector<16xf32>,
        %mul3A_2190 = arith.mulf %get3A_2189, %broadcast_in_dim3A_2140 : vector<16xf32>
        %swap3A_2191 = arith.index_cast %add3A_2105 : i32 to index
        %swap3A_2192 = arith.constant 80 : index
        %swap3A_2193 = tpu.vector_load %arg12[%swap3A_2191, %swap3A_2192] {strides = array<i32>} : memref<80x144xf32, #tpu.memory_space<vmem>>, vector<16xf32>,
        tpu.vector_store %arg12[%swap3A_2191, %swap3A_2192], %mul3A_2190 {strides = array<i32>} : memref<80x144xf32, #tpu.memory_space<vmem>>, vector<16xf32>,
        %get3A_2194 = arith.index_cast %add3A_2105 : i32 to index
        %get3A_2195 = arith.constant 96 : index
        %get3A_2196 = tpu.vector_load %arg10[%get3A_2194, %get3A_2195] {strides = array<i32>} : memref<80x144xf32, #tpu.memory_space<vmem>>, vector<16xf32>,
        %mul3A_2197 = arith.mulf %get3A_2196, %broadcast_in_dim3A_2151 : vector<16xf32>
        %swap3A_2198 = arith.index_cast %add3A_2105 : i32 to index
        %swap3A_2199 = arith.constant 96 : index
        %swap3A_2200 = tpu.vector_load %arg12[%swap3A_2198, %swap3A_2199] {strides = array<i32>} : memref<80x144xf32, #tpu.memory_space<vmem>>, vector<16xf32>,
        tpu.vector_store %arg12[%swap3A_2198, %swap3A_2199], %mul3A_2197 {strides = array<i32>} : memref<80x144xf32, #tpu.memory_space<vmem>>, vector<16xf32>,
        %get3A_2201 = arith.index_cast %add3A_2105 : i32 to index
        %get3A_2202 = arith.constant 112 : index
        %get3A_2203 = tpu.vector_load %arg10[%get3A_2201, %get3A_2202] {strides = array<i32>} : memref<80x144xf32, #tpu.memory_space<vmem>>, vector<16xf32>,
        %mul3A_2204 = arith.mulf %get3A_2203, %broadcast_in_dim3A_2151 : vector<16xf32>
        %swap3A_2205 = arith.index_cast %add3A_2105 : i32 to index
        %swap3A_2206 = arith.constant 112 : index
        %swap3A_2207 = tpu.vector_load %arg12[%swap3A_2205, %swap3A_2206] {strides = array<i32>} : memref<80x144xf32, #tpu.memory_space<vmem>>, vector<16xf32>,
        tpu.vector_store %arg12[%swap3A_2205, %swap3A_2206], %mul3A_2204 {strides = array<i32>} : memref<80x144xf32, #tpu.memory_space<vmem>>, vector<16xf32>,
        %and3A_2208 = arith.constant 3 : i32
        %and3A_2209 = vector.broadcast %and3A_2208 : i32 to vector<16xi32>
        %and3A_2210 = arith.andi %iota3A, %and3A_2209 : vector<16xi32>
        %gather3A_2211 = tpu.vector_load_idx %arg13[%and3A_2210, %broadcast_in_dim3A_2107] : memref<4x16xf32, #tpu.memory_space<vmem>>[vector<16xi32>, vector<16xi32>], vector<16xf32>,
        %lt3A_2212 = arith.constant 4 : i32
        %lt3A_2213 = vector.broadcast %lt3A_2212 : i32 to vector<16xi32>
        %lt3A_2214 = arith.cmpi slt, %iota3A, %lt3A_2213 : vector<16xi32>
        %jit3A_2215 = arith.constant 0.000000e+00 : f32
        %broadcast_in_dim3A_2216 = vector.broadcast %jit3A_2215 : f32 to vector<16xf32>
        %select_n3A_2217 = arith.select %lt3A_2214, %gather3A_2211, %broadcast_in_dim3A_2216 : vector<16xi1>, vector<16xf32>
        %swap3A_2218 = arith.index_cast %add3A_2105 : i32 to index
        %swap3A_2219 = arith.constant 128 : index
        %swap3A_2220 = tpu.vector_load %arg12[%swap3A_2218, %swap3A_2219] {strides = array<i32>} : memref<80x144xf32, #tpu.memory_space<vmem>>, vector<16xf32>,
        tpu.vector_store %arg12[%swap3A_2218, %swap3A_2219], %select_n3A_2217 {strides = array<i32>} : memref<80x144xf32, #tpu.memory_space<vmem>>, vector<16xf32>,
      }
      %scan3A_46 = arith.constant 5 : i32
      "tpu.region"() ({
        %run_scoped3A = tpu.sem_alloc : memref<!tpu.dma_semaphore, #tpu.memory_space<semaphore_mem>>
        %dma_start3A_47 = arith.constant 0 : i32
        %dma_start3A_48 = arith.constant 0 : i32
        %dma_start3A_49 = tpu.memref_slice %arg14[%dma_start3A_47, %dma_start3A_48] : memref<10240x144xf32, #tpu.memory_space<vmem_shared>> -> memref<10240x144xf32, #tpu.memory_space<vmem_shared>>
        tpu.enqueue_indirect_dma source(%arg12 : memref<80x144xf32, #tpu.memory_space<vmem>>) target(%dma_start3A_49 : memref<10240x144xf32, #tpu.memory_space<vmem_shared>>) offsets(%arg9 : memref<80xi32, #tpu.memory_space<vmem>>) semaphore(%run_scoped3A : memref<!tpu.dma_semaphore, #tpu.memory_space<semaphore_mem>>) {add = true}
        %dma_wait3A_50 = arith.constant 0 : i32
        %dma_wait3A_51 = arith.constant 0 : i32
        %dma_wait3A_52 = tpu.memref_slice %arg14[%dma_wait3A_50, %dma_wait3A_51] : memref<10240x144xf32, #tpu.memory_space<vmem_shared>> -> memref<10240x144xf32, #tpu.memory_space<vmem_shared>>
        tpu.wait_indirect_dma semaphore(%run_scoped3A : memref<!tpu.dma_semaphore, #tpu.memory_space<semaphore_mem>>) src(%arg12 : memref<80x144xf32, #tpu.memory_space<vmem>>) dst(%dma_wait3A_52 : memref<10240x144xf32, #tpu.memory_space<vmem_shared>>)
        tpu.yield
      }) : () -> ()
    }
    %scan3A_18 = arith.constant 250 : i32
    %barrier3A_19 = arith.constant 0 : index
    tpu.barrier barrier_id(%barrier3A_19)
    %eq3A = arith.constant 0 : i32
    %eq3A_20 = arith.cmpi eq, %arg1, %eq3A : i32
    %convert_element_type3A = arith.extui %eq3A_20 : i1 to i32
    %cond3A = arith.constant 0 : i32
    %cond3A_21 = arith.cmpi ne, %convert_element_type3A, %cond3A : i32
    scf.if %cond3A_21 {
      "tpu.region"() ({
        %run_scoped3A = tpu.sem_alloc : memref<!tpu.dma_semaphore, #tpu.memory_space<semaphore_mem>>
        %dma_start3A = arith.constant 0 : i32
        %dma_start3A_22 = arith.constant 0 : i32
        %dma_start3A_23 = tpu.memref_slice %arg7[%arg0, %dma_start3A, %dma_start3A_22] : memref<2x10000x144xf32, #tpu.memory_space<hbm>> -> memref<1x10000x144xf32, #tpu.memory_space<hbm>>
        %dma_start3A_24 = tpu.memref_squeeze %dma_start3A_23 : memref<1x10000x144xf32, #tpu.memory_space<hbm>> -> memref<10000x144xf32, #tpu.memory_space<hbm>>
        %dma_start3A_25 = arith.constant 0 : i32
        %dma_start3A_26 = arith.constant 0 : i32
        %dma_start3A_27 = tpu.memref_slice %arg14[%dma_start3A_25, %dma_start3A_26] : memref<10240x144xf32, #tpu.memory_space<vmem_shared>> -> memref<10000x144xf32, #tpu.memory_space<vmem_shared>>
        tpu.enqueue_dma source(%dma_start3A_27 : memref<10000x144xf32, #tpu.memory_space<vmem_shared>>) target(%dma_start3A_24 : memref<10000x144xf32, #tpu.memory_space<hbm>>) target_semaphore(%run_scoped3A : memref<!tpu.dma_semaphore, #tpu.memory_space<semaphore_mem>>)
        %dma_wait3A = arith.constant 0 : i32
        %dma_wait3A_28 = arith.constant 0 : i32
        %dma_wait3A_29 = tpu.memref_slice %arg7[%arg0, %dma_wait3A, %dma_wait3A_28] : memref<2x10000x144xf32, #tpu.memory_space<hbm>> -> memref<1x10000x144xf32, #tpu.memory_space<hbm>>
        %dma_wait3A_30 = tpu.memref_squeeze %dma_wait3A_29 : memref<1x10000x144xf32, #tpu.memory_space<hbm>> -> memref<10000x144xf32, #tpu.memory_space<hbm>>
        %dma_wait3A_31 = arith.constant 0 : i32
        %dma_wait3A_32 = arith.constant 0 : i32
        %dma_wait3A_33 = tpu.memref_slice %arg14[%dma_wait3A_31, %dma_wait3A_32] : memref<10240x144xf32, #tpu.memory_space<vmem_shared>> -> memref<10000x144xf32, #tpu.memory_space<vmem_shared>>
        tpu.wait_dma2 semaphore(%run_scoped3A : memref<!tpu.dma_semaphore, #tpu.memory_space<semaphore_mem>>) src(%dma_wait3A_33 : memref<10000x144xf32, #tpu.memory_space<vmem_shared>>) dst(%dma_wait3A_30 : memref<10000x144xf32, #tpu.memory_space<hbm>>)
        tpu.yield
      }) : () -> ()
    } else {
    }
    return
  }
}

module attributes {stable_mosaic.version = 14 : i64} {
  func.func @_proj_body(%arg0: i32, %arg1: memref<1000x128xf32, #tpu.memory_space<vmem>>, %arg2: memref<128x256xf32, #tpu.memory_space<vmem>>, %arg3: memref<256x8xf32, #tpu.memory_space<vmem>>, %arg4: memref<256x8xf32, #tpu.memory_space<vmem>>, %arg5: memref<1000x144xf32, #tpu.memory_space<vmem>>, %arg6: memref<1000x144xf32, #tpu.memory_space<vmem>>, %arg7: memref<1000x16xf32, #tpu.memory_space<vmem>>) attributes {dimension_semantics = [#tpu.dimension_semantics<arbitrary>], iteration_bounds = array<i64: 10>, scalar_prefetch = 0 : i64, scratch_operands = 0 : i64, tpu.core_type = #tpu.core_type<tc>, window_params = [{transform_indices = @transform_0, window_bounds = array<i64: 1000, 128>}, {pipeline_mode = #tpu.pipeline_mode<synchronous>, transform_indices = @transform_1, window_bounds = array<i64: 128, 256>}, {pipeline_mode = #tpu.pipeline_mode<synchronous>, transform_indices = @transform_2, window_bounds = array<i64: 256, 8>}, {pipeline_mode = #tpu.pipeline_mode<synchronous>, transform_indices = @transform_3, window_bounds = array<i64: 256, 8>}, {transform_indices = @transform_4, window_bounds = array<i64: 1000, 144>}, {transform_indices = @transform_5, window_bounds = array<i64: 1000, 144>}, {transform_indices = @transform_6, window_bounds = array<i64: 1000, 16>}]} {
    %get3A = arith.constant 0 : index
    %get3A_0 = arith.constant 0 : index
    %get3A_1 = vector.load %arg1[%get3A, %get3A_0] : memref<1000x128xf32, #tpu.memory_space<vmem>>, vector<1000x128xf32>
    %get3A_2 = arith.constant 0 : index
    %get3A_3 = arith.constant 0 : index
    %get3A_4 = vector.load %arg2[%get3A_2, %get3A_3] : memref<128x256xf32, #tpu.memory_space<vmem>>, vector<128x256xf32>
    %dot_general3A = arith.constant dense<0.000000e+00> : vector<1000x256xf32>
    %dot_general3A_5 = tpu.matmul %get3A_1, %get3A_4, %dot_general3A {dimension_numbers = #tpu.dot_dimension_numbers<[1], [0], [0], [1], [0, 0, 1, 1], [], []>, transpose_lhs_hint = false} : vector<1000x128xf32>, vector<128x256xf32>, vector<1000x256xf32> -> vector<1000x256xf32>
    %get3A_6 = arith.constant 0 : index
    %get3A_7 = arith.constant 0 : index
    %get3A_8 = vector.load %arg3[%get3A_6, %get3A_7] : memref<256x8xf32, #tpu.memory_space<vmem>>, vector<256x8xf32>
    %dot_general3A_9 = arith.constant dense<0.000000e+00> : vector<1000x8xf32>
    %dot_general3A_10 = tpu.matmul %dot_general3A_5, %get3A_8, %dot_general3A_9 {dimension_numbers = #tpu.dot_dimension_numbers<[1], [0], [0], [1], [0, 0, 1, 1], [], []>, precision = #tpu.contract_precision<fp32>, transpose_lhs_hint = false} : vector<1000x256xf32>, vector<256x8xf32>, vector<1000x8xf32> -> vector<1000x8xf32>
    %get3A_11 = arith.constant 0 : index
    %get3A_12 = arith.constant 0 : index
    %get3A_13 = vector.load %arg4[%get3A_11, %get3A_12] : memref<256x8xf32, #tpu.memory_space<vmem>>, vector<256x8xf32>
    %dot_general3A_14 = arith.constant dense<0.000000e+00> : vector<1000x8xf32>
    %dot_general3A_15 = tpu.matmul %dot_general3A_5, %get3A_13, %dot_general3A_14 {dimension_numbers = #tpu.dot_dimension_numbers<[1], [0], [0], [1], [0, 0, 1, 1], [], []>, precision = #tpu.contract_precision<fp32>, transpose_lhs_hint = false} : vector<1000x256xf32>, vector<256x8xf32>, vector<1000x8xf32> -> vector<1000x8xf32>
    %broadcast_in_dim3A = arith.constant 0.000000e+00 : f32
    %broadcast_in_dim3A_16 = vector.broadcast %broadcast_in_dim3A : f32 to vector<1000x12xf32>
    %slice3A = vector.extract_strided_slice %dot_general3A_5 {offsets = [0, 0], sizes = [1000, 128], strides = [1, 1]} : vector<1000x256xf32> to vector<1000x128xf32>
    %slice3A_17 = vector.extract_strided_slice %dot_general3A_10 {offsets = [0, 0], sizes = [1000, 4], strides = [1, 1]} : vector<1000x8xf32> to vector<1000x4xf32>
    %concatenate3A = tpu.concatenate %slice3A, %slice3A_17, %broadcast_in_dim3A_16 in 1 : vector<1000x128xf32>, vector<1000x4xf32>, vector<1000x12xf32> -> vector<1000x144xf32>
    %swap3A = arith.constant 0 : index
    %swap3A_18 = arith.constant 0 : index
    %swap3A_19 = vector.load %arg5[%swap3A, %swap3A_18] : memref<1000x144xf32, #tpu.memory_space<vmem>>, vector<1000x144xf32>
    tpu.vector_store %arg5[%swap3A, %swap3A_18], %concatenate3A {strides = array<i32>} : memref<1000x144xf32, #tpu.memory_space<vmem>>, vector<1000x144xf32>,
    %slice3A_20 = vector.extract_strided_slice %dot_general3A_5 {offsets = [0, 128], sizes = [1000, 128], strides = [1, 1]} : vector<1000x256xf32> to vector<1000x128xf32>
    %slice3A_21 = vector.extract_strided_slice %dot_general3A_10 {offsets = [0, 4], sizes = [1000, 4], strides = [1, 1]} : vector<1000x8xf32> to vector<1000x4xf32>
    %concatenate3A_22 = tpu.concatenate %slice3A_20, %slice3A_21, %broadcast_in_dim3A_16 in 1 : vector<1000x128xf32>, vector<1000x4xf32>, vector<1000x12xf32> -> vector<1000x144xf32>
    %swap3A_23 = arith.constant 0 : index
    %swap3A_24 = arith.constant 0 : index
    %swap3A_25 = vector.load %arg6[%swap3A_23, %swap3A_24] : memref<1000x144xf32, #tpu.memory_space<vmem>>, vector<1000x144xf32>
    tpu.vector_store %arg6[%swap3A_23, %swap3A_24], %concatenate3A_22 {strides = array<i32>} : memref<1000x144xf32, #tpu.memory_space<vmem>>, vector<1000x144xf32>,
    %broadcast_in_dim3A_26 = arith.constant 0.000000e+00 : f32
    %broadcast_in_dim3A_27 = vector.broadcast %broadcast_in_dim3A_26 : f32 to vector<1000x8xf32>
    %concatenate3A_28 = tpu.concatenate %dot_general3A_15, %broadcast_in_dim3A_27 in 1 : vector<1000x8xf32>, vector<1000x8xf32> -> vector<1000x16xf32>
    %swap3A_29 = arith.constant 0 : index
    %swap3A_30 = arith.constant 0 : index
    %swap3A_31 = vector.load %arg7[%swap3A_29, %swap3A_30] : memref<1000x16xf32, #tpu.memory_space<vmem>>, vector<1000x16xf32>
    tpu.vector_store %arg7[%swap3A_29, %swap3A_30], %concatenate3A_28 {strides = array<i32>} : memref<1000x16xf32, #tpu.memory_space<vmem>>, vector<1000x16xf32>,
    return
  }
  func.func @transform_0(%arg0: i32) -> (i32, i32) {
    %c0_i32 = arith.constant 0 : i32
    %c0_i32_0 = arith.constant 0 : i32
    return %arg0, %c0_i32 : i32, i32
  }
  func.func @transform_1(%arg0: i32) -> (i32, i32) {
    %c0_i32 = arith.constant 0 : i32
    %c0_i32_0 = arith.constant 0 : i32
    %c0_i32_1 = arith.constant 0 : i32
    return %c0_i32, %c0_i32_0 : i32, i32
  }
  func.func @transform_2(%arg0: i32) -> (i32, i32) {
    %c0_i32 = arith.constant 0 : i32
    %c0_i32_0 = arith.constant 0 : i32
    %c0_i32_1 = arith.constant 0 : i32
    return %c0_i32, %c0_i32_0 : i32, i32
  }
  func.func @transform_3(%arg0: i32) -> (i32, i32) {
    %c0_i32 = arith.constant 0 : i32
    %c0_i32_0 = arith.constant 0 : i32
    %c0_i32_1 = arith.constant 0 : i32
    return %c0_i32, %c0_i32_0 : i32, i32
  }
  func.func @transform_4(%arg0: i32) -> (i32, i32) {
    %c0_i32 = arith.constant 0 : i32
    %c0_i32_0 = arith.constant 0 : i32
    return %arg0, %c0_i32 : i32, i32
  }
  func.func @transform_5(%arg0: i32) -> (i32, i32) {
    %c0_i32 = arith.constant 0 : i32
    %c0_i32_0 = arith.constant 0 : i32
    return %arg0, %c0_i32 : i32, i32
  }
  func.func @transform_6(%arg0: i32) -> (i32, i32) {
    %c0_i32 = arith.constant 0 : i32
    %c0_i32_0 = arith.constant 0 : i32
    return %arg0, %c0_i32 : i32, i32
  }
}

module attributes {stable_mosaic.version = 14 : i64} {
  func.func @_readout_body(%arg0: memref<2x10000x144xf32, #tpu.memory_space<vmem>>, %arg1: memref<1x10000xi32, #tpu.memory_space<vmem>>, %arg2: memref<256x512xf32, #tpu.memory_space<vmem>>, %arg3: memref<1x512xf32, #tpu.memory_space<vmem>>, %arg4: memref<1x512xf32, #tpu.memory_space<vmem>>, %arg5: memref<1x1xf32, #tpu.memory_space<vmem>>, %arg6: memref<32x1xf32, #tpu.memory_space<vmem>>) attributes {dimension_semantics = [], scalar_prefetch = 0 : i64, scratch_operands = 0 : i64, tpu.core_type = #tpu.core_type<tc>} {
    %get3A = arith.constant 0 : index
    %get3A_0 = arith.constant 0 : index
    %get3A_1 = arith.constant 0 : index
    %get3A_2 = vector.load %arg0[%get3A, %get3A_0, %get3A_1] : memref<2x10000x144xf32, #tpu.memory_space<vmem>>, vector<1x10000x144xf32>
    %get3A_3 = vector.shape_cast %get3A_2 : vector<1x10000x144xf32> to vector<10000x144xf32>
    %slice3A = vector.extract_strided_slice %get3A_3 {offsets = [0, 128], sizes = [10000, 1], strides = [1, 1]} : vector<10000x144xf32> to vector<10000x1xf32>
    %add3A = arith.constant 9.99999971E-10 : f32
    %add3A_4 = vector.broadcast %add3A : f32 to vector<10000x1xf32>
    %add3A_5 = arith.addf %slice3A, %add3A_4 : vector<10000x1xf32>
    %slice3A_6 = vector.extract_strided_slice %get3A_3 {offsets = [0, 0], sizes = [10000, 32], strides = [1, 1]} : vector<10000x144xf32> to vector<10000x32xf32>
    %div3A = vector.broadcast %add3A_5 : vector<10000x1xf32> to vector<10000x32xf32>
    %div3A_7 = arith.divf %slice3A_6, %div3A : vector<10000x32xf32>
    %slice3A_8 = vector.extract_strided_slice %get3A_3 {offsets = [0, 129], sizes = [10000, 1], strides = [1, 1]} : vector<10000x144xf32> to vector<10000x1xf32>
    %add3A_9 = arith.constant 9.99999971E-10 : f32
    %add3A_10 = vector.broadcast %add3A_9 : f32 to vector<10000x1xf32>
    %add3A_11 = arith.addf %slice3A_8, %add3A_10 : vector<10000x1xf32>
    %slice3A_12 = vector.extract_strided_slice %get3A_3 {offsets = [0, 32], sizes = [10000, 32], strides = [1, 1]} : vector<10000x144xf32> to vector<10000x32xf32>
    %div3A_13 = vector.broadcast %add3A_11 : vector<10000x1xf32> to vector<10000x32xf32>
    %div3A_14 = arith.divf %slice3A_12, %div3A_13 : vector<10000x32xf32>
    %slice3A_15 = vector.extract_strided_slice %get3A_3 {offsets = [0, 130], sizes = [10000, 1], strides = [1, 1]} : vector<10000x144xf32> to vector<10000x1xf32>
    %add3A_16 = arith.constant 9.99999971E-10 : f32
    %add3A_17 = vector.broadcast %add3A_16 : f32 to vector<10000x1xf32>
    %add3A_18 = arith.addf %slice3A_15, %add3A_17 : vector<10000x1xf32>
    %slice3A_19 = vector.extract_strided_slice %get3A_3 {offsets = [0, 64], sizes = [10000, 32], strides = [1, 1]} : vector<10000x144xf32> to vector<10000x32xf32>
    %div3A_20 = vector.broadcast %add3A_18 : vector<10000x1xf32> to vector<10000x32xf32>
    %div3A_21 = arith.divf %slice3A_19, %div3A_20 : vector<10000x32xf32>
    %slice3A_22 = vector.extract_strided_slice %get3A_3 {offsets = [0, 131], sizes = [10000, 1], strides = [1, 1]} : vector<10000x144xf32> to vector<10000x1xf32>
    %add3A_23 = arith.constant 9.99999971E-10 : f32
    %add3A_24 = vector.broadcast %add3A_23 : f32 to vector<10000x1xf32>
    %add3A_25 = arith.addf %slice3A_22, %add3A_24 : vector<10000x1xf32>
    %slice3A_26 = vector.extract_strided_slice %get3A_3 {offsets = [0, 96], sizes = [10000, 32], strides = [1, 1]} : vector<10000x144xf32> to vector<10000x32xf32>
    %div3A_27 = vector.broadcast %add3A_25 : vector<10000x1xf32> to vector<10000x32xf32>
    %div3A_28 = arith.divf %slice3A_26, %div3A_27 : vector<10000x32xf32>
    %get3A_29 = arith.constant 1 : index
    %get3A_30 = arith.constant 0 : index
    %get3A_31 = arith.constant 0 : index
    %get3A_32 = vector.load %arg0[%get3A_29, %get3A_30, %get3A_31] : memref<2x10000x144xf32, #tpu.memory_space<vmem>>, vector<1x10000x144xf32>
    %get3A_33 = vector.shape_cast %get3A_32 : vector<1x10000x144xf32> to vector<10000x144xf32>
    %slice3A_34 = vector.extract_strided_slice %get3A_33 {offsets = [0, 128], sizes = [10000, 1], strides = [1, 1]} : vector<10000x144xf32> to vector<10000x1xf32>
    %add3A_35 = arith.constant 9.99999971E-10 : f32
    %add3A_36 = vector.broadcast %add3A_35 : f32 to vector<10000x1xf32>
    %add3A_37 = arith.addf %slice3A_34, %add3A_36 : vector<10000x1xf32>
    %slice3A_38 = vector.extract_strided_slice %get3A_33 {offsets = [0, 0], sizes = [10000, 32], strides = [1, 1]} : vector<10000x144xf32> to vector<10000x32xf32>
    %div3A_39 = vector.broadcast %add3A_37 : vector<10000x1xf32> to vector<10000x32xf32>
    %div3A_40 = arith.divf %slice3A_38, %div3A_39 : vector<10000x32xf32>
    %slice3A_41 = vector.extract_strided_slice %get3A_33 {offsets = [0, 129], sizes = [10000, 1], strides = [1, 1]} : vector<10000x144xf32> to vector<10000x1xf32>
    %add3A_42 = arith.constant 9.99999971E-10 : f32
    %add3A_43 = vector.broadcast %add3A_42 : f32 to vector<10000x1xf32>
    %add3A_44 = arith.addf %slice3A_41, %add3A_43 : vector<10000x1xf32>
    %slice3A_45 = vector.extract_strided_slice %get3A_33 {offsets = [0, 32], sizes = [10000, 32], strides = [1, 1]} : vector<10000x144xf32> to vector<10000x32xf32>
    %div3A_46 = vector.broadcast %add3A_44 : vector<10000x1xf32> to vector<10000x32xf32>
    %div3A_47 = arith.divf %slice3A_45, %div3A_46 : vector<10000x32xf32>
    %slice3A_48 = vector.extract_strided_slice %get3A_33 {offsets = [0, 130], sizes = [10000, 1], strides = [1, 1]} : vector<10000x144xf32> to vector<10000x1xf32>
    %add3A_49 = arith.constant 9.99999971E-10 : f32
    %add3A_50 = vector.broadcast %add3A_49 : f32 to vector<10000x1xf32>
    %add3A_51 = arith.addf %slice3A_48, %add3A_50 : vector<10000x1xf32>
    %slice3A_52 = vector.extract_strided_slice %get3A_33 {offsets = [0, 64], sizes = [10000, 32], strides = [1, 1]} : vector<10000x144xf32> to vector<10000x32xf32>
    %div3A_53 = vector.broadcast %add3A_51 : vector<10000x1xf32> to vector<10000x32xf32>
    %div3A_54 = arith.divf %slice3A_52, %div3A_53 : vector<10000x32xf32>
    %slice3A_55 = vector.extract_strided_slice %get3A_33 {offsets = [0, 131], sizes = [10000, 1], strides = [1, 1]} : vector<10000x144xf32> to vector<10000x1xf32>
    %add3A_56 = arith.constant 9.99999971E-10 : f32
    %add3A_57 = vector.broadcast %add3A_56 : f32 to vector<10000x1xf32>
    %add3A_58 = arith.addf %slice3A_55, %add3A_57 : vector<10000x1xf32>
    %slice3A_59 = vector.extract_strided_slice %get3A_33 {offsets = [0, 96], sizes = [10000, 32], strides = [1, 1]} : vector<10000x144xf32> to vector<10000x32xf32>
    %div3A_60 = vector.broadcast %add3A_58 : vector<10000x1xf32> to vector<10000x32xf32>
    %div3A_61 = arith.divf %slice3A_59, %div3A_60 : vector<10000x32xf32>
    %concatenate3A = tpu.concatenate %div3A_7, %div3A_14, %div3A_21, %div3A_28, %div3A_40, %div3A_47, %div3A_54, %div3A_61 in 1 : vector<10000x32xf32>, vector<10000x32xf32>, vector<10000x32xf32>, vector<10000x32xf32>, vector<10000x32xf32>, vector<10000x32xf32>, vector<10000x32xf32>, vector<10000x32xf32> -> vector<10000x256xf32>
    %get3A_62 = arith.constant 0 : index
    %get3A_63 = arith.constant 0 : index
    %get3A_64 = vector.load %arg1[%get3A_62, %get3A_63] : memref<1x10000xi32, #tpu.memory_space<vmem>>, vector<1x10000xi32>
    %iota3A = tpu.iota {dimensions = array<i32: 0>} : vector<32x10000xi32>
    %broadcast_in_dim3A = vector.shape_cast %get3A_64 : vector<1x10000xi32> to vector<1x10000xi32>
    %broadcast_in_dim3A_65 = vector.broadcast %broadcast_in_dim3A : vector<1x10000xi32> to vector<32x10000xi32>
    %eq3A = arith.cmpi eq, %broadcast_in_dim3A_65, %iota3A : vector<32x10000xi32>
    %convert_element_type3A = arith.extui %eq3A : vector<32x10000xi1> to vector<32x10000xi32>
    %convert_element_type3A_66 = arith.sitofp %convert_element_type3A : vector<32x10000xi32> to vector<32x10000xf32>
    %dot_general3A = arith.constant dense<0.000000e+00> : vector<32x256xf32>
    %dot_general3A_67 = tpu.matmul %convert_element_type3A_66, %concatenate3A, %dot_general3A {dimension_numbers = #tpu.dot_dimension_numbers<[1], [0], [0], [1], [0, 0, 1, 1], [], []>, precision = #tpu.contract_precision<fp32>, transpose_lhs_hint = false} : vector<32x10000xf32>, vector<10000x256xf32>, vector<32x256xf32> -> vector<32x256xf32>
    %reduce_sum3A = arith.constant dense<0.000000e+00> : vector<32xf32>
    %reduce_sum3A_68 = vector.multi_reduction <add>, %convert_element_type3A_66, %reduce_sum3A [1] : vector<32x10000xf32> to vector<32xf32>
    %broadcast_in_dim3A_69 = vector.shape_cast %reduce_sum3A_68 : vector<32xf32> to vector<32x1xf32>
    %max3A = arith.constant 1.000000e+00 : f32
    %max3A_70 = vector.broadcast %max3A : f32 to vector<32x1xf32>
    %max3A_71 = arith.maximumf %broadcast_in_dim3A_69, %max3A_70 : vector<32x1xf32>
    %div3A_72 = vector.broadcast %max3A_71 : vector<32x1xf32> to vector<32x256xf32>
    %div3A_73 = arith.divf %dot_general3A_67, %div3A_72 : vector<32x256xf32>
    %get3A_74 = arith.constant 0 : index
    %get3A_75 = arith.constant 0 : index
    %get3A_76 = vector.load %arg2[%get3A_74, %get3A_75] : memref<256x512xf32, #tpu.memory_space<vmem>>, vector<256x512xf32>
    %dot_general3A_77 = arith.constant dense<0.000000e+00> : vector<32x512xf32>
    %dot_general3A_78 = tpu.matmul %div3A_73, %get3A_76, %dot_general3A_77 {dimension_numbers = #tpu.dot_dimension_numbers<[1], [0], [0], [1], [0, 0, 1, 1], [], []>, precision = #tpu.contract_precision<fp32>, transpose_lhs_hint = false} : vector<32x256xf32>, vector<256x512xf32>, vector<32x512xf32> -> vector<32x512xf32>
    %get3A_79 = arith.constant 0 : index
    %get3A_80 = arith.constant 0 : index
    %get3A_81 = vector.load %arg3[%get3A_79, %get3A_80] : memref<1x512xf32, #tpu.memory_space<vmem>>, vector<1x512xf32>
    %add3A_82 = vector.broadcast %get3A_81 : vector<1x512xf32> to vector<32x512xf32>
    %add3A_83 = arith.addf %dot_general3A_78, %add3A_82 : vector<32x512xf32>
    %max3A_84 = arith.constant 0.000000e+00 : f32
    %max3A_85 = vector.broadcast %max3A_84 : f32 to vector<32x512xf32>
    %max3A_86 = arith.maximumf %add3A_83, %max3A_85 : vector<32x512xf32>
    %get3A_87 = arith.constant 0 : index
    %get3A_88 = arith.constant 0 : index
    %get3A_89 = vector.load %arg4[%get3A_87, %get3A_88] : memref<1x512xf32, #tpu.memory_space<vmem>>, vector<1x512xf32>
    %mul3A = vector.broadcast %get3A_89 : vector<1x512xf32> to vector<32x512xf32>
    %mul3A_90 = arith.mulf %max3A_86, %mul3A : vector<32x512xf32>
    %reduce_sum3A_91 = arith.constant dense<0.000000e+00> : vector<32xf32>
    %reduce_sum3A_92 = vector.multi_reduction <add>, %mul3A_90, %reduce_sum3A_91 [1] : vector<32x512xf32> to vector<32xf32>
    %broadcast_in_dim3A_93 = vector.shape_cast %reduce_sum3A_92 : vector<32xf32> to vector<32x1xf32>
    %get3A_94 = arith.constant 0 : index
    %get3A_95 = arith.constant 0 : index
    %get3A_96 = vector.load %arg5[%get3A_94, %get3A_95] : memref<1x1xf32, #tpu.memory_space<vmem>>, vector<1x1xf32>
    %add3A_97 = vector.broadcast %get3A_96 : vector<1x1xf32> to vector<32x1xf32>
    %add3A_98 = arith.addf %broadcast_in_dim3A_93, %add3A_97 : vector<32x1xf32>
    %swap3A = arith.constant 0 : index
    %swap3A_99 = arith.constant 0 : index
    %swap3A_100 = vector.load %arg6[%swap3A, %swap3A_99] : memref<32x1xf32, #tpu.memory_space<vmem>>, vector<32x1xf32>
    tpu.vector_store %arg6[%swap3A, %swap3A_99], %add3A_98 {strides = array<i32>} : memref<32x1xf32, #tpu.memory_space<vmem>>, vector<32x1xf32>,
    return
  }
}

</mosaic_0001>

<sc_bundles>
// kernel: kernel.5.cloned.1.call-start
scs
__scs_entry_jumppad:
0x0: {  	(pc) =	sbr.rel $0x88, $3  }
0x1: {  	(tag) =	ssettag $0x0;
	lr =	simm.s32 $0x1  }
0x2: {  	[smem:$0x3F97] =	sst lr;
	_ =	strace $0xD0000000  }
0x3: {  	_ = 	snop  }
0x4: {  	_ = 	snop  }
0x5: {  	_ = 	snop  }
0x6: {  	_ = 	snop  }
0x7: {  	_ = 	snop  }
__scs_overlays_trampoline_lowered:
0x8: {  	[smem:$0x3FA6] =	sst s0  }
0x9: {  	[smem:$0x3FA7] =	sst s1  }
0xa: {  	[smem:$0x3FA8] =	sst s2  }
0xb: {  	[smem:$0x3FA9] =	sst s3  }
0xc: {  	[smem:$0x3FAA] =	sst s4  }
0xd: {  	[smem:$0x3FAB] =	sst s5  }
0xe: {  	[smem:$0x3FAC] =	sst s6  }
0xf: {  	[smem:$0x3FAD] =	sst s7  }
0x10: {  	[smem:$0x3FAE] =	sst s8  }
0x11: {  	[smem:$0x3FAF] =	sst s9;
	s0 =	simm.s32 @!p0 $0x0  }
0x12: {  	s1 =	sld [smem:$0x3F95];
	s0 =	simm.s32 @p0 $0x1  }
0x13: {  	[smem:$0x3FB0] =	sst s0;
	s0 =	simm.s32 @!p1 $0x0  }
0x14: {  	s2 =	sld [smem:$0x3F94];
	s0 =	simm.s32 @p1 $0x1  }
0x15: {  	[smem:$0x3FB1] =	sst s0;
	s0 =	simm.s32 @!p2 $0x0  }
0x16: {  	s3 =	sld [smem:$0x3FDB];
	s0 =	simm.s32 @p2 $0x1  }
0x17: {  	s4 =	simm.s32 $0x1BF5;
	[smem:$0x3FB3] =	sst s0  }
0x18: {  	s0 =	sld [smem:$0x3F96];
	_ =	swait.ge [sflag:s4], $0x0  }
0x19: {  	s7 =	sld [smem:$0x3F97]  }
0x1a: {  	s8 =	sadd.s32 $0xFFFFE003, lr  }
0x1b: {  	s9 =	sadd.s32 $0xFFFFFEF7, lr;
	s5 =	simm.s32 $0xFFFFFFFF;
	p2 =	slt.u32 s8, $0xFFFFF086  }
0x1c: {  	p1 =	slt.u32 s9, $0xF7A;
	s5 =	simm.s32 @!p2 $0x0  }
0x1d: {  	s5 =	simm.s32 @p1 $0x1;
	p0 =	seq.s32 s7, s2  }
0x1e: {  	s7 =	smul.u32 @!p0 $0xF7A, s2;
	p2 =	seq.s32 @!p0 s5, $0x0  }
0x1f: {  	s9 =	smul.u32 $0xF7A, s1;
	s8 =	simm.s32 @!p0 $0x1BF5;
	p2 =	por !p2, p0  }
0x20: {  	[sflag:s8] =	ssyncset.s32 @!p0 $0xFFFFF086;
	s6 =	sadd.s32 @!p0 s3, s7;
	s7 =	simm.s32 @!p0 $0x108  }
0x21: {  	s3 =	sadd.s32 s3, s9;
	s6 =	sadd.s32 @!p0 $0x88, s6;
	s7 =	simm.s32 @p2 $0x1082  }
0x22: {  	[simem:s7], [sflag:s8] =	dma.local @!p0 [hbm:s6], $0xF7A  }
0x23: {  	s9 =	sor.u32 $0xD0000000, s2;
	s6 =	simm.s32 $0x108;
	_ =	swait.ge @!p0 [sflag:s8], $0x0  }
0x24: {  	s3 =	sadd.s32 $0x88, s3;
	s6 =	simm.s32 @!p1 $0x1082;
	[sflag:s4] =	ssyncset.s32 $0xFFFFF086  }
0x25: {  	[simem:s6], [sflag:s4] =	dma.local [hbm:s3], $0xF7A  }
0x26: {  	[smem:$0x3F97] =	sst s1;
	(tag) =	ssettag s2;
	_ =	strace s9  }
0x27: {  	s1 =	sld [smem:$0x3FA7]  }
0x28: {  	s2 =	sld [smem:$0x3FA8]  }
0x29: {  	s4 =	sld [smem:$0x3FAA]  }
0x2a: {  	p0 =	seq.s32 s5, $0x0;
	s5 =	sld [smem:$0x3FAB]  }
0x2b: {  	s6 =	sld [smem:$0x3FAC]  }
0x2c: {  	s7 =	sld [smem:$0x3FAD]  }
0x2d: {  	s3 =	simm.s32 $0x108;
	s8 =	sld [smem:$0x3FAE]  }
0x2e: {  	s3 =	simm.s32 @!p0 $0x1082;
	s9 =	sld [smem:$0x3FAF]  }
0x2f: {  	lr =	sadd.s32 s0, s3;
	s0 =	sld [smem:$0x3FA6]  }
0x30: {  	s3 =	sld [smem:$0x3FA9]  }
0x31: {  	[smem:$0x3FB2] =	sst s10  }
0x32: {  	s10 =	sld [smem:$0x3FB0];
	_ =	sdelay $0x3  }
0x33: {  	p0 =	seq.s32 s10, $0x1;
	s10 =	sld [smem:$0x3FB2];
	_ =	sdelay $0x3  }
0x34: {  	[smem:$0x3FB2] =	sst s10  }
0x35: {  	s10 =	sld [smem:$0x3FB1];
	_ =	sdelay $0x3  }
0x36: {  	p1 =	seq.s32 s10, $0x1;
	s10 =	sld [smem:$0x3FB2];
	_ =	sdelay $0x3  }
0x37: {  	[smem:$0x3FB2] =	sst s10  }
0x38: {  	s10 =	sld [smem:$0x3FB3]  }
0x39: {  	_ = 	snop;
	(pc) =	sbr.ind lr, $3  }
0x3a: {  	_ = 	snop  }
0x3b: {  	_ = 	snop  }
0x3c: {  	p2 =	seq.s32 s10, $0x1;
	s10 =	sld [smem:$0x3FB2]  }
0x3d: {  	_ =	shalt  }
0x3e: {  	_ =	shalt  }
0x3f: {  	_ =	shalt  }
0x40: {  	_ =	shalt  }
0x41: {  	_ =	shalt  }
0x42: {  	_ =	shalt  }
0x43: {  	_ =	shalt  }
0x44: {  	_ =	shalt  }
0x45: {  	_ =	shalt  }
0x46: {  	_ =	shalt  }
0x47: {  	_ =	shalt  }
0x48: {  	_ =	shalt  }
0x49: {  	_ =	shalt  }
0x4a: {  	_ =	shalt  }
0x4b: {  	_ =	shalt  }
0x4c: {  	_ =	shalt  }
0x4d: {  	_ =	shalt  }
0x4e: {  	_ =	shalt  }
0x4f: {  	_ =	shalt  }
0x50: {  	_ =	shalt  }
0x51: {  	_ =	shalt  }
0x52: {  	_ =	shalt  }
0x53: {  	_ =	shalt  }
0x54: {  	_ =	shalt  }
0x55: {  	_ =	shalt  }
0x56: {  	_ =	shalt  }
0x57: {  	_ =	shalt  }
0x58: {  	_ =	shalt  }
0x59: {  	_ =	shalt  }
0x5a: {  	_ =	shalt  }
0x5b: {  	_ =	shalt  }
0x5c: {  	_ =	shalt  }
0x5d: {  	_ =	shalt  }
0x5e: {  	_ =	shalt  }
0x5f: {  	_ =	shalt  }
0x60: {  	_ =	shalt  }
0x61: {  	_ =	shalt  }
0x62: {  	_ =	shalt  }
0x63: {  	_ =	shalt  }
0x64: {  	_ =	shalt  }
0x65: {  	_ =	shalt  }
0x66: {  	_ =	shalt  }
0x67: {  	_ =	shalt  }
0x68: {  	_ =	shalt  }
0x69: {  	_ =	shalt  }
0x6a: {  	_ =	shalt  }
0x6b: {  	_ =	shalt  }
0x6c: {  	_ =	shalt  }
0x6d: {  	_ =	shalt  }
0x6e: {  	_ =	shalt  }
0x6f: {  	_ =	shalt  }
0x70: {  	_ =	shalt  }
0x71: {  	_ =	shalt  }
0x72: {  	_ =	shalt  }
0x73: {  	_ =	shalt  }
0x74: {  	_ =	shalt  }
0x75: {  	_ =	shalt  }
0x76: {  	_ =	shalt  }
0x77: {  	_ =	shalt  }
0x78: {  	_ =	shalt  }
0x79: {  	_ =	shalt  }
0x7a: {  	_ =	shalt  }
0x7b: {  	_ =	shalt  }
0x7c: {  	_ =	shalt  }
0x7d: {  	_ =	shalt  }
0x7e: {  	_ =	shalt  }
0x7f: {  	_ =	shalt  }
0x80: {  	_ =	shalt  }
0x81: {  	_ =	shalt  }
0x82: {  	_ =	shalt  }
0x83: {  	_ =	shalt  }
0x84: {  	_ =	shalt  }
0x85: {  	_ =	shalt  }
0x86: {  	_ =	shalt  }
0x87: {  	_ =	shalt  }
.Lfunc_end0:
.L_simem_size_0:
called_computation_lowered:
.L_overlay_start_0:
0x88: {  	s2 =	sld [smem:$0x3FD9]  }
0x89: {  	s3 =	sld [smem:$0x3FFE];
	_ =	sdelay $0x1  }
0x8a: {  	s1 =	srdreg.scid  }
0x8b: {  	s0 =	sand.u32 $0x1, s1  }
0x8c: {  	s16 =	sshll.u32 s0, $0xA;
	s2 =	sadd.s32 s3, s2  }
0x8d: {  	s2 =	sadd.s32 s2, s16  }
0x8e: {  	[smem:$0x3FBE] =	sst s2  }
0x8f: {  	_ = 	snop  }
0x90: {  	(tm) =	ssettm $0x1  }
0x91: {  	s17 =	sld [smem:$0x3FFB];
	_ =	sdelay $0x3  }
0x92: {  	_ =	strace s17  }
0x93: {  	s2 =	sld [smem:$0x3FFC];
	_ =	sdelay $0x3  }
0x94: {  	_ =	strace s2  }
0x95: {  	s2 =	sld [smem:$0x3FFD];
	_ =	sdelay $0x3  }
0x96: {  	_ =	strace s2  }
0x97: {  	_ =	strace $0x8FFFFFFF  }
0x98: {  	s18 =	sld [smem:$0x3FDB];
	_ =	sdelay $0x1  }
0x99: {  	s19 =	simm.s32 $_scs_section_size  }
0x9a: {  	s4 =	simm.s32 $_size__tile_overlayer_lowered;
	s5 =	simm.s32 $_tile_overlayer_lowered  }
0x9b: {  	s22 =	simm.s32 $0x1BFF;
	s21 =	sshll.u32 s5, $0x1;
	s2 =	sadd.s32 s19, s18  }
0x9c: {  	s6 =	simm.s32 $0x0;
	s20 =	sshll.u32 s4, $0x1;
	s4 =	sadd.s32 s21, s2  }
0x9d: {  	[timem:s6], [sflag:s22] =	dma.local [hbm:s4], s20  }
0x9e: {  	_ =	swait.ge [sflag:s22], s20  }
0x9f: {  	s3 =	ssub.s32 $0x0, s20;
	[sflag:s22] =	ssyncset.done $0x0  }
0xa0: {  	[sflag:s22] =	ssyncadd.s32 s3;
	_ =	sdelay $0x1  }
0xa1: {  	s23 =	simm.s32 $0x1B8B  }
0xa2: {  	_ =	swait.ge [sflag:s23], $0x1  }
0xa3: {  	[sflag:s23] =	ssyncset.done $0x0  }
0xa4: {  	s25 =	simm.s32 $0x1B8E;
	s24 =	sld [smem:$0x3FFE];
	[sflag:s23] =	ssyncadd.s32 $0xFFFFFFFF  }
0xa5: {  	s26 =	simm.s32 $execute0_lowered;
	[smem:$0x3FD2] =	sst s25  }
0xa6: {  	s4 =	sshll.u32 s26, $0x1;
	_ =	strace $0x80000046;
	[dreg:$0x1] =	wrdreg $0xFFFFFFFF  }
0xa7: {  	s28 =	simm.s32 $_size_execute0_lowered;
	s2 =	sadd.s32 s2, s4;
	[dreg:$0x0] =	wrdreg $0x0  }
0xa8: {  	s4 =	sshll.u32 s28, $0x1;
	[dreg:$0x2] =	wrdreg s2  }
0xa9: {  	[dreg:$0x3] =	wrdreg s4  }
0xaa: {  	[dreg:$0x4] =	wrdreg $0xC0  }
0xab: {  	_ =	task [dreg:s6], $0x5FFFF  }
0xac: {  	[dreg:$0x1] =	wrdreg $0xFFFFFFFF  }
0xad: {  	[dreg:$0x0] =	wrdreg $0x60  }
0xae: {  	[dreg:$0x2] =	wrdreg s24  }
0xaf: {  	[dreg:$0x3] =	wrdreg $0x5FE00  }
0xb0: {  	[dreg:$0x4] =	wrdreg $0x9  }
0xb1: {  	_ =	task.clear_ibuf [dreg:s6], $0x5FFFF;
	_ =	strace $0x90000046  }
0xb2: {  	s29 =	simm.s32 $0x9;
	_ =	strace $0x80000048  }
0xb3: {  	_ =	swait.ge [sflag:s29], $0x1  }
0xb4: {  	[sflag:s29] =	ssyncadd.s32 $0xFFFFFFFF  }
0xb5: {  	_ =	strace $0x90000048  }
0xb6: {  	_ =	sfence  }
0xb7: {  	s30 =	sld [smem:$0x0];
	_ =	sdelay $0x2  }
0xb8: {  	s31 =	sshll.u32 s1, $0xD;
	s1 =	sshrl.u32 s1, $0x2  }
0xb9: {  	s3 =	sand.u32 $0x4000, s31;
	s1 =	sadd.s32 s1, s30  }
0xba: {  	s0 =	sor.u32 s3, s0;
	s1 =	sshll.u32 s1, $0x11  }
0xbb: {  	s0 =	sor.u32 s1, s0  }
0xbc: {  	s0 =	sadd.s32 $0x8F2B, s0  }
0xbd: {  	[sflag:s0] =	ssyncadd.remote.s32 $0x1  }
0xbe: {  	_ =	sfence.sel $0xFFFF  }
0xbf: {  	[dreg:$0x0] =	wrdreg $0xFFFFFFFF;
	(pc) =	sbr.abs _section_cstart, $3  }
0xc0: {  	[dreg:$0x1] =	wrdreg $0xFFFFFFFF  }
0xc1: {  	_ =	task.clear_ibuf [dreg:s6], $0x2FFFF;
	_ =	strace $0x9FFFFFFF  }
0xc2: {  	(tm) =	ssettm $0x7FFFFFFF  }
0xc3: {  	_ =	shalt  }
tec
execute0_lowered:
.L_overlay_start_1:
0x0: {  	(tag) =	ssettag $0x1  }
0x1: {  	s0 =	srdreg.scid;
	s17 =	rddreg [dreg:$0x0]  }
0x2: {  	s1 =	rddreg [dreg:$0x1];
	s2 =	simm.s32 $0x0;
	v1 =	vlaneseq.u32;
	s25 =	stileid.u32;
	v5 =	vimm.f32 $0.0e+00;
	v7 =	vimm.f32 $-5.000000000e-01  }
0x3: {  	vm0 =	vmmov $0x1;
	vm1 =	vmmov $0xf;
	vm3 =	vcmask $0x308;
	s18 =	simm.s32 $0x4F000;
	s19 =	simm.s32 $0x3;
	s20 =	simm.s32 $0x50  }
0x4: {  	vm4 =	vcmask $0x70C;
	vm5 =	vcmask $0xB10;
	vm6 =	vcmask $0xF14;
	s21 =	simm.s32 $0x2DA0;
	s22 =	simm.s32 $0xA0;
	s23 =	simm.s32 $0x1  }
0x5: {  	vm7 =	vcmask $0x1318;
	vm8 =	vcmask $0x171C;
	vm9 =	vcmask $0x1B20;
	s24 =	simm.s32 $0x2;
	s7 =	sand.u32 $0x1, s0;
	s0 =	rddreg [dreg:$0x2]  }
0x6: {  	vm10 =	vcmask $0x1F24;
	vm11 =	vcmask $0x2328;
	vm12 =	vcmask $0x272C;
	[smem:$0x7FF] =	sst s2;
	s9 =	smul.u32 $0x5A000, s25;
	s4 =	sadd.s32 $0x3BC00, s17  }
0x7: {  	vm13 =	vcmask $0x2B30;
	vm14 =	vcmask $0x2F34;
	vm15 =	vcmask $0x3338;
	s5 =	sadd.s32 $0x31E00, s17;
	s3 =	sshll.u32 s7, $0x2;
	_ =	strace $0x80000047  }
0x8: {  	vm2 =	vmmov $0x7fff;
	v23 =	vimm.s32 $0x0;
	v6 =	vand.u32 $0x3, v1;
	s6 =	smul.u32 $0x2BF20, s7;
	s8 =	ssub.s32 $0x2, s7;
	p0 =	seq.s32 s7, $0x1  }
0x9: {  	v23 =	vsel vm2, $0xFFFFFFFF, v23;
	v6 =	vmul.u32 $0x10, v6;
	v0 =	vmov s3;
	s3 =	sadd.s32 $0x2CE00, s17;
	s10 =	sshrl.u32 s8, $0x1;
	s31 =	sshrl.u32 s9, $0x2  }
0xa: {  	s18 =	simm.s32 @!p0 $0xE00;
	p0 =	sne.s32 s25, $0x0;
	v2 =	vor.u32 $0x1, v0;
	v3 =	vor.u32 $0x2, v0;
	v4 =	vor.u32 $0x3, v0;
	s11 =	sadd.s32 s6, s17  }
0xb: {  	v8 =	vor.u32 $0x1, v6;
	s10 =	ssub.s32 s8, s10;
	v9 =	vor.u32 $0x2, v6;
	v10 =	vor.u32 $0x3, v6;
	s6 =	smul.u32 $0x4E20, s25;
	s7 =	sadd.s32 s31, s1  }
0xc: {  	v11 =	vor.u32 $0x4, v6;
	v12 =	vor.u32 $0x5, v6;
	v13 =	vor.u32 $0x6, v6;
	s17 =	sadd.s32 s18, s17;
	s18 =	simm.s32 $0x32A0;
	s25 =	simm.s32 $0x5FA0  }
0xd: {  	[tilespmem:$0x1FFF0] =	vst v23;
	v14 =	vor.u32 $0x7, v6;
	v15 =	vor.u32 $0x8, v6;
	v16 =	vor.u32 $0x9, v6;
	s8 =	sadd.s32 $0x7B000, s11;
	s9 =	smax.u32 s10, $0x1;
	s10 =	sadd.s32 $0x2D00, s7  }
0xe: {  	v17 =	vor.u32 $0xA, v6;
	v18 =	vor.u32 $0xB, v6;
	v19 =	vor.u32 $0xC, v6;
	s11 =	sadd.s32 $0x5A00, s7;
	s12 =	sadd.s32 $0x8700, s7;
	s13 =	sadd.s32 $0xB400, s7  }
0xf: {  	v20 =	vor.u32 $0xD, v6;
	v21 =	vor.u32 $0xE, v6;
	v22 =	vor.u32 $0xF, v6;
	s14 =	sadd.s32 $0xE100, s7;
	s15 =	sadd.s32 $0x10E00, s7;
	s16 =	sadd.s32 $0x13B00, s7  }
.LBB2_1:
0x10: {  	s26 =	simm.s32 $0x0;
	s28 =	simm.s32 $0x240  }
.LBB2_2:
0x11: {  	p1 =	sne.s32 s28, $0xB1C0;
	[tilespmem:s26+$0x3320] =	vst v5  }
0x12: {  	[tilespmem:s26+$0x32A0] =	vst v5  }
0x13: {  	[tilespmem:s26+$0x32B0] =	vst v5  }
0x14: {  	[tilespmem:s26+$0x32C0] =	vst v5  }
.Ltmp0:
0x15: {  	[tilespmem:s26+$0x32D0] =	vst v5;
	(pc) =	sbr.rel @p1 .LBB2_2-.Ltmp0, $4  }
0x16: {  	[tilespmem:s26+$0x32E0] =	vst v5  }
0x17: {  	[tilespmem:s26+$0x32F0] =	vst v5  }
0x18: {  	[tilespmem:s26+$0x3300] =	vst v5  }
0x19: {  	[tilespmem:s26+$0x3310] =	vst v5;
	s26 =	sshra.s32 s28, $0x2;
	s28 =	sadd.s32 $0x240, s28  }
0x1a: {  	[tilespmem:s26+$0x3320] =	vst v5  }
0x1b: {  	[tilespmem:s26+$0x32A0] =	vst v5  }
0x1c: {  	[tilespmem:s26+$0x32B0] =	vst v5  }
0x1d: {  	[tilespmem:s26+$0x32C0] =	vst v5  }
0x1e: {  	[tilespmem:s26+$0x32D0] =	vst v5  }
0x1f: {  	[tilespmem:s26+$0x32E0] =	vst v5  }
0x20: {  	[tilespmem:s26+$0x32F0] =	vst v5  }
0x21: {  	[tilespmem:s26+$0x3300] =	vst v5  }
0x22: {  	[tilespmem:s26+$0x3310] =	vst v5  }
0x23: {  	[spmem:s7] =	stream.linear.scatter [tilespmem:s18], [sflag:$0x3], $0x2D00, $0x38;
	[tilespmem:$0x1C7E0] =	vst v63  }
0x24: {  	_ =	swait.ge [sflag:s19], $0x2D00  }
0x25: {  	[sflag:s19] =	ssyncset.done $0x0  }
0x26: {  	[sflag:s19] =	ssyncadd.s32 $0xFFFFD300  }
0x27: {  	[spmem:s10] =	stream.linear.scatter [tilespmem:s18], [sflag:$0x3], $0x2D00, $0x38;
	[tilespmem:$0x1C7E0] =	vst v63  }
0x28: {  	_ =	swait.ge [sflag:s19], $0x2D00  }
0x29: {  	[sflag:s19] =	ssyncset.done $0x0  }
0x2a: {  	[sflag:s19] =	ssyncadd.s32 $0xFFFFD300  }
0x2b: {  	[spmem:s11] =	stream.linear.scatter [tilespmem:s18], [sflag:$0x3], $0x2D00, $0x38;
	[tilespmem:$0x1C7E0] =	vst v63  }
0x2c: {  	_ =	swait.ge [sflag:s19], $0x2D00  }
0x2d: {  	[sflag:s19] =	ssyncset.done $0x0  }
0x2e: {  	[sflag:s19] =	ssyncadd.s32 $0xFFFFD300  }
0x2f: {  	[spmem:s12] =	stream.linear.scatter [tilespmem:s18], [sflag:$0x3], $0x2D00, $0x38;
	[tilespmem:$0x1C7E0] =	vst v63  }
0x30: {  	_ =	swait.ge [sflag:s19], $0x2D00  }
0x31: {  	[sflag:s19] =	ssyncset.done $0x0  }
0x32: {  	[sflag:s19] =	ssyncadd.s32 $0xFFFFD300  }
0x33: {  	[spmem:s13] =	stream.linear.scatter [tilespmem:s18], [sflag:$0x3], $0x2D00, $0x38;
	[tilespmem:$0x1C7E0] =	vst v63  }
0x34: {  	_ =	swait.ge [sflag:s19], $0x2D00  }
0x35: {  	[sflag:s19] =	ssyncset.done $0x0  }
0x36: {  	[sflag:s19] =	ssyncadd.s32 $0xFFFFD300  }
0x37: {  	[spmem:s14] =	stream.linear.scatter [tilespmem:s18], [sflag:$0x3], $0x2D00, $0x38;
	[tilespmem:$0x1C7E0] =	vst v63  }
0x38: {  	_ =	swait.ge [sflag:s19], $0x2D00  }
0x39: {  	[sflag:s19] =	ssyncset.done $0x0  }
0x3a: {  	[sflag:s19] =	ssyncadd.s32 $0xFFFFD300  }
0x3b: {  	[spmem:s15] =	stream.linear.scatter [tilespmem:s18], [sflag:$0x3], $0x2D00, $0x38;
	[tilespmem:$0x1C7E0] =	vst v63  }
0x3c: {  	_ =	swait.ge [sflag:s19], $0x2D00  }
0x3d: {  	[sflag:s19] =	ssyncset.done $0x0  }
0x3e: {  	[sflag:s19] =	ssyncadd.s32 $0xFFFFD300  }
0x3f: {  	[spmem:s16] =	stream.linear.scatter [tilespmem:s18], [sflag:$0x3], $0x2D00, $0x38;
	[tilespmem:$0x1C7E0] =	vst v63  }
0x40: {  	_ =	swait.ge [sflag:s19], $0x2D00  }
0x41: {  	[sflag:s19] =	ssyncset.done $0x0  }
0x42: {  	[sflag:s19] =	ssyncadd.s32 $0xFFFFD300  }
0x43: {  	s26 =	simm.s32 $0x0;
	s28 =	simm.s32 $0x0;
	[bflag:$0x0] =	sbarrier.arrive $0xFFFF  }
.LBB2_4:
0x44: {  	s29 =	smul.u32 $0x50, s28;
	_ =	sdelay $0x1  }
0x45: {  	s29 =	sadd.s32 s6, s29  }
0x46: {  	s29 =	sshrl.u32 s29, $0x3  }
0x47: {  	s30 =	sadd.s32 s4, s29  }
0x48: {  	[tilespmem:s26], [sflag:$0x3] =	stream.linear.gather [hbm4b:s30+s26], $0x50, $0x38;
	[tilespmem:$0x1C7E0] =	vst v63  }
0x49: {  	_ =	swait.ge [sflag:s19], $0x50  }
0x4a: {  	[sflag:s19] =	ssyncset.done $0x0  }
0x4b: {  	s29 =	sadd.s32 s5, s29;
	[sflag:s19] =	ssyncadd.s32 $0xFFFFFFB0  }
0x4c: {  	[tilespmem:s20], [sflag:$0x3] =	stream.linear.gather [hbm4b:s29+s26], $0x50, $0x38;
	[tilespmem:$0x1C7E0] =	vst v63  }
0x4d: {  	_ =	swait.ge [sflag:s19], $0x50  }
0x4e: {  	[sflag:s19] =	ssyncset.done $0x0  }
0x4f: {  	[sflag:s19] =	ssyncadd.s32 $0xFFFFFFB0  }
0x50: {  	[tilespmem:s21], [sflag:$0x2] =	stream.indirect.gather [hbm4b:s3+s20], $0x10, s20, s20, $0xb8;
	[tilespmem:$0x1C7E0] =	vst v63  }
0x51: {  	_ = 	snop  }
0x52: {  	[tilespmem:s22], [sflag:$0x1] =	stream.indirect.gather [hbm4b:s17+s20], $0x90, s26, s20, $0xb8;
	[tilespmem:$0x1C7E0] =	vst v63  }
0x53: {  	_ =	swait.ge [sflag:s23], $0x2D00  }
0x54: {  	[sflag:s23] =	ssyncset.done $0x0  }
0x55: {  	[sflag:s23] =	ssyncadd.s32 $0xFFFFD300  }
0x56: {  	_ =	swait.ge [sflag:s24], $0x500  }
0x57: {  	[sflag:s24] =	ssyncset.done $0x0  }
0x58: {  	s29 =	simm.s32 $0x0;
	[sflag:s24] =	ssyncadd.s32 $0xFFFFFB00  }
.LBB2_5:
0x59: {  	s30 =	sshll.u32 s29, $0x4  }
0x5a: {  	v23 =	vor.u32 s30, v1  }
0x5b: {  	v25 =	vmul.u32 $0x90, v23;
	v26 =	vshll.u32 v23, $0x4  }
0x5c: {  	v23 =	vor.u32 v0, v26  }
0x5d: {  	v24 =	vadd.s32 $0x80, v25;
	_ =	sdelay $0x3  }
0x5e: {  	v23 =	vld.idx.msk [tilespmem:v23+s21+$0x0], $0xffff  }
0x5f: {  	v24 =	vld.idx.msk [tilespmem:v24+s22+$0x0], $0xffff;
	_ =	sdelay $0x2  }
0x60: {  	vm2 =	vmmov vm0;
	vm0 =	vmmov vm15  }
0x61: {  	vm15 =	vmmov vm14;
	vm14 =	vmmov vm13;
	vm13 =	vmmov vm12  }
0x62: {  	vm12 =	vmmov vm11;
	vm11 =	vmmov vm10;
	v23 =	vadd.f32 v23, v24  }
0x63: {  	vm10 =	vmmov vm9;
	vm9 =	vmmov vm8;
	vm8 =	vmmov vm7  }
0x64: {  	vm7 =	vmmov vm6;
	vm6 =	vmmov vm5;
	v24 =	vmul.f32 $2.000000030e-01, v23  }
0x65: {  	vm5 =	vmmov vm4;
	vm4 =	vmmov vm3;
	vm3 =	vgt.f32 v23, $0.0e+00  }
0x66: {  	v23 =	vsel vm3, v23, v24  }
0x67: {  	v23 =	vmul.f32 $1.442695020e+00, v23;
	_ =	sdelay $0x1  }
0x68: {  	vm3 =	vge.f32 v23, $0.0e+00  }
0x69: {  	v34 =	vsel vm3, $0x3F000000, v7  }
0x6a: {  	v24 =	vadd.f32 v34, v23;
	_ =	sdelay $0x1  }
0x6b: {  	v24 =	vtrunc.f32 v24  }
0x6c: {  	v24 =	vcvt.f32.s32 v24;
	_ =	sdelay $0x1  }
0x6d: {  	vm3 =	vgt.s32 v24, $0xFFFFFF82  }
0x6e: {  	v24 =	vnsel vm3, $0xFFFFFF82, v24  }
0x6f: {  	vm3 =	vlt.s32 v24, $0x7F  }
0x70: {  	v24 =	vnsel vm3, $0x7F, v24  }
0x71: {  	v27 =	vcvt.s32.f32 v24;
	_ =	sdelay $0x1  }
0x72: {  	v23 =	vsub.f32 v23, v27;
	_ =	sdelay $0x1  }
0x73: {  	v23 =	vmul.f32 $6.931471820e-01, v23;
	_ =	sdelay $0x1  }
0x74: {  	v35 =	vmul.f32 $1.388888920e-03, v23;
	_ =	sdelay $0x1  }
0x75: {  	v27 =	vadd.f32 $8.333333770e-03, v35;
	_ =	sdelay $0x1  }
0x76: {  	v27 =	vmul.f32 v27, v23;
	_ =	sdelay $0x1  }
0x77: {  	v27 =	vadd.f32 $4.166666790e-02, v27;
	_ =	sdelay $0x1  }
0x78: {  	v27 =	vmul.f32 v27, v23;
	_ =	sdelay $0x1  }
0x79: {  	v27 =	vadd.f32 $1.666666720e-01, v27;
	_ =	sdelay $0x1  }
0x7a: {  	v27 =	vmul.f32 v27, v23;
	_ =	sdelay $0x1  }
0x7b: {  	v27 =	vadd.f32 $5.000000000e-01, v27;
	_ =	sdelay $0x1  }
0x7c: {  	v27 =	vmul.f32 v27, v23;
	_ =	sdelay $0x1  }
0x7d: {  	v27 =	vadd.f32 $1.000000000e+00, v27;
	_ =	sdelay $0x1  }
0x7e: {  	v23 =	vmul.f32 v27, v23;
	_ =	sdelay $0x1  }
0x7f: {  	v36 =	vadd.s32 $0x81, v25;
	v24 =	vshll.u32 v24, $0x17;
	v23 =	vadd.f32 $1.000000000e+00, v23  }
0x80: {  	v28 =	vor.u32 v2, v26;
	v24 =	vadd.s32 $0x3F800000, v24  }
0x81: {  	v23 =	vmul.f32 v24, v23;
	_ =	sdelay $0x1  }
0x82: {  	[tilespmem:$0x5FA0] =	vst v23  }
0x83: {  	v37 =	vld.idx.msk [tilespmem:v36+s22+$0x0], $0xffff  }
0x84: {  	v38 =	vld.idx.msk [tilespmem:v28+s21+$0x0], $0xffff;
	_ =	sdelay $0x4  }
0x85: {  	v24 =	vadd.f32 v38, v37;
	_ =	sdelay $0x1  }
0x86: {  	v27 =	vmul.f32 $2.000000030e-01, v24  }
0x87: {  	vm3 =	vgt.f32 v24, $0.0e+00  }
0x88: {  	v24 =	vsel vm3, v24, v27  }
0x89: {  	v24 =	vmul.f32 $1.442695020e+00, v24;
	_ =	sdelay $0x1  }
0x8a: {  	vm3 =	vge.f32 v24, $0.0e+00  }
0x8b: {  	v39 =	vsel vm3, $0x3F000000, v7  }
0x8c: {  	v27 =	vadd.f32 v39, v24;
	_ =	sdelay $0x1  }
0x8d: {  	v27 =	vtrunc.f32 v27  }
0x8e: {  	v27 =	vcvt.f32.s32 v27;
	_ =	sdelay $0x1  }
0x8f: {  	vm3 =	vgt.s32 v27, $0xFFFFFF82  }
0x90: {  	v27 =	vnsel vm3, $0xFFFFFF82, v27  }
0x91: {  	vm3 =	vlt.s32 v27, $0x7F  }
0x92: {  	v27 =	vnsel vm3, $0x7F, v27  }
0x93: {  	v40 =	vcvt.s32.f32 v27;
	_ =	sdelay $0x1  }
0x94: {  	v24 =	vsub.f32 v24, v40;
	_ =	sdelay $0x1  }
0x95: {  	v24 =	vmul.f32 $6.931471820e-01, v24;
	_ =	sdelay $0x1  }
0x96: {  	v41 =	vmul.f32 $1.388888920e-03, v24;
	_ =	sdelay $0x1  }
0x97: {  	v28 =	vadd.f32 $8.333333770e-03, v41;
	_ =	sdelay $0x1  }
0x98: {  	v28 =	vmul.f32 v28, v24;
	_ =	sdelay $0x1  }
0x99: {  	v28 =	vadd.f32 $4.166666790e-02, v28;
	_ =	sdelay $0x1  }
0x9a: {  	v28 =	vmul.f32 v28, v24;
	_ =	sdelay $0x1  }
0x9b: {  	v28 =	vadd.f32 $1.666666720e-01, v28;
	_ =	sdelay $0x1  }
0x9c: {  	v28 =	vmul.f32 v28, v24;
	_ =	sdelay $0x1  }
0x9d: {  	v28 =	vadd.f32 $5.000000000e-01, v28;
	_ =	sdelay $0x1  }
0x9e: {  	v28 =	vmul.f32 v28, v24;
	_ =	sdelay $0x1  }
0x9f: {  	v28 =	vadd.f32 $1.000000000e+00, v28;
	_ =	sdelay $0x1  }
0xa0: {  	v24 =	vmul.f32 v28, v24;
	_ =	sdelay $0x1  }
0xa1: {  	v42 =	vadd.s32 $0x82, v25;
	v27 =	vshll.u32 v27, $0x17;
	v24 =	vadd.f32 $1.000000000e+00, v24  }
0xa2: {  	v29 =	vor.u32 v3, v26;
	v27 =	vadd.s32 $0x3F800000, v27  }
0xa3: {  	v24 =	vmul.f32 v27, v24;
	_ =	sdelay $0x1  }
0xa4: {  	[tilespmem:$0x5FB0] =	vst v24  }
0xa5: {  	v43 =	vld.idx.msk [tilespmem:v42+s22+$0x0], $0xffff  }
0xa6: {  	v44 =	vld.idx.msk [tilespmem:v29+s21+$0x0], $0xffff;
	_ =	sdelay $0x4  }
0xa7: {  	v27 =	vadd.f32 v44, v43;
	_ =	sdelay $0x1  }
0xa8: {  	v28 =	vmul.f32 $2.000000030e-01, v27  }
0xa9: {  	vm3 =	vgt.f32 v27, $0.0e+00  }
0xaa: {  	v27 =	vsel vm3, v27, v28  }
0xab: {  	v27 =	vmul.f32 $1.442695020e+00, v27;
	_ =	sdelay $0x1  }
0xac: {  	vm3 =	vge.f32 v27, $0.0e+00  }
0xad: {  	v45 =	vsel vm3, $0x3F000000, v7  }
0xae: {  	v28 =	vadd.f32 v45, v27;
	_ =	sdelay $0x1  }
0xaf: {  	v28 =	vtrunc.f32 v28  }
0xb0: {  	v28 =	vcvt.f32.s32 v28;
	_ =	sdelay $0x1  }
0xb1: {  	vm3 =	vgt.s32 v28, $0xFFFFFF82  }
0xb2: {  	v28 =	vnsel vm3, $0xFFFFFF82, v28  }
0xb3: {  	vm3 =	vlt.s32 v28, $0x7F  }
0xb4: {  	v28 =	vnsel vm3, $0x7F, v28  }
0xb5: {  	v46 =	vcvt.s32.f32 v28;
	_ =	sdelay $0x1  }
0xb6: {  	v27 =	vsub.f32 v27, v46;
	_ =	sdelay $0x1  }
0xb7: {  	v27 =	vmul.f32 $6.931471820e-01, v27;
	_ =	sdelay $0x1  }
0xb8: {  	v47 =	vmul.f32 $1.388888920e-03, v27;
	_ =	sdelay $0x1  }
0xb9: {  	v29 =	vadd.f32 $8.333333770e-03, v47;
	_ =	sdelay $0x1  }
0xba: {  	v29 =	vmul.f32 v29, v27;
	_ =	sdelay $0x1  }
0xbb: {  	v29 =	vadd.f32 $4.166666790e-02, v29;
	_ =	sdelay $0x1  }
0xbc: {  	v29 =	vmul.f32 v29, v27;
	_ =	sdelay $0x1  }
0xbd: {  	v29 =	vadd.f32 $1.666666720e-01, v29;
	_ =	sdelay $0x1  }
0xbe: {  	v29 =	vmul.f32 v29, v27;
	_ =	sdelay $0x1  }
0xbf: {  	v29 =	vadd.f32 $5.000000000e-01, v29;
	_ =	sdelay $0x1  }
0xc0: {  	v29 =	vmul.f32 v29, v27;
	_ =	sdelay $0x1  }
0xc1: {  	v29 =	vadd.f32 $1.000000000e+00, v29;
	_ =	sdelay $0x1  }
0xc2: {  	v27 =	vmul.f32 v29, v27;
	_ =	sdelay $0x1  }
0xc3: {  	v48 =	vadd.s32 $0x83, v25;
	v28 =	vshll.u32 v28, $0x17;
	v27 =	vadd.f32 $1.000000000e+00, v27  }
0xc4: {  	v26 =	vor.u32 v4, v26;
	v49 =	vadd.s32 $0x3F800000, v28  }
0xc5: {  	v25 =	vmul.f32 v49, v27;
	_ =	sdelay $0x1  }
0xc6: {  	[tilespmem:$0x5FC0] =	vst v25  }
0xc7: {  	v50 =	vld.idx.msk [tilespmem:v48+s22+$0x0], $0xffff  }
0xc8: {  	v26 =	vld.idx.msk [tilespmem:v26+s21+$0x0], $0xffff;
	_ =	sdelay $0x4  }
0xc9: {  	v26 =	vadd.f32 v26, v50;
	_ =	sdelay $0x1  }
0xca: {  	v27 =	vmul.f32 $2.000000030e-01, v26  }
0xcb: {  	vm3 =	vgt.f32 v26, $0.0e+00  }
0xcc: {  	v26 =	vsel vm3, v26, v27  }
0xcd: {  	v26 =	vmul.f32 $1.442695020e+00, v26;
	_ =	sdelay $0x1  }
0xce: {  	vm3 =	vge.f32 v26, $0.0e+00  }
0xcf: {  	v51 =	vsel vm3, $0x3F000000, v7  }
0xd0: {  	v27 =	vadd.f32 v51, v26;
	_ =	sdelay $0x1  }
0xd1: {  	v27 =	vtrunc.f32 v27  }
0xd2: {  	v27 =	vcvt.f32.s32 v27;
	_ =	sdelay $0x1  }
0xd3: {  	vm3 =	vgt.s32 v27, $0xFFFFFF82  }
0xd4: {  	v27 =	vnsel vm3, $0xFFFFFF82, v27  }
0xd5: {  	vm3 =	vlt.s32 v27, $0x7F  }
0xd6: {  	v27 =	vnsel vm3, $0x7F, v27  }
0xd7: {  	v52 =	vcvt.s32.f32 v27;
	_ =	sdelay $0x1  }
0xd8: {  	v26 =	vsub.f32 v26, v52;
	_ =	sdelay $0x1  }
0xd9: {  	v26 =	vmul.f32 $6.931471820e-01, v26;
	_ =	sdelay $0x1  }
0xda: {  	v53 =	vmul.f32 $1.388888920e-03, v26;
	_ =	sdelay $0x1  }
0xdb: {  	v28 =	vadd.f32 $8.333333770e-03, v53;
	_ =	sdelay $0x1  }
0xdc: {  	v28 =	vmul.f32 v28, v26;
	_ =	sdelay $0x1  }
0xdd: {  	v28 =	vadd.f32 $4.166666790e-02, v28;
	_ =	sdelay $0x1  }
0xde: {  	v28 =	vmul.f32 v28, v26;
	_ =	sdelay $0x1  }
0xdf: {  	v28 =	vadd.f32 $1.666666720e-01, v28;
	_ =	sdelay $0x1  }
0xe0: {  	v28 =	vmul.f32 v28, v26;
	_ =	sdelay $0x1  }
0xe1: {  	vm3 =	vmmov vm4;
	v28 =	vadd.f32 $5.000000000e-01, v28  }
0xe2: {  	vm4 =	vmmov vm5;
	vm5 =	vmmov vm6;
	vm6 =	vmmov vm7  }
0xe3: {  	vm7 =	vmmov vm8;
	vm8 =	vmmov vm9;
	v28 =	vmul.f32 v28, v26  }
0xe4: {  	vm9 =	vmmov vm10;
	vm10 =	vmmov vm11;
	vm11 =	vmmov vm12  }
0xe5: {  	vm12 =	vmmov vm13;
	vm13 =	vmmov vm14;
	v28 =	vadd.f32 $1.000000000e+00, v28  }
0xe6: {  	vm14 =	vmmov vm15;
	vm15 =	vmmov vm0;
	vm0 =	vmmov vm2  }
0xe7: {  	v54 =	vnsel vm0, $0x0, v23;
	v26 =	vmul.f32 v28, v26  }
0xe8: {  	(xrf2) =	vadd.scan.msk.f32 $0xffff, v54  }
0xe9: {  	v27 =	vshll.u32 v27, $0x17;
	v55 =	vnsel vm0, $0x0, v24;
	v26 =	vadd.f32 $1.000000000e+00, v26  }
0xea: {  	v56 =	vnsel vm0, $0x0, v25;
	v27 =	vadd.s32 $0x3F800000, v27;
	(xrf2) =	vadd.scan.msk.f32 $0xffff, v55  }
0xeb: {  	(xrf2) =	vadd.scan.msk.f32 $0xffff, v56;
	v26 =	vmul.f32 v27, v26;
	_ =	sdelay $0x1  }
0xec: {  	v57 =	vnsel vm0, $0x0, v26  }
0xed: {  	s31 =	smul.u32 $0x900, s29;
	(xrf2) =	vadd.scan.msk.f32 $0xffff, v57  }
0xee: {  	[tilespmem:$0x5FD0] =	vst v26  }
0xef: {  	v58 =	vld [tilespmem:s31+$0xA0]  }
0xf0: {  	v59 =	vld [tilespmem:s31+$0xB0]  }
0xf1: {  	v36 =	vsel vm3, $0x0, v23;
	v60, _, _ =	vpop (xrf2);
	v30 =	vld [tilespmem:s31+$0xC0]  }
0xf2: {  	v29 =	vbroadcast v60, $0xF;
	v31 =	vld [tilespmem:s31+$0xD0];
	(xrf2) =	vadd.scan.msk.f32 $0xffff, v36  }
0xf3: {  	v42 =	vsel vm3, $0x0, v24;
	v32, _, _ =	vpop (xrf2);
	v33 =	vld [tilespmem:s31+$0xE0]  }
0xf4: {  	v32 =	vbroadcast v32, $0xF;
	v35, _, _ =	vpop (xrf2);
	v34 =	vld [tilespmem:s31+$0xF0];
	(xrf2) =	vadd.scan.msk.f32 $0xffff, v42;
	v27 =	vmul.f32 v29, v58  }
0xf5: {  	v45 =	vsel vm3, $0x0, v25;
	v35 =	vbroadcast v35, $0xF;
	v61 =	vld [tilespmem:s31+$0x100];
	v28 =	vmul.f32 v29, v59  }
0xf6: {  	v46 =	vsel vm3, $0x0, v26;
	v63 =	vld [tilespmem:s31+$0x110];
	(xrf2) =	vadd.scan.msk.f32 $0xffff, v45;
	v62 =	vmul.f32 v32, v30;
	[tilespmem:s31+$0x32A0] =	vst v27  }
0xf7: {  	v31 =	vmul.f32 v32, v31;
	[tilespmem:s31+$0x32B0] =	vst v28;
	v40, _, _ =	vpop (xrf2);
	(xrf2) =	vadd.scan.msk.f32 $0xffff, v46  }
0xf8: {  	v41 =	vmul.f32 v35, v33;
	[tilespmem:s31+$0x32C0] =	vst v62;
	v28 =	vbroadcast v40, $0xF  }
0xf9: {  	v43 =	vmul.f32 v35, v34;
	[tilespmem:s31+$0x32D0] =	vst v31  }
0xfa: {  	v49 =	vld [tilespmem:s31+$0x140];
	[tilespmem:s31+$0x32E0] =	vst v41;
	v44 =	vmul.f32 v28, v61  }
0xfb: {  	v48 =	vld [tilespmem:s31+$0x130];
	[tilespmem:s31+$0x32F0] =	vst v43;
	v28 =	vmul.f32 v28, v63  }
0xfc: {  	v51 =	vld [tilespmem:s31+$0x150];
	v50, _, _ =	vpop (xrf2);
	[tilespmem:s31+$0x3300] =	vst v44  }
0xfd: {  	v60 =	vsel vm4, $0x0, v23;
	v52 =	vld [tilespmem:s31+$0x160];
	v30 =	vbroadcast v50, $0xF;
	[tilespmem:s31+$0x3310] =	vst v28  }
0xfe: {  	(xrf2) =	vadd.scan.msk.f32 $0xffff, v60;
	v53, _, _ =	vpop (xrf2);
	v47 =	vld.idx.msk [tilespmem:v6+s25+$0x0], $0xffff  }
0xff: {  	v57 =	vld [tilespmem:s31+$0x190];
	v33 =	vbroadcast v53, $0xF;
	v63 =	vsel vm4, $0x0, v24;
	v29 =	vmul.f32 v49, v30  }
0x100: {  	v59 =	vld [tilespmem:s31+$0x1A0];
	v56, _, _ =	vpop (xrf2);
	(xrf2) =	vadd.scan.msk.f32 $0xffff, v63;
	v28 =	vmul.f32 v30, v48  }
0x101: {  	v37 =	vsel vm4, $0x0, v25;
	v54 =	vld [tilespmem:s31+$0x170];
	v58 =	vmul.f32 v33, v51;
	[tilespmem:s31+$0x3340] =	vst v29;
	v61, _, _ =	vpop (xrf2)  }
0x102: {  	v39 =	vsel vm4, $0x0, v26;
	v55 =	vld [tilespmem:s31+$0x180];
	(xrf2) =	vadd.scan.msk.f32 $0xffff, v37;
	[tilespmem:s31+$0x3330] =	vst v28;
	v29 =	vbroadcast v61, $0xF  }
0x103: {  	v32 =	vmul.f32 v52, v33;
	[tilespmem:s31+$0x3350] =	vst v58;
	(xrf2) =	vadd.scan.msk.f32 $0xffff, v39;
	v27 =	vnsel vm1, $0x0, v47  }
0x104: {  	[tilespmem:s31+$0x3320] =	vst v27;
	v27 =	vbroadcast v56, $0xF;
	v36 =	vmul.f32 v57, v29  }
0x105: {  	[tilespmem:s31+$0x3360] =	vst v32;
	v38 =	vmul.f32 v59, v29  }
0x106: {  	v40 =	vld [tilespmem:s31+$0x1C0];
	v62 =	vmul.f32 v54, v27;
	[tilespmem:s31+$0x3390] =	vst v36  }
0x107: {  	v41 =	vld [tilespmem:s31+$0x1D0];
	v27 =	vmul.f32 v55, v27;
	[tilespmem:s31+$0x33A0] =	vst v38  }
0x108: {  	v43 =	vld [tilespmem:s31+$0x1E0];
	v42, _, _ =	vpop (xrf2);
	[tilespmem:s31+$0x3370] =	vst v62  }
0x109: {  	v44 =	vld [tilespmem:s31+$0x1F0];
	v51 =	vsel vm5, $0x0, v23;
	v30 =	vbroadcast v42, $0xF;
	[tilespmem:s31+$0x3380] =	vst v27  }
0x10a: {  	(xrf2) =	vadd.scan.msk.f32 $0xffff, v51;
	v33, _, _ =	vpop (xrf2);
	v27 =	vld.idx.msk [tilespmem:v8+s25+$0x0], $0xffff  }
0x10b: {  	v48 =	vld [tilespmem:s31+$0x220];
	v28 =	vmul.f32 v40, v30;
	v54 =	vsel vm5, $0x0, v24;
	v33 =	vbroadcast v33, $0xF  }
0x10c: {  	v50 =	vld [tilespmem:s31+$0x230];
	v29 =	vmul.f32 v41, v30;
	v47, _, _ =	vpop (xrf2);
	(xrf2) =	vadd.scan.msk.f32 $0xffff, v54  }
0x10d: {  	v45 =	vld [tilespmem:s31+$0x200];
	v56 =	vsel vm5, $0x0, v25;
	[tilespmem:s31+$0x33C0] =	vst v28;
	v49 =	vmul.f32 v43, v33;
	v52, _, _ =	vpop (xrf2)  }
0x10e: {  	v46 =	vld [tilespmem:s31+$0x210];
	v58 =	vsel vm5, $0x0, v26;
	(xrf2) =	vadd.scan.msk.f32 $0xffff, v56;
	[tilespmem:s31+$0x33D0] =	vst v29;
	v29 =	vbroadcast v52, $0xF  }
0x10f: {  	v32 =	vmul.f32 v44, v33;
	[tilespmem:s31+$0x33E0] =	vst v49;
	(xrf2) =	vadd.scan.msk.f32 $0xffff, v58;
	v27 =	vnsel vm1, $0x0, v27  }
0x110: {  	[tilespmem:s31+$0x33B0] =	vst v27;
	v27 =	vbroadcast v47, $0xF;
	v55 =	vmul.f32 v48, v29  }
0x111: {  	[tilespmem:s31+$0x33F0] =	vst v32;
	v57 =	vmul.f32 v50, v29  }
0x112: {  	v59 =	vld [tilespmem:s31+$0x250];
	v53 =	vmul.f32 v45, v27;
	[tilespmem:s31+$0x3420] =	vst v55  }
0x113: {  	v60 =	vld [tilespmem:s31+$0x260];
	v27 =	vmul.f32 v46, v27;
	[tilespmem:s31+$0x3430] =	vst v57  }
0x114: {  	v62 =	vld [tilespmem:s31+$0x270];
	v61, _, _ =	vpop (xrf2);
	[tilespmem:s31+$0x3400] =	vst v53  }
0x115: {  	v63 =	vld [tilespmem:s31+$0x280];
	v30 =	vbroadcast v61, $0xF;
	v46 =	vsel vm6, $0x0, v23;
	[tilespmem:s31+$0x3410] =	vst v27  }
0x116: {  	v33, _, _ =	vpop (xrf2);
	(xrf2) =	vadd.scan.msk.f32 $0xffff, v46;
	v27 =	vld.idx.msk [tilespmem:v9+s25+$0x0], $0xffff  }
0x117: {  	v43 =	vld [tilespmem:s31+$0x2B0];
	v49 =	vsel vm6, $0x0, v24;
	v28 =	vmul.f32 v59, v30;
	v33 =	vbroadcast v33, $0xF  }
0x118: {  	v29 =	vmul.f32 v60, v30;
	v45 =	vld [tilespmem:s31+$0x2C0];
	v42, _, _ =	vpop (xrf2);
	(xrf2) =	vadd.scan.msk.f32 $0xffff, v49  }
0x119: {  	v51 =	vsel vm6, $0x0, v25;
	v40 =	vld [tilespmem:s31+$0x290];
	[tilespmem:s31+$0x3450] =	vst v28;
	v44 =	vmul.f32 v62, v33;
	v47, _, _ =	vpop (xrf2)  }
0x11a: {  	v41 =	vld [tilespmem:s31+$0x2A0];
	v53 =	vsel vm6, $0x0, v26;
	[tilespmem:s31+$0x3460] =	vst v29;
	(xrf2) =	vadd.scan.msk.f32 $0xffff, v51;
	v29 =	vbroadcast v47, $0xF  }
0x11b: {  	v32 =	vmul.f32 v63, v33;
	[tilespmem:s31+$0x3470] =	vst v44;
	(xrf2) =	vadd.scan.msk.f32 $0xffff, v53;
	v27 =	vnsel vm1, $0x0, v27  }
0x11c: {  	v50 =	vmul.f32 v43, v29;
	[tilespmem:s31+$0x3440] =	vst v27;
	v27 =	vbroadcast v42, $0xF  }
0x11d: {  	[tilespmem:s31+$0x3480] =	vst v32;
	v52 =	vmul.f32 v45, v29  }
0x11e: {  	v54 =	vld [tilespmem:s31+$0x2E0];
	[tilespmem:s31+$0x34B0] =	vst v50;
	v48 =	vmul.f32 v40, v27  }
0x11f: {  	v55 =	vld [tilespmem:s31+$0x2F0];
	[tilespmem:s31+$0x34C0] =	vst v52;
	v27 =	vmul.f32 v41, v27  }
0x120: {  	v57 =	vld [tilespmem:s31+$0x300];
	v56, _, _ =	vpop (xrf2);
	[tilespmem:s31+$0x3490] =	vst v48  }
0x121: {  	v58 =	vld [tilespmem:s31+$0x310];
	v41 =	vsel vm7, $0x0, v23;
	v30 =	vbroadcast v56, $0xF;
	[tilespmem:s31+$0x34A0] =	vst v27  }
0x122: {  	v33, _, _ =	vpop (xrf2);
	(xrf2) =	vadd.scan.msk.f32 $0xffff, v41;
	v27 =	vld.idx.msk [tilespmem:v10+s25+$0x0], $0xffff  }
0x123: {  	v62 =	vld [tilespmem:s31+$0x340];
	v44 =	vsel vm7, $0x0, v24;
	v33 =	vbroadcast v33, $0xF;
	v28 =	vmul.f32 v54, v30  }
0x124: {  	v40 =	vld [tilespmem:s31+$0x350];
	v61, _, _ =	vpop (xrf2);
	(xrf2) =	vadd.scan.msk.f32 $0xffff, v44;
	v29 =	vmul.f32 v55, v30  }
0x125: {  	v59 =	vld [tilespmem:s31+$0x320];
	v46 =	vsel vm7, $0x0, v25;
	v63 =	vmul.f32 v57, v33;
	v42, _, _ =	vpop (xrf2);
	[tilespmem:s31+$0x34E0] =	vst v28  }
0x126: {  	v60 =	vld [tilespmem:s31+$0x330];
	v48 =	vsel vm7, $0x0, v26;
	(xrf2) =	vadd.scan.msk.f32 $0xffff, v46;
	[tilespmem:s31+$0x34F0] =	vst v29;
	v29 =	vbroadcast v42, $0xF  }
0x127: {  	v32 =	vmul.f32 v58, v33;
	(xrf2) =	vadd.scan.msk.f32 $0xffff, v48;
	[tilespmem:s31+$0x3500] =	vst v63;
	v27 =	vnsel vm1, $0x0, v27  }
0x128: {  	v45 =	vmul.f32 v62, v29;
	[tilespmem:s31+$0x34D0] =	vst v27;
	v27 =	vbroadcast v61, $0xF  }
0x129: {  	[tilespmem:s31+$0x3510] =	vst v32;
	v47 =	vmul.f32 v40, v29  }
0x12a: {  	v49 =	vld [tilespmem:s31+$0x370];
	[tilespmem:s31+$0x3540] =	vst v45;
	v43 =	vmul.f32 v59, v27  }
0x12b: {  	v50 =	vld [tilespmem:s31+$0x380];
	[tilespmem:s31+$0x3550] =	vst v47;
	v27 =	vmul.f32 v60, v27  }
0x12c: {  	v52 =	vld [tilespmem:s31+$0x390];
	v51, _, _ =	vpop (xrf2);
	[tilespmem:s31+$0x3520] =	vst v43  }
0x12d: {  	v53 =	vld [tilespmem:s31+$0x3A0];
	v60 =	vsel vm8, $0x0, v23;
	v30 =	vbroadcast v51, $0xF;
	[tilespmem:s31+$0x3530] =	vst v27  }
0x12e: {  	v33, _, _ =	vpop (xrf2);
	(xrf2) =	vadd.scan.msk.f32 $0xffff, v60;
	v27 =	vld.idx.msk [tilespmem:v11+s25+$0x0], $0xffff  }
0x12f: {  	v57 =	vld [tilespmem:s31+$0x3D0];
	v63 =	vsel vm8, $0x0, v24;
	v33 =	vbroadcast v33, $0xF;
	v28 =	vmul.f32 v49, v30  }
0x130: {  	v59 =	vld [tilespmem:s31+$0x3E0];
	v56, _, _ =	vpop (xrf2);
	(xrf2) =	vadd.scan.msk.f32 $0xffff, v63;
	v29 =	vmul.f32 v50, v30  }
0x131: {  	v36 =	vsel vm8, $0x0, v25;
	v54 =	vld [tilespmem:s31+$0x3B0];
	v61, _, _ =	vpop (xrf2);
	v58 =	vmul.f32 v52, v33;
	[tilespmem:s31+$0x3570] =	vst v28  }
0x132: {  	v38 =	vsel vm8, $0x0, v26;
	v55 =	vld [tilespmem:s31+$0x3C0];
	(xrf2) =	vadd.scan.msk.f32 $0xffff, v36;
	[tilespmem:s31+$0x3580] =	vst v29;
	v29 =	vbroadcast v61, $0xF  }
0x133: {  	v32 =	vmul.f32 v53, v33;
	(xrf2) =	vadd.scan.msk.f32 $0xffff, v38;
	[tilespmem:s31+$0x3590] =	vst v58;
	v27 =	vnsel vm1, $0x0, v27  }
0x134: {  	v35 =	vmul.f32 v57, v29;
	[tilespmem:s31+$0x3560] =	vst v27;
	v27 =	vbroadcast v56, $0xF  }
0x135: {  	[tilespmem:s31+$0x35A0] =	vst v32;
	v37 =	vmul.f32 v59, v29  }
0x136: {  	v39 =	vld [tilespmem:s31+$0x400];
	[tilespmem:s31+$0x35D0] =	vst v35;
	v62 =	vmul.f32 v54, v27  }
0x137: {  	v40 =	vld [tilespmem:s31+$0x410];
	[tilespmem:s31+$0x35E0] =	vst v37;
	v27 =	vmul.f32 v55, v27  }
0x138: {  	v42 =	vld [tilespmem:s31+$0x420];
	v41, _, _ =	vpop (xrf2);
	[tilespmem:s31+$0x35B0] =	vst v62  }
0x139: {  	v43 =	vld [tilespmem:s31+$0x430];
	v50 =	vsel vm9, $0x0, v23;
	v30 =	vbroadcast v41, $0xF;
	[tilespmem:s31+$0x35C0] =	vst v27  }
0x13a: {  	(xrf2) =	vadd.scan.msk.f32 $0xffff, v50;
	v33, _, _ =	vpop (xrf2);
	v27 =	vld.idx.msk [tilespmem:v12+s25+$0x0], $0xffff  }
0x13b: {  	v47 =	vld [tilespmem:s31+$0x460];
	v53 =	vsel vm9, $0x0, v24;
	v33 =	vbroadcast v33, $0xF;
	v28 =	vmul.f32 v39, v30  }
0x13c: {  	v49 =	vld [tilespmem:s31+$0x470];
	(xrf2) =	vadd.scan.msk.f32 $0xffff, v53;
	v46, _, _ =	vpop (xrf2);
	v29 =	vmul.f32 v40, v30  }
0x13d: {  	v44 =	vld [tilespmem:s31+$0x440];
	v55 =	vsel vm9, $0x0, v25;
	v51, _, _ =	vpop (xrf2);
	v48 =	vmul.f32 v42, v33;
	[tilespmem:s31+$0x3600] =	vst v28  }
0x13e: {  	v45 =	vld [tilespmem:s31+$0x450];
	v57 =	vsel vm9, $0x0, v26;
	(xrf2) =	vadd.scan.msk.f32 $0xffff, v55;
	[tilespmem:s31+$0x3610] =	vst v29;
	v29 =	vbroadcast v51, $0xF  }
0x13f: {  	(xrf2) =	vadd.scan.msk.f32 $0xffff, v57;
	v32 =	vmul.f32 v43, v33;
	[tilespmem:s31+$0x3620] =	vst v48;
	v27 =	vnsel vm1, $0x0, v27  }
0x140: {  	v54 =	vmul.f32 v47, v29;
	[tilespmem:s31+$0x35F0] =	vst v27;
	v27 =	vbroadcast v46, $0xF  }
0x141: {  	[tilespmem:s31+$0x3630] =	vst v32;
	v56 =	vmul.f32 v49, v29  }
0x142: {  	v58 =	vld [tilespmem:s31+$0x490];
	[tilespmem:s31+$0x3660] =	vst v54;
	v52 =	vmul.f32 v44, v27  }
0x143: {  	v59 =	vld [tilespmem:s31+$0x4A0];
	[tilespmem:s31+$0x3670] =	vst v56;
	v27 =	vmul.f32 v45, v27  }
0x144: {  	v61 =	vld [tilespmem:s31+$0x4B0];
	v60, _, _ =	vpop (xrf2);
	[tilespmem:s31+$0x3640] =	vst v52  }
0x145: {  	v62 =	vld [tilespmem:s31+$0x4C0];
	v30 =	vbroadcast v60, $0xF;
	v45 =	vsel vm10, $0x0, v23;
	[tilespmem:s31+$0x3650] =	vst v27  }
0x146: {  	v33, _, _ =	vpop (xrf2);
	(xrf2) =	vadd.scan.msk.f32 $0xffff, v45;
	v27 =	vld.idx.msk [tilespmem:v13+s25+$0x0], $0xffff  }
0x147: {  	v42 =	vld [tilespmem:s31+$0x4F0];
	v48 =	vsel vm10, $0x0, v24;
	v33 =	vbroadcast v33, $0xF;
	v28 =	vmul.f32 v58, v30  }
0x148: {  	v44 =	vld [tilespmem:s31+$0x500];
	v41, _, _ =	vpop (xrf2);
	v29 =	vmul.f32 v59, v30;
	(xrf2) =	vadd.scan.msk.f32 $0xffff, v48  }
0x149: {  	v63 =	vld [tilespmem:s31+$0x4D0];
	v50 =	vsel vm10, $0x0, v25;
	v46, _, _ =	vpop (xrf2);
	v43 =	vmul.f32 v61, v33;
	[tilespmem:s31+$0x3690] =	vst v28  }
0x14a: {  	v40 =	vld [tilespmem:s31+$0x4E0];
	v52 =	vsel vm10, $0x0, v26;
	(xrf2) =	vadd.scan.msk.f32 $0xffff, v50;
	[tilespmem:s31+$0x36A0] =	vst v29;
	v29 =	vbroadcast v46, $0xF  }
0x14b: {  	v32 =	vmul.f32 v62, v33;
	(xrf2) =	vadd.scan.msk.f32 $0xffff, v52;
	[tilespmem:s31+$0x36B0] =	vst v43;
	v27 =	vnsel vm1, $0x0, v27  }
0x14c: {  	v49 =	vmul.f32 v42, v29;
	[tilespmem:s31+$0x3680] =	vst v27;
	v27 =	vbroadcast v41, $0xF  }
0x14d: {  	[tilespmem:s31+$0x36C0] =	vst v32;
	v51 =	vmul.f32 v44, v29  }
0x14e: {  	v53 =	vld [tilespmem:s31+$0x520];
	[tilespmem:s31+$0x36F0] =	vst v49;
	v47 =	vmul.f32 v63, v27  }
0x14f: {  	v54 =	vld [tilespmem:s31+$0x530];
	[tilespmem:s31+$0x3700] =	vst v51;
	v27 =	vmul.f32 v40, v27  }
0x150: {  	v56 =	vld [tilespmem:s31+$0x540];
	v55, _, _ =	vpop (xrf2);
	[tilespmem:s31+$0x36D0] =	vst v47  }
0x151: {  	v57 =	vld [tilespmem:s31+$0x550];
	v40 =	vsel vm11, $0x0, v23;
	v30 =	vbroadcast v55, $0xF;
	[tilespmem:s31+$0x36E0] =	vst v27  }
0x152: {  	v33, _, _ =	vpop (xrf2);
	(xrf2) =	vadd.scan.msk.f32 $0xffff, v40;
	v27 =	vld.idx.msk [tilespmem:v14+s25+$0x0], $0xffff  }
0x153: {  	v61 =	vld [tilespmem:s31+$0x580];
	v43 =	vsel vm11, $0x0, v24;
	v33 =	vbroadcast v33, $0xF;
	v28 =	vmul.f32 v53, v30  }
0x154: {  	v63 =	vld [tilespmem:s31+$0x590];
	v60, _, _ =	vpop (xrf2);
	(xrf2) =	vadd.scan.msk.f32 $0xffff, v43;
	v29 =	vmul.f32 v54, v30  }
0x155: {  	v45 =	vsel vm11, $0x0, v25;
	v58 =	vld [tilespmem:s31+$0x560];
	v41, _, _ =	vpop (xrf2);
	v62 =	vmul.f32 v56, v33;
	[tilespmem:s31+$0x3720] =	vst v28  }
0x156: {  	v59 =	vld [tilespmem:s31+$0x570];
	v47 =	vsel vm11, $0x0, v26;
	(xrf2) =	vadd.scan.msk.f32 $0xffff, v45;
	[tilespmem:s31+$0x3730] =	vst v29;
	v29 =	vbroadcast v41, $0xF  }
0x157: {  	v32 =	vmul.f32 v57, v33;
	(xrf2) =	vadd.scan.msk.f32 $0xffff, v47;
	[tilespmem:s31+$0x3740] =	vst v62;
	v27 =	vnsel vm1, $0x0, v27  }
0x158: {  	v44 =	vmul.f32 v61, v29;
	[tilespmem:s31+$0x3710] =	vst v27;
	v27 =	vbroadcast v60, $0xF  }
0x159: {  	v48 =	vld [tilespmem:s31+$0x5B0];
	[tilespmem:s31+$0x3750] =	vst v32;
	v46 =	vmul.f32 v63, v29  }
0x15a: {  	v52 =	vld [tilespmem:s31+$0x5E0];
	[tilespmem:s31+$0x3780] =	vst v44;
	v42 =	vmul.f32 v58, v27  }
0x15b: {  	v49 =	vld [tilespmem:s31+$0x5C0];
	[tilespmem:s31+$0x3790] =	vst v46;
	v27 =	vmul.f32 v59, v27  }
0x15c: {  	v51 =	vld [tilespmem:s31+$0x5D0];
	v50, _, _ =	vpop (xrf2);
	[tilespmem:s31+$0x3760] =	vst v42  }
0x15d: {  	v59 =	vsel vm12, $0x0, v23;
	v30 =	vbroadcast v50, $0xF;
	[tilespmem:s31+$0x3770] =	vst v27  }
0x15e: {  	v33, _, _ =	vpop (xrf2);
	(xrf2) =	vadd.scan.msk.f32 $0xffff, v59;
	v27 =	vld.idx.msk [tilespmem:v15+s25+$0x0], $0xffff  }
0x15f: {  	v56 =	vld [tilespmem:s31+$0x610];
	v62 =	vsel vm12, $0x0, v24;
	v33 =	vbroadcast v33, $0xF;
	v28 =	vmul.f32 v48, v30  }
0x160: {  	v58 =	vld [tilespmem:s31+$0x620];
	v55, _, _ =	vpop (xrf2);
	(xrf2) =	vadd.scan.msk.f32 $0xffff, v62;
	v29 =	vmul.f32 v49, v30  }
0x161: {  	v53 =	vld [tilespmem:s31+$0x5F0];
	v60, _, _ =	vpop (xrf2);
	v57 =	vmul.f32 v51, v33;
	v32 =	vmul.f32 v52, v33;
	v33 =	vsel vm12, $0x0, v25;
	[tilespmem:s31+$0x37B0] =	vst v28  }
0x162: {  	v35 =	vsel vm12, $0x0, v26;
	v54 =	vld [tilespmem:s31+$0x600];
	[tilespmem:s31+$0x37C0] =	vst v29;
	v29 =	vbroadcast v60, $0xF;
	(xrf2) =	vadd.scan.msk.f32 $0xffff, v33  }
0x163: {  	[tilespmem:s31+$0x37D0] =	vst v57;
	(xrf2) =	vadd.scan.msk.f32 $0xffff, v35;
	v27 =	vnsel vm1, $0x0, v27  }
0x164: {  	v63 =	vmul.f32 v56, v29;
	[tilespmem:s31+$0x37A0] =	vst v27;
	v27 =	vbroadcast v55, $0xF  }
0x165: {  	[tilespmem:s31+$0x37E0] =	vst v32;
	v34 =	vmul.f32 v58, v29  }
0x166: {  	v36 =	vld [tilespmem:s31+$0x640];
	[tilespmem:s31+$0x3810] =	vst v63;
	v61 =	vmul.f32 v53, v27  }
0x167: {  	v37 =	vld [tilespmem:s31+$0x650];
	[tilespmem:s31+$0x3820] =	vst v34;
	v27 =	vmul.f32 v54, v27  }
0x168: {  	v39 =	vld [tilespmem:s31+$0x660];
	v38, _, _ =	vpop (xrf2);
	[tilespmem:s31+$0x37F0] =	vst v61  }
0x169: {  	v40 =	vld [tilespmem:s31+$0x670];
	v47 =	vsel vm13, $0x0, v23;
	v30 =	vbroadcast v38, $0xF;
	[tilespmem:s31+$0x3800] =	vst v27  }
0x16a: {  	(xrf2) =	vadd.scan.msk.f32 $0xffff, v47;
	v33, _, _ =	vpop (xrf2);
	v27 =	vld.idx.msk [tilespmem:v16+s25+$0x0], $0xffff  }
0x16b: {  	v44 =	vld [tilespmem:s31+$0x6A0];
	v50 =	vsel vm13, $0x0, v24;
	v33 =	vbroadcast v33, $0xF;
	v28 =	vmul.f32 v36, v30  }
0x16c: {  	v46 =	vld [tilespmem:s31+$0x6B0];
	(xrf2) =	vadd.scan.msk.f32 $0xffff, v50;
	v29 =	vmul.f32 v37, v30;
	v43, _, _ =	vpop (xrf2)  }
0x16d: {  	v41 =	vld [tilespmem:s31+$0x680];
	v52 =	vsel vm13, $0x0, v25;
	v45 =	vmul.f32 v39, v33;
	[tilespmem:s31+$0x3840] =	vst v28;
	v48, _, _ =	vpop (xrf2)  }
0x16e: {  	v42 =	vld [tilespmem:s31+$0x690];
	v54 =	vsel vm13, $0x0, v26;
	(xrf2) =	vadd.scan.msk.f32 $0xffff, v52;
	[tilespmem:s31+$0x3850] =	vst v29;
	v29 =	vbroadcast v48, $0xF  }
0x16f: {  	v32 =	vmul.f32 v40, v33;
	(xrf2) =	vadd.scan.msk.f32 $0xffff, v54;
	[tilespmem:s31+$0x3860] =	vst v45;
	v27 =	vnsel vm1, $0x0, v27  }
0x170: {  	v51 =	vmul.f32 v44, v29;
	[tilespmem:s31+$0x3830] =	vst v27;
	v27 =	vbroadcast v43, $0xF  }
0x171: {  	[tilespmem:s31+$0x3870] =	vst v32;
	v53 =	vmul.f32 v46, v29  }
0x172: {  	v55 =	vld [tilespmem:s31+$0x6D0];
	[tilespmem:s31+$0x38A0] =	vst v51;
	v49 =	vmul.f32 v41, v27  }
0x173: {  	v56 =	vld [tilespmem:s31+$0x6E0];
	[tilespmem:s31+$0x38B0] =	vst v53;
	v27 =	vmul.f32 v42, v27  }
0x174: {  	v58 =	vld [tilespmem:s31+$0x6F0];
	v57, _, _ =	vpop (xrf2);
	[tilespmem:s31+$0x3880] =	vst v49  }
0x175: {  	v59 =	vld [tilespmem:s31+$0x700];
	v30 =	vbroadcast v57, $0xF;
	v42 =	vsel vm14, $0x0, v23;
	[tilespmem:s31+$0x3890] =	vst v27  }
0x176: {  	v33, _, _ =	vpop (xrf2);
	(xrf2) =	vadd.scan.msk.f32 $0xffff, v42;
	v27 =	vld.idx.msk [tilespmem:v17+s25+$0x0], $0xffff  }
0x177: {  	v63 =	vld [tilespmem:s31+$0x730];
	v45 =	vsel vm14, $0x0, v24;
	v33 =	vbroadcast v33, $0xF;
	v28 =	vmul.f32 v55, v30  }
0x178: {  	v41 =	vld [tilespmem:s31+$0x740];
	v29 =	vmul.f32 v56, v30;
	(xrf2) =	vadd.scan.msk.f32 $0xffff, v45;
	v62, _, _ =	vpop (xrf2)  }
0x179: {  	v60 =	vld [tilespmem:s31+$0x710];
	v47 =	vsel vm14, $0x0, v25;
	v40 =	vmul.f32 v58, v33;
	[tilespmem:s31+$0x38D0] =	vst v28;
	v43, _, _ =	vpop (xrf2)  }
0x17a: {  	v61 =	vld [tilespmem:s31+$0x720];
	v49 =	vsel vm14, $0x0, v26;
	(xrf2) =	vadd.scan.msk.f32 $0xffff, v47;
	[tilespmem:s31+$0x38E0] =	vst v29;
	v29 =	vbroadcast v43, $0xF  }
0x17b: {  	v32 =	vmul.f32 v59, v33;
	(xrf2) =	vadd.scan.msk.f32 $0xffff, v49;
	[tilespmem:s31+$0x38F0] =	vst v40;
	v27 =	vnsel vm1, $0x0, v27  }
0x17c: {  	v46 =	vmul.f32 v63, v29;
	[tilespmem:s31+$0x38C0] =	vst v27;
	v27 =	vbroadcast v62, $0xF  }
0x17d: {  	[tilespmem:s31+$0x3900] =	vst v32;
	v48 =	vmul.f32 v41, v29  }
0x17e: {  	v50 =	vld [tilespmem:s31+$0x760];
	[tilespmem:s31+$0x3930] =	vst v46;
	v44 =	vmul.f32 v60, v27  }
0x17f: {  	v51 =	vld [tilespmem:s31+$0x770];
	[tilespmem:s31+$0x3940] =	vst v48;
	v27 =	vmul.f32 v61, v27  }
0x180: {  	v53 =	vld [tilespmem:s31+$0x780];
	v52, _, _ =	vpop (xrf2);
	[tilespmem:s31+$0x3910] =	vst v44  }
0x181: {  	v54 =	vld [tilespmem:s31+$0x790];
	v61 =	vsel vm15, $0x0, v23;
	v30 =	vbroadcast v52, $0xF;
	[tilespmem:s31+$0x3920] =	vst v27  }
0x182: {  	v33, _, _ =	vpop (xrf2);
	(xrf2) =	vadd.scan.msk.f32 $0xffff, v61;
	v27 =	vld.idx.msk [tilespmem:v18+s25+$0x0], $0xffff  }
0x183: {  	v36 =	vsel vm15, $0x0, v24;
	v58 =	vld [tilespmem:s31+$0x7C0];
	v33 =	vbroadcast v33, $0xF;
	v28 =	vmul.f32 v50, v30  }
0x184: {  	v60 =	vld [tilespmem:s31+$0x7D0];
	v57, _, _ =	vpop (xrf2);
	(xrf2) =	vadd.scan.msk.f32 $0xffff, v36;
	v29 =	vmul.f32 v51, v30  }
0x185: {  	v38 =	vsel vm15, $0x0, v25;
	v55 =	vld [tilespmem:s31+$0x7A0];
	v62, _, _ =	vpop (xrf2);
	v59 =	vmul.f32 v53, v33;
	[tilespmem:s31+$0x3960] =	vst v28  }
0x186: {  	v56 =	vld [tilespmem:s31+$0x7B0];
	v40 =	vsel vm15, $0x0, v26;
	(xrf2) =	vadd.scan.msk.f32 $0xffff, v38;
	[tilespmem:s31+$0x3970] =	vst v29;
	v29 =	vbroadcast v62, $0xF  }
0x187: {  	v32 =	vmul.f32 v54, v33;
	(xrf2) =	vadd.scan.msk.f32 $0xffff, v40;
	[tilespmem:s31+$0x3980] =	vst v59;
	v27 =	vnsel vm1, $0x0, v27  }
0x188: {  	v37 =	vmul.f32 v58, v29;
	[tilespmem:s31+$0x3950] =	vst v27;
	v27 =	vbroadcast v57, $0xF  }
0x189: {  	[tilespmem:s31+$0x3990] =	vst v32;
	v39 =	vmul.f32 v60, v29  }
0x18a: {  	v41 =	vld [tilespmem:s31+$0x7F0];
	[tilespmem:s31+$0x39C0] =	vst v37;
	v63 =	vmul.f32 v55, v27  }
0x18b: {  	v42 =	vld [tilespmem:s31+$0x800];
	[tilespmem:s31+$0x39D0] =	vst v39;
	v27 =	vmul.f32 v56, v27  }
0x18c: {  	vm2 =	vcmask $0x373C;
	v44 =	vld [tilespmem:s31+$0x810];
	v43, _, _ =	vpop (xrf2);
	[tilespmem:s31+$0x39A0] =	vst v63  }
0x18d: {  	v45 =	vld [tilespmem:s31+$0x820];
	v52 =	vsel vm2, $0x0, v23;
	v30 =	vbroadcast v43, $0xF;
	[tilespmem:s31+$0x39B0] =	vst v27  }
0x18e: {  	(xrf2) =	vadd.scan.msk.f32 $0xffff, v52;
	v33, _, _ =	vpop (xrf2);
	v27 =	vld.idx.msk [tilespmem:v19+s25+$0x0], $0xffff  }
0x18f: {  	v49 =	vld [tilespmem:s31+$0x850];
	v56 =	vsel vm2, $0x0, v24;
	v33 =	vbroadcast v33, $0xF;
	v28 =	vmul.f32 v41, v30  }
0x190: {  	v51 =	vld [tilespmem:s31+$0x860];
	(xrf2) =	vadd.scan.msk.f32 $0xffff, v56;
	v48, _, _ =	vpop (xrf2);
	v29 =	vmul.f32 v42, v30  }
0x191: {  	v46 =	vld [tilespmem:s31+$0x830];
	v58 =	vsel vm2, $0x0, v25;
	v54, _, _ =	vpop (xrf2);
	v50 =	vmul.f32 v44, v33;
	[tilespmem:s31+$0x39F0] =	vst v28  }
0x192: {  	v47 =	vld [tilespmem:s31+$0x840];
	v60 =	vsel vm2, $0x0, v26;
	(xrf2) =	vadd.scan.msk.f32 $0xffff, v58;
	v32 =	vbroadcast v54, $0xF;
	[tilespmem:s31+$0x3A00] =	vst v29  }
0x193: {  	(xrf2) =	vadd.scan.msk.f32 $0xffff, v60;
	v53 =	vmul.f32 v45, v33;
	[tilespmem:s31+$0x3A10] =	vst v50;
	v27 =	vnsel vm1, $0x0, v27  }
0x194: {  	v61 =	vld [tilespmem:$0x1FFF0];
	v57 =	vmul.f32 v49, v32;
	[tilespmem:s31+$0x39E0] =	vst v27;
	v27 =	vbroadcast v48, $0xF  }
0x195: {  	[tilespmem:s31+$0x3A20] =	vst v53;
	v59 =	vmul.f32 v51, v32  }
0x196: {  	v62 =	vld [tilespmem:s31+$0x880];
	[tilespmem:s31+$0x3A50] =	vst v57;
	v55 =	vmul.f32 v46, v27  }
0x197: {  	v63 =	vld [tilespmem:s31+$0x890];
	[tilespmem:s31+$0x3A60] =	vst v59;
	v27 =	vmul.f32 v47, v27  }
0x198: {  	v37 =	vld [tilespmem:s31+$0x8A0];
	v36, _, _ =	vpop (xrf2);
	[tilespmem:s31+$0x3A30] =	vst v55  }
0x199: {  	v38 =	vld [tilespmem:s31+$0x8B0];
	vm2 =	vnez.u8 v61;
	v30 =	vbroadcast v36, $0xF;
	[tilespmem:s31+$0x3A40] =	vst v27  }
0x19a: {  	v23 =	vsel vm2, $0x0, v23;
	v33, _, _ =	vpop (xrf2);
	v27 =	vld.idx.msk [tilespmem:v20+s25+$0x0], $0xffff  }
0x19b: {  	v42 =	vld [tilespmem:s31+$0x8E0];
	v33 =	vbroadcast v33, $0xF;
	v28 =	vmul.f32 v62, v30  }
0x19c: {  	v44 =	vld [tilespmem:s31+$0x8F0];
	v41, _, _ =	vpop (xrf2);
	v29 =	vmul.f32 v63, v30  }
0x19d: {  	v39 =	vld [tilespmem:s31+$0x8C0];
	(xrf2) =	vadd.scan.msk.f32 $0xffff, v23;
	v23, _, _ =	vpop (xrf2);
	v43 =	vmul.f32 v37, v33;
	[tilespmem:s31+$0x3A80] =	vst v28  }
0x19e: {  	v40 =	vld [tilespmem:s31+$0x8D0];
	v23 =	vbroadcast v23, $0xF;
	[tilespmem:s31+$0x3A90] =	vst v29  }
0x19f: {  	v45 =	vmul.f32 v38, v33;
	[tilespmem:s31+$0x3AA0] =	vst v43;
	v27 =	vnsel vm1, $0x0, v27  }
0x1a0: {  	v47 =	vmul.f32 v42, v23;
	[tilespmem:s31+$0x3A70] =	vst v27;
	v27 =	vbroadcast v41, $0xF  }
0x1a1: {  	v24 =	vsel vm2, $0x0, v24;
	[tilespmem:s31+$0x3AB0] =	vst v45;
	v23 =	vmul.f32 v44, v23  }
0x1a2: {  	(xrf2) =	vadd.scan.msk.f32 $0xffff, v24;
	[tilespmem:s31+$0x3AE0] =	vst v47;
	v46 =	vmul.f32 v39, v27  }
0x1a3: {  	v25 =	vsel vm2, $0x0, v25;
	[tilespmem:s31+$0x3AF0] =	vst v23;
	v27 =	vmul.f32 v40, v27  }
0x1a4: {  	(xrf2) =	vadd.scan.msk.f32 $0xffff, v25;
	[tilespmem:s31+$0x3AC0] =	vst v46  }
0x1a5: {  	v48 =	vsel vm2, $0x0, v26;
	[tilespmem:s31+$0x3AD0] =	vst v27  }
0x1a6: {  	(xrf2) =	vadd.scan.msk.f32 $0xffff, v48;
	v23 =	vld.idx.msk [tilespmem:v21+s25+$0x0], $0xffff  }
0x1a7: {  	v50 =	vld [tilespmem:s31+$0x920]  }
0x1a8: {  	v49 =	vld [tilespmem:s31+$0x910]  }
0x1a9: {  	v51, _, _ =	vpop (xrf2)  }
0x1aa: {  	v52 =	vld [tilespmem:s31+$0x930];
	v26 =	vbroadcast v51, $0xF  }
0x1ab: {  	v53 =	vld [tilespmem:s31+$0x940];
	v23 =	vnsel vm1, $0x0, v23  }
0x1ac: {  	v55 =	vld [tilespmem:s31+$0x950];
	v54, _, _ =	vpop (xrf2);
	[tilespmem:s31+$0x3B00] =	vst v23;
	v23 =	vmul.f32 v50, v26  }
0x1ad: {  	v56 =	vld [tilespmem:s31+$0x960];
	v29 =	vbroadcast v54, $0xF;
	v24 =	vmul.f32 v49, v26  }
0x1ae: {  	v58 =	vld [tilespmem:s31+$0x970];
	v57, _, _ =	vpop (xrf2)  }
0x1af: {  	v61 =	vld [tilespmem:s31+$0x980];
	v59 =	vbroadcast v57, $0xF;
	v60 =	vmul.f32 v52, v29;
	[tilespmem:s31+$0x3B10] =	vst v24  }
0x1b0: {  	v28 =	vmul.f32 v53, v29;
	[tilespmem:s31+$0x3B20] =	vst v23;
	v23, _, _ =	vpop (xrf2)  }
0x1b1: {  	v62 =	vmul.f32 v55, v59;
	[tilespmem:s31+$0x3B30] =	vst v60;
	v23 =	vbroadcast v23, $0xF  }
0x1b2: {  	[tilespmem:s31+$0x3B40] =	vst v28;
	v26 =	vmul.f32 v56, v59  }
0x1b3: {  	[tilespmem:s31+$0x3B50] =	vst v62;
	v63 =	vmul.f32 v58, v23  }
0x1b4: {  	[tilespmem:s31+$0x3B60] =	vst v26;
	v23 =	vmul.f32 v61, v23  }
0x1b5: {  	[tilespmem:s31+$0x3B70] =	vst v63  }
0x1b6: {  	[tilespmem:s31+$0x3B80] =	vst v23  }
0x1b7: {  	v23 =	vld.idx.msk [tilespmem:v22+s25+$0x0], $0xffff  }
0x1b8: {  	p1 =	sne.s32 s29, $0x4  }
.Ltmp1:
0x1b9: {  	_ = 	snop;
	(pc) =	sbr.rel @p1 .LBB2_5-.Ltmp1, $3  }
0x1ba: {  	_ =	sdelay $0x1  }
0x1bb: {  	v23 =	vnsel vm1, $0x0, v23  }
0x1bc: {  	s29 =	sadd.s32 $0x1, s29;
	[tilespmem:s31+$0x3B90] =	vst v23  }
0x1bd: {  	s28 =	sadd.s32 $0x1, s28  }
0x1be: {  	p1 =	sne.s32 s28, $0xFA  }
.Ltmp2:
0x1bf: {  	_ = 	snop;
	(pc) =	sbr.rel @p1 .LBB2_4-.Ltmp2, $4  }
0x1c0: {  	[spmem:s1] =	stream.indirect.scatter.add.f32 [tilespmem:s18], [sflag:$0x3], $0x90, s20, s20, $0xb8;
	[tilespmem:$0x1C7E0] =	vst v63  }
0x1c1: {  	_ =	swait.ge [sflag:s19], $0x2D00  }
0x1c2: {  	[sflag:s19] =	ssyncset.done $0x0  }
0x1c3: {  	[sflag:s19] =	ssyncadd.s32 $0xFFFFD300  }
0x1c4: {  	[bflag:$0x0] =	sbarrier.arrive $0xFFFF  }
0x1c5: {  	s26 =	sshrl.u32 @!p0 s1, $0x3;
	s28 =	simm.s32 @!p0 $0x1C03;
	s2 =	sadd.s32 $0x1, s2  }
0x1c6: {  	[hbm:s8], [sflag:s28] =	dma.local @!p0 [spmem:s26], $0x2BF20  }
0x1c7: {  	p1 =	sne.s32 s2, s9  }
.Ltmp3:
0x1c8: {  	_ = 	snop;
	(pc) =	sbr.rel @p1 .LBB2_1-.Ltmp3, $4  }
0x1c9: {  	s26 =	simm.s32 @!p0 $0x3  }
0x1ca: {  	_ =	swait.ge @!p0 [sflag:s26], $0x2BF20  }
0x1cb: {  	[sflag:s26] =	ssyncset.done @!p0 $0x0  }
0x1cc: {  	[sflag:s26] =	ssyncadd.s32 @!p0 $0xFFFD40E0  }
0x1cd: {  	_ =	sfence.sel $0x180000  }
0x1ce: {  	[bflag:$0x0] =	sbarrier.arrive $0xFFFF  }
0x1cf: {  	_ =	strace $0x90000047  }
0x1d0: {  	s0 =	sadd.s32 @!p0 $0x100000, s0;
	[bflag:$0x2] =	sbarrier.arrive $0xFFFF  }
0x1d1: {  	[sflag:s0] =	ssyncadd.tile.s32 @!p0 $0x1;
	_ =	shalt  }
.Lfunc_end2:
_tile_overlayer_lowered:
.L_overlay_start_2:
0x1d2: {  	(tag) =	ssettag $0x2  }
0x1d3: {  	s0 =	rddreg [dreg:$0x0];
	s2 =	stileid.u32  }
0x1d4: {  	s1 =	rddreg [dreg:$0x1];
	p0 =	sne.s32 s2, $0x0  }
0x1d5: {  	s3 =	rddreg [dreg:$0x2];
	[bflag:$0x3] =	sbarrier.arrive $0xFFFF;
	s2 =	simm.s32 @!p0 $0x1C03  }
0x1d6: {  	[timem:s3], [sflag:s2] =	dma.local @!p0 [hbm:s0], s1  }
0x1d7: {  	s0 =	simm.s32 @!p0 $0x3  }
0x1d8: {  	_ =	swait.ge @!p0 [sflag:s0], s1  }
0x1d9: {  	s1 =	ssub.s32 @!p0 $0x0, s1;
	[sflag:s0] =	ssyncset.done @!p0 $0x0  }
0x1da: {  	[sflag:s0] =	ssyncadd.s32 @!p0 s1  }
0x1db: {  	[bflag:$0x3] =	sbarrier.arrive $0xFFFF  }
0x1dc: {  	_ =	shalt  }

</sc_bundles>
